<compile_context>
chip_gen: v7x
topology: tpu7x:2x2x1
jax: 0.10.2.dev20260603
libtpu: 0.0.44.dev20260713+nightly
codegen_flags: <defaults>
</compile_context>

<pallas_src>
import functools

import jax
import jax.numpy as jnp
from jax import lax
from jax.experimental import pallas as pl
from jax.experimental.pallas import tpu as pltpu
from jax.experimental.pallas import tpu_sc as plsc

N = 10000
E = 320000
F_IN = 128
DOUT = 32
R = 5
NB = 4
NR = N * R

NC = 2
NS = 16
NW = NC * NS
EPT = E // NW
CH = 80
NCH = EPT // CH
RPT = 3128
NRP = RPT * NS

_f32 = jnp.float32
_i32 = jnp.int32


def _bfr(a):
    return a.astype(jnp.bfloat16).astype(_f32)



def _sc_mesh():
    return plsc.VectorSubcoreMesh(core_axis_name="c", subcore_axis_name="s")


_SC_PARAMS = pltpu.CompilerParams(use_tc_tiling_on_sc=False)


def _count_body(src_h, dst_h, typ_h, ones_h, zeros_h,
                cnt_out, g_out, s_out,
                srcb, dstb, typb, gb, sb, onesb, acc):
    c = lax.axis_index("c")
    s = lax.axis_index("s")
    wid = c * NS + s
    ebase = wid * EPT

    pltpu.sync_copy(src_h.at[pl.ds(ebase, EPT)], srcb)
    pltpu.sync_copy(dst_h.at[pl.ds(ebase, EPT)], dstb)
    pltpu.sync_copy(typ_h.at[pl.ds(ebase, EPT)], typb)
    pltpu.sync_copy(ones_h, onesb)
    pltpu.sync_copy(zeros_h, acc.at[pl.ds(s * RPT, RPT)])

    def jbody(j, carry):
        for k in range(CH // 16):
            off = j * CH + k * 16
            sv = srcb[pl.ds(off, 16)]
            dv = dstb[pl.ds(off, 16)]
            tv = typb[pl.ds(off, 16)]
            gb[j, pl.ds(k * 16, 16)] = sv * R + tv
            sb[j, pl.ds(k * 16, 16)] = dv * R + tv
        return carry

    lax.fori_loop(0, NCH, jbody, 0)

    plsc.subcore_barrier()

    def sbody(j, carry):
        pltpu.sync_copy(onesb, acc.at[sb.at[j]], add=True)
        return carry

    lax.fori_loop(0, NCH, sbody, 0)

    plsc.subcore_barrier()

    pltpu.sync_copy(acc.at[pl.ds(s * RPT, RPT)],
                    cnt_out.at[c, pl.ds(s * RPT, RPT)])
    pltpu.sync_copy(gb, g_out.at[wid])
    pltpu.sync_copy(sb, s_out.at[wid])


def _sc_count(src, dst, typ, ones16, zeros16):
    return pl.kernel(
        _count_body,
        out_type=(
            jax.ShapeDtypeStruct((NC, NRP, 16), _f32),
            jax.ShapeDtypeStruct((NW, NCH, CH), _i32),
            jax.ShapeDtypeStruct((NW, NCH, CH), _i32),
        ),
        mesh=_sc_mesh(),
        compiler_params=_SC_PARAMS,
        scratch_types=[
            pltpu.VMEM((EPT,), _i32),
            pltpu.VMEM((EPT,), _i32),
            pltpu.VMEM((EPT,), _i32),
            pltpu.VMEM((NCH, CH), _i32),
            pltpu.VMEM((NCH, CH), _i32),
            pltpu.VMEM((CH, 16), _f32),
            pltpu.VMEM_SHARED((NRP, 16), _f32),
        ],
    )(src, dst, typ, ones16, zeros16)


def _pass_body(h_h, g_h, s_h, zeros_h, out0, out1,
               gb, sb, rows, acc, sem):
    c = lax.axis_index("c")
    s = lax.axis_index("s")
    wid = c * NS + s

    pltpu.sync_copy(zeros_h, acc.at[pl.ds(s * RPT, RPT)])
    pltpu.sync_copy(g_h.at[wid], gb)
    pltpu.sync_copy(s_h.at[wid], sb)

    plsc.subcore_barrier()

    def jbody(j, carry):
        pltpu.async_copy(h_h.at[gb.at[j]], rows, sem).wait()
        pltpu.sync_copy(rows, acc.at[sb.at[j]], add=True)
        return carry

    lax.fori_loop(0, NCH, jbody, 0)

    plsc.subcore_barrier()

    @pl.when(c == 0)
    def _():
        pltpu.sync_copy(acc.at[pl.ds(s * RPT, RPT)],
                        out0.at[pl.ds(s * RPT, RPT)])

    @pl.when(c == 1)
    def _():
        pltpu.sync_copy(acc.at[pl.ds(s * RPT, RPT)],
                        out1.at[pl.ds(s * RPT, RPT)])


def _sc_pass(h_table, g2d, s2d, zeros32):
    return pl.kernel(
        _pass_body,
        out_type=(jax.ShapeDtypeStruct((NRP, DOUT), _f32),
                  jax.ShapeDtypeStruct((NRP, DOUT), _f32)),
        mesh=_sc_mesh(),
        compiler_params=_SC_PARAMS,
        scratch_types=[
            pltpu.VMEM((NCH, CH), _i32),
            pltpu.VMEM((NCH, CH), _i32),
            pltpu.VMEM((CH, DOUT), _f32),
            pltpu.VMEM_SHARED((NRP, DOUT), _f32),
            pltpu.SemaphoreType.DMA,
        ],
    )(h_table, g2d, s2d, zeros32)



def _prep_body(b0, c0, b1, c1, b2, c2, b3, c3, w1,
               wc0, wc1, wc2, wc3, w1s):
    for b_ref, c_ref, o_ref in ((b0, c0, wc0), (b1, c1, wc1),
                                (b2, c2, wc2), (b3, c3, wc3)):
        basis = _bfr(b_ref[...])
        comp = _bfr(c_ref[...])
        cols = []
        for r in range(R):
            w_r = jnp.zeros(basis.shape[1:], dtype=_f32)
            for b in range(NB):
                w_r = w_r + comp[r:r + 1, b:b + 1] * basis[b]
            cols.append(w_r)
        o_ref[...] = _bfr(jnp.concatenate(cols, axis=1))
    w1s[...] = _bfr(w1[0:F_IN, :]) + _bfr(w1[F_IN:2 * F_IN, :])


def _tc_prep(basis0, comp0, basis1, comp1, basis2, comp2, basis3, comp3, W1):
    return pl.pallas_call(
        _prep_body,
        out_shape=(
            jax.ShapeDtypeStruct((F_IN, R * DOUT), _f32),
            jax.ShapeDtypeStruct((DOUT, R * DOUT), _f32),
            jax.ShapeDtypeStruct((DOUT, R * DOUT), _f32),
            jax.ShapeDtypeStruct((DOUT, R * DOUT), _f32),
            jax.ShapeDtypeStruct((F_IN, F_IN), _f32),
        ),
    )(basis0, comp0, basis1, comp1, basis2, comp2, basis3, comp3, W1)


_BN = 1000


def _layer0_body(x_ref, wcat_ref, root_ref, bias_ref, h_ref, xr_ref):
    xb = _bfr(x_ref[...])
    h_ref[...] = jnp.dot(xb, wcat_ref[...], preferred_element_type=_f32,
                         precision=lax.Precision.HIGHEST)
    xr_ref[...] = (jnp.dot(xb, _bfr(root_ref[...]), preferred_element_type=_f32,
                           precision=lax.Precision.HIGHEST)
                   + bias_ref[...])


def _tc_layer0(x, wcat, root, bias):
    nblk = N // _BN
    return pl.pallas_call(
        _layer0_body,
        grid=(nblk,),
        in_specs=[
            pl.BlockSpec((_BN, F_IN), lambda i: (i, 0)),
            pl.BlockSpec((F_IN, R * DOUT), lambda i: (0, 0)),
            pl.BlockSpec((F_IN, DOUT), lambda i: (0, 0)),
            pl.BlockSpec((1, DOUT), lambda i: (0, 0)),
        ],
        out_specs=[
            pl.BlockSpec((_BN, R * DOUT), lambda i: (i, 0)),
            pl.BlockSpec((_BN, DOUT), lambda i: (i, 0)),
        ],
        out_shape=(
            jax.ShapeDtypeStruct((N, R * DOUT), _f32),
            jax.ShapeDtypeStruct((N, DOUT), _f32),
        ),
    )(x, wcat, root, bias)


def _agg_sum(p0_ref, p1_ref, iv_ref, xr_ref):
    p = (p0_ref[...] + p1_ref[...]) * iv_ref[...]
    s = xr_ref[...]
    for r in range(R):
        s = s + p[:, r * DOUT:(r + 1) * DOUT]
    return s


def _inv_body(c0_ref, c1_ref, iv_ref):
    cb = c0_ref[...] + c1_ref[...]
    cols = []
    for r in range(R):
        inv = 1.0 / jnp.maximum(cb[:, r * 16:r * 16 + 1], 1.0)
        cols.append(jnp.broadcast_to(inv, (inv.shape[0], DOUT)))
    iv_ref[...] = jnp.concatenate(cols, axis=1)


def _tc_inv(cnt0, cnt1):
    nblk = N // _BN
    return pl.pallas_call(
        _inv_body,
        grid=(nblk,),
        in_specs=[
            pl.BlockSpec((_BN, R * 16), lambda i: (i, 0)),
            pl.BlockSpec((_BN, R * 16), lambda i: (i, 0)),
        ],
        out_specs=pl.BlockSpec((_BN, R * DOUT), lambda i: (i, 0)),
        out_shape=jax.ShapeDtypeStruct((N, R * DOUT), _f32),
    )(cnt0, cnt1)


def _combine_body(p0_ref, p1_ref, iv_ref, xr_ref, wcat_ref, root_ref,
                  bias_ref, h_out, hc_out, xr_out):
    h = jnp.tanh(_agg_sum(p0_ref, p1_ref, iv_ref, xr_ref))
    h_out[...] = h
    hb = _bfr(h)
    hc_out[...] = jnp.dot(hb, wcat_ref[...], preferred_element_type=_f32,
                          precision=lax.Precision.HIGHEST)
    xr_out[...] = (jnp.dot(hb, _bfr(root_ref[...]), preferred_element_type=_f32,
                           precision=lax.Precision.HIGHEST)
                   + bias_ref[...])


def _tc_combine(p0, p1, invexp, xr_prev, wcat, root, bias):
    nblk = N // _BN
    return pl.pallas_call(
        _combine_body,
        grid=(nblk,),
        in_specs=[
            pl.BlockSpec((_BN, R * DOUT), lambda i: (i, 0)),
            pl.BlockSpec((_BN, R * DOUT), lambda i: (i, 0)),
            pl.BlockSpec((_BN, R * DOUT), lambda i: (i, 0)),
            pl.BlockSpec((_BN, DOUT), lambda i: (i, 0)),
            pl.BlockSpec((DOUT, R * DOUT), lambda i: (0, 0)),
            pl.BlockSpec((DOUT, DOUT), lambda i: (0, 0)),
            pl.BlockSpec((1, DOUT), lambda i: (0, 0)),
        ],
        out_specs=[
            pl.BlockSpec((_BN, DOUT), lambda i: (i, 0)),
            pl.BlockSpec((_BN, R * DOUT), lambda i: (i, 0)),
            pl.BlockSpec((_BN, DOUT), lambda i: (i, 0)),
        ],
        out_shape=(
            jax.ShapeDtypeStruct((N, DOUT), _f32),
            jax.ShapeDtypeStruct((N, R * DOUT), _f32),
            jax.ShapeDtypeStruct((N, DOUT), _f32),
        ),
    )(p0, p1, invexp, xr_prev, wcat, root, bias)


def _norm_body(p0_ref, p1_ref, iv_ref, xr_ref, s_out):
    s_out[...] = jnp.tanh(_agg_sum(p0_ref, p1_ref, iv_ref, xr_ref))


def _tc_norm(p0, p1, invexp, xr_prev):
    nblk = N // _BN
    return pl.pallas_call(
        _norm_body,
        grid=(nblk,),
        in_specs=[
            pl.BlockSpec((_BN, R * DOUT), lambda i: (i, 0)),
            pl.BlockSpec((_BN, R * DOUT), lambda i: (i, 0)),
            pl.BlockSpec((_BN, R * DOUT), lambda i: (i, 0)),
            pl.BlockSpec((_BN, DOUT), lambda i: (i, 0)),
        ],
        out_specs=pl.BlockSpec((_BN, DOUT), lambda i: (i, 0)),
        out_shape=jax.ShapeDtypeStruct((N, DOUT), _f32),
    )(p0, p1, invexp, xr_prev)


def _mm_body(h_ref, wcat_ref, root_ref, bias_ref, hc_out, xr_out):
    h = _bfr(h_ref[...])
    hc_out[...] = jnp.dot(h, wcat_ref[...], preferred_element_type=_f32,
                          precision=lax.Precision.HIGHEST)
    xr_out[...] = (jnp.dot(h, _bfr(root_ref[...]), preferred_element_type=_f32,
                           precision=lax.Precision.HIGHEST)
                   + bias_ref[...])


def _tc_mm(h, wcat, root, bias):
    nblk = N // _BN
    return pl.pallas_call(
        _mm_body,
        grid=(nblk,),
        in_specs=[
            pl.BlockSpec((_BN, DOUT), lambda i: (i, 0)),
            pl.BlockSpec((DOUT, R * DOUT), lambda i: (0, 0)),
            pl.BlockSpec((DOUT, DOUT), lambda i: (0, 0)),
            pl.BlockSpec((1, DOUT), lambda i: (0, 0)),
        ],
        out_specs=[
            pl.BlockSpec((_BN, R * DOUT), lambda i: (i, 0)),
            pl.BlockSpec((_BN, DOUT), lambda i: (i, 0)),
        ],
        out_shape=(
            jax.ShapeDtypeStruct((N, R * DOUT), _f32),
            jax.ShapeDtypeStruct((N, DOUT), _f32),
        ),
    )(h, wcat, root, bias)





def _final_body(h0_ref, h1_ref, h2_ref, h3_ref,
                w1s_ref, b1_ref, w2_ref, b2_ref, out_ref):
    hcat = jnp.concatenate([h0_ref[...], h1_ref[...], h2_ref[...],
                            h3_ref[...]], axis=1)
    z = jnp.maximum(
        jnp.dot(_bfr(hcat), w1s_ref[...], preferred_element_type=_f32,
                precision=lax.Precision.HIGHEST)
        + b1_ref[...], 0.0)
    out_ref[...] = (jnp.sum(_bfr(z) * _bfr(w2_ref[...]), axis=1, keepdims=True)
                    + b2_ref[...])


def _tc_final(h0, h1, h2, h3, w1s, b1, w2row, b2):
    half = N // 2
    nblk = half // _BN
    return pl.pallas_call(
        _final_body,
        grid=(nblk,),
        in_specs=[
            pl.BlockSpec((_BN, DOUT), lambda i: (i, 0)),
            pl.BlockSpec((_BN, DOUT), lambda i: (i, 0)),
            pl.BlockSpec((_BN, DOUT), lambda i: (i, 0)),
            pl.BlockSpec((_BN, DOUT), lambda i: (i, 0)),
            pl.BlockSpec((F_IN, F_IN), lambda i: (0, 0)),
            pl.BlockSpec((1, F_IN), lambda i: (0, 0)),
            pl.BlockSpec((1, F_IN), lambda i: (0, 0)),
            pl.BlockSpec((1, 1), lambda i: (0, 0)),
        ],
        out_specs=pl.BlockSpec((_BN, 1), lambda i: (i, 0)),
        out_shape=jax.ShapeDtypeStruct((half, 1), _f32),
    )(h0, h1, h2, h3, w1s, b1, w2row, b2)



def kernel(x, edge_index, edge_type,
           basis0, comp0, root0, bias0,
           basis1, comp1, root1, bias1,
           basis2, comp2, root2, bias2,
           basis3, comp3, root3, bias3,
           W1, b1, W2, b2):
    src = edge_index[0].astype(_i32)
    dst = edge_index[1].astype(_i32)
    typ = edge_type.astype(_i32)

    ones16 = jnp.ones((CH, 16), _f32)
    zeros16 = jnp.zeros((RPT, 16), _f32)
    zeros32 = jnp.zeros((RPT, DOUT), _f32)

    wc0, wc1, wc2, wc3, w1s = _tc_prep(
        basis0, comp0, basis1, comp1, basis2, comp2, basis3, comp3, W1)

    cnt_p, g2d, s2d = _sc_count(src, dst, typ, ones16, zeros16)
    cnts = cnt_p[:, :NR].reshape(NC, N, R * 16)
    invexp = _tc_inv(cnts[0], cnts[1])

    roots = (root0, root1, root2, root3)
    biases = (bias0.reshape(1, DOUT), bias1.reshape(1, DOUT),
              bias2.reshape(1, DOUT), bias3.reshape(1, DOUT))
    wcats = (wc0, wc1, wc2, wc3)

    h_table, xr = _tc_layer0(x, wcats[0], roots[0], biases[0])
    hs = []
    for l in range(1, 4):
        pa, pb = _sc_pass(h_table.reshape(NR, DOUT), g2d, s2d, zeros32)
        h, h_table, xr = _tc_combine(pa[:NR].reshape(N, R * DOUT),
                                     pb[:NR].reshape(N, R * DOUT),
                                     invexp, xr, wcats[l], roots[l], biases[l])
        hs.append(h)

    pa, pb = _sc_pass(h_table.reshape(NR, DOUT), g2d, s2d, zeros32)
    h3 = _tc_norm(pa[:NR].reshape(N, R * DOUT),
                  pb[:NR].reshape(N, R * DOUT), invexp, xr)
    out = _tc_final(hs[0], hs[1], hs[2], h3,
                    w1s, b1.reshape(1, F_IN), W2.reshape(1, F_IN),
                    b2.reshape(1, 1))
    return out[:, 0]

# --- scband reference (transcript-rebuilt; emitter-appended) ---
"""Pipeline reference for scband-igmcmodel-11441792877309 (READ-ONLY COPY).

The authoritative reference and input builder live on the scoring server;
editing this copy changes nothing except your own understanding.
"""

import jax, jax.numpy as jnp
import numpy as np

N = 10000
E = 320000
F_IN = 128
DIMS = [32, 32, 32, 32]
R = 5
NB = 4


def setup_inputs(seed: int = 0):
    key = jax.random.key(seed)
    ks = jax.random.split(key, 40)
    x = jax.random.randint(ks[0], (N, F_IN), 0, 2).astype(jnp.float32)
    # IGMC uses one-hot node labels; col 0 marks target user/item nodes.
    # Make the mask deterministic: first N//2 nodes are 'targets'.
    x = x.at[:, 0].set(jnp.where(jnp.arange(N) < N // 2, 1.0, 0.0))
    edge_index = jax.random.randint(ks[1], (2, E), 0, N)
    edge_type = jax.random.randint(ks[2], (E,), 0, R)
    inp = {"x": x, "edge_index": edge_index, "edge_type": edge_type}
    in_dims = [F_IN] + DIMS[:-1]
    ki = 3
    for l in range(4):
        din, dout = in_dims[l], DIMS[l]
        inp["basis%d" % l] = jax.random.normal(ks[ki], (NB, din, dout), dtype=jnp.float32) * 0.05; ki += 1
        inp["comp%d" % l] = jax.random.normal(ks[ki], (R, NB), dtype=jnp.float32) * 0.3; ki += 1
        inp["root%d" % l] = jax.random.normal(ks[ki], (din, dout), dtype=jnp.float32) * 0.05; ki += 1
        inp["bias%d" % l] = jnp.zeros((dout,), dtype=jnp.float32); ki += 1
    inp["W1"] = jax.random.normal(ks[ki], (2 * sum(DIMS), 128), dtype=jnp.float32) * 0.05; ki += 1
    inp["b1"] = jnp.zeros((128,), dtype=jnp.float32)
    inp["W2"] = jax.random.normal(ks[ki], (128, 1), dtype=jnp.float32) * 0.05
    inp["b2"] = jnp.zeros((1,), dtype=jnp.float32)
    return inp


def _rgcn(x, edge_index, edge_type, basis, comp, root, bias):
    # RGCNConv with basis decomposition, per-relation mean aggregation + root weight
    weight = jnp.einsum('rb,bio->rio', comp, basis)
    src, dst = edge_index[0], edge_index[1]
    out = x @ root + bias
    for r in range(R):
        mask = (edge_type == r).astype(x.dtype)
        h = x @ weight[r]
        agg = jax.ops.segment_sum(h[src] * mask[:, None], dst, num_segments=N)
        cnt = jax.ops.segment_sum(mask, dst, num_segments=N)
        out = out + agg / jnp.clip(cnt, 1.0)[:, None]
    return out


def reference(x, edge_index, edge_type,
              basis0, comp0, root0, bias0,
              basis1, comp1, root1, bias1,
              basis2, comp2, root2, bias2,
              basis3, comp3, root3, bias3,
              W1, b1, W2, b2):
    # eval mode: dropout_adj and F.dropout are identity
    convs = [(basis0, comp0, root0, bias0), (basis1, comp1, root1, bias1),
             (basis2, comp2, root2, bias2), (basis3, comp3, root3, bias3)]
    h = x
    h_list = []
    for (basis, comp, root, bias) in convs:
        h = jnp.tanh(_rgcn(h, edge_index, edge_type, basis, comp, root, bias))
        h_list.append(h)
    hcat = jnp.concatenate(h_list, axis=1)
    u = x[:, 0] == 1
    idx = jnp.nonzero(u, size=N // 2)[0]
    hsel = hcat[idx]
    feats = jnp.concatenate([hsel, hsel], axis=1)
    z = jax.nn.relu(feats @ W1 + b1)
    out = z @ W2 + b2
    return out[:, 0]

if __name__ == "__main__":
    import jax
    _d = setup_inputs()
    print(jax.jit(kernel)(*tuple(_d.values())))

</pallas_src>

<mosaic_0001>
#map = affine_map<(d0, d1) -> (0, 0)>
#map1 = affine_map<(d0, d1) -> (0, 0, 0)>
module attributes {stable_mosaic.version = 14 : i64} {
  func.func @_pass_body(%arg0: i32, %arg1: i32, %arg2: memref<50000x32xf32, #tpu.memory_space<hbm>>, %arg3: memref<32x125x80xi32, #tpu.memory_space<hbm>>, %arg4: memref<32x125x80xi32, #tpu.memory_space<hbm>>, %arg5: memref<3128x32xf32, #tpu.memory_space<hbm>>, %arg6: memref<50048x32xf32, #tpu.memory_space<hbm>>, %arg7: memref<50048x32xf32, #tpu.memory_space<hbm>>, %arg8: memref<125x80xi32, #tpu.memory_space<vmem>>, %arg9: memref<125x80xi32, #tpu.memory_space<vmem>>, %arg10: memref<80x32xf32, #tpu.memory_space<vmem>>, %arg11: memref<50048x32xf32, #tpu.memory_space<vmem_shared>>, %arg12: memref<!tpu.dma_semaphore, #tpu.memory_space<semaphore_mem>>) attributes {dimension_semantics = [#tpu.dimension_semantics<core_parallel>, #tpu.dimension_semantics<subcore_parallel>], iteration_bounds = array<i64: 2, 16>, scalar_prefetch = 0 : i64, scratch_operands = 5 : i64, tpu.core_type = #tpu.core_type<sc_vector_subcore>, window_params = [{transform_indices = #map}, {transform_indices = #map1}, {transform_indices = #map1}, {transform_indices = #map}, {transform_indices = #map}, {transform_indices = #map}]} {
    %mul3A = arith.constant 16 : i32
    %mul3A_0 = arith.muli %arg0, %mul3A : i32
    %add3A = arith.addi %mul3A_0, %arg1 : i32
    %mul3A_1 = arith.constant 3128 : i32
    %mul3A_2 = arith.muli %arg1, %mul3A_1 : i32
    "tpu.region"() ({
      %run_scoped3A = tpu.sem_alloc : memref<!tpu.dma_semaphore, #tpu.memory_space<semaphore_mem>>
      %dma_start3A = arith.constant 0 : i32
      %dma_start3A_16 = tpu.memref_slice %arg11[%mul3A_2, %dma_start3A] : memref<50048x32xf32, #tpu.memory_space<vmem_shared>> -> memref<3128x32xf32, #tpu.memory_space<vmem_shared>>
      tpu.enqueue_dma source(%arg5 : memref<3128x32xf32, #tpu.memory_space<hbm>>) target(%dma_start3A_16 : memref<3128x32xf32, #tpu.memory_space<vmem_shared>>) target_semaphore(%run_scoped3A : memref<!tpu.dma_semaphore, #tpu.memory_space<semaphore_mem>>)
      %dma_wait3A = arith.constant 0 : i32
      %dma_wait3A_17 = tpu.memref_slice %arg11[%mul3A_2, %dma_wait3A] : memref<50048x32xf32, #tpu.memory_space<vmem_shared>> -> memref<3128x32xf32, #tpu.memory_space<vmem_shared>>
      tpu.wait_dma2 semaphore(%run_scoped3A : memref<!tpu.dma_semaphore, #tpu.memory_space<semaphore_mem>>) src(%arg5 : memref<3128x32xf32, #tpu.memory_space<hbm>>) dst(%dma_wait3A_17 : memref<3128x32xf32, #tpu.memory_space<vmem_shared>>)
      tpu.yield
    }) : () -> ()
    "tpu.region"() ({
      %run_scoped3A = tpu.sem_alloc : memref<!tpu.dma_semaphore, #tpu.memory_space<semaphore_mem>>
      %dma_start3A = arith.constant 0 : i32
      %dma_start3A_16 = arith.constant 0 : i32
      %dma_start3A_17 = tpu.memref_slice %arg3[%add3A, %dma_start3A, %dma_start3A_16] : memref<32x125x80xi32, #tpu.memory_space<hbm>> -> memref<1x125x80xi32, #tpu.memory_space<hbm>>
      %dma_start3A_18 = tpu.memref_squeeze %dma_start3A_17 : memref<1x125x80xi32, #tpu.memory_space<hbm>> -> memref<125x80xi32, #tpu.memory_space<hbm>>
      %dma_start3A_19 = arith.constant 0 : i32
      %dma_start3A_20 = arith.constant 0 : i32
      %dma_start3A_21 = tpu.memref_slice %arg3[%add3A, %dma_start3A_19, %dma_start3A_20] : memref<32x125x80xi32, #tpu.memory_space<hbm>> -> memref<1x125x80xi32, #tpu.memory_space<hbm>>
      %dma_start3A_22 = tpu.memref_squeeze %dma_start3A_21 : memref<1x125x80xi32, #tpu.memory_space<hbm>> -> memref<125x80xi32, #tpu.memory_space<hbm>>
      tpu.enqueue_dma source(%dma_start3A_22 : memref<125x80xi32, #tpu.memory_space<hbm>>) target(%arg8 : memref<125x80xi32, #tpu.memory_space<vmem>>) target_semaphore(%run_scoped3A : memref<!tpu.dma_semaphore, #tpu.memory_space<semaphore_mem>>)
      %dma_wait3A = arith.constant 0 : i32
      %dma_wait3A_23 = arith.constant 0 : i32
      %dma_wait3A_24 = tpu.memref_slice %arg3[%add3A, %dma_wait3A, %dma_wait3A_23] : memref<32x125x80xi32, #tpu.memory_space<hbm>> -> memref<1x125x80xi32, #tpu.memory_space<hbm>>
      %dma_wait3A_25 = tpu.memref_squeeze %dma_wait3A_24 : memref<1x125x80xi32, #tpu.memory_space<hbm>> -> memref<125x80xi32, #tpu.memory_space<hbm>>
      %dma_wait3A_26 = arith.constant 0 : i32
      %dma_wait3A_27 = arith.constant 0 : i32
      %dma_wait3A_28 = tpu.memref_slice %arg3[%add3A, %dma_wait3A_26, %dma_wait3A_27] : memref<32x125x80xi32, #tpu.memory_space<hbm>> -> memref<1x125x80xi32, #tpu.memory_space<hbm>>
      %dma_wait3A_29 = tpu.memref_squeeze %dma_wait3A_28 : memref<1x125x80xi32, #tpu.memory_space<hbm>> -> memref<125x80xi32, #tpu.memory_space<hbm>>
      tpu.wait_dma2 semaphore(%run_scoped3A : memref<!tpu.dma_semaphore, #tpu.memory_space<semaphore_mem>>) src(%dma_wait3A_29 : memref<125x80xi32, #tpu.memory_space<hbm>>) dst(%arg8 : memref<125x80xi32, #tpu.memory_space<vmem>>)
      tpu.yield
    }) : () -> ()
    "tpu.region"() ({
      %run_scoped3A = tpu.sem_alloc : memref<!tpu.dma_semaphore, #tpu.memory_space<semaphore_mem>>
      %dma_start3A = arith.constant 0 : i32
      %dma_start3A_16 = arith.constant 0 : i32
      %dma_start3A_17 = tpu.memref_slice %arg4[%add3A, %dma_start3A, %dma_start3A_16] : memref<32x125x80xi32, #tpu.memory_space<hbm>> -> memref<1x125x80xi32, #tpu.memory_space<hbm>>
      %dma_start3A_18 = tpu.memref_squeeze %dma_start3A_17 : memref<1x125x80xi32, #tpu.memory_space<hbm>> -> memref<125x80xi32, #tpu.memory_space<hbm>>
      %dma_start3A_19 = arith.constant 0 : i32
      %dma_start3A_20 = arith.constant 0 : i32
      %dma_start3A_21 = tpu.memref_slice %arg4[%add3A, %dma_start3A_19, %dma_start3A_20] : memref<32x125x80xi32, #tpu.memory_space<hbm>> -> memref<1x125x80xi32, #tpu.memory_space<hbm>>
      %dma_start3A_22 = tpu.memref_squeeze %dma_start3A_21 : memref<1x125x80xi32, #tpu.memory_space<hbm>> -> memref<125x80xi32, #tpu.memory_space<hbm>>
      tpu.enqueue_dma source(%dma_start3A_22 : memref<125x80xi32, #tpu.memory_space<hbm>>) target(%arg9 : memref<125x80xi32, #tpu.memory_space<vmem>>) target_semaphore(%run_scoped3A : memref<!tpu.dma_semaphore, #tpu.memory_space<semaphore_mem>>)
      %dma_wait3A = arith.constant 0 : i32
      %dma_wait3A_23 = arith.constant 0 : i32
      %dma_wait3A_24 = tpu.memref_slice %arg4[%add3A, %dma_wait3A, %dma_wait3A_23] : memref<32x125x80xi32, #tpu.memory_space<hbm>> -> memref<1x125x80xi32, #tpu.memory_space<hbm>>
      %dma_wait3A_25 = tpu.memref_squeeze %dma_wait3A_24 : memref<1x125x80xi32, #tpu.memory_space<hbm>> -> memref<125x80xi32, #tpu.memory_space<hbm>>
      %dma_wait3A_26 = arith.constant 0 : i32
      %dma_wait3A_27 = arith.constant 0 : i32
      %dma_wait3A_28 = tpu.memref_slice %arg4[%add3A, %dma_wait3A_26, %dma_wait3A_27] : memref<32x125x80xi32, #tpu.memory_space<hbm>> -> memref<1x125x80xi32, #tpu.memory_space<hbm>>
      %dma_wait3A_29 = tpu.memref_squeeze %dma_wait3A_28 : memref<1x125x80xi32, #tpu.memory_space<hbm>> -> memref<125x80xi32, #tpu.memory_space<hbm>>
      tpu.wait_dma2 semaphore(%run_scoped3A : memref<!tpu.dma_semaphore, #tpu.memory_space<semaphore_mem>>) src(%dma_wait3A_29 : memref<125x80xi32, #tpu.memory_space<hbm>>) dst(%arg9 : memref<125x80xi32, #tpu.memory_space<vmem>>)
      tpu.yield
    }) : () -> ()
    %barrier3A = arith.constant 0 : index
    tpu.barrier barrier_id(%barrier3A)
    %scan3A = arith.constant 0 : i32
    %scan3A_3 = arith.constant 0 : i32
    %scan3A_4 = arith.constant 125 : i32
    %scan3A_5 = arith.addi %scan3A_3, %scan3A_4 : i32
    %scan3A_6 = arith.constant 1 : i32
    scf.for %scan3A_16 = %scan3A_3 to %scan3A_5 step %scan3A_6  : i32 {
      %dma_start3A = arith.constant 0 : i32
      %dma_start3A_17 = tpu.memref_slice %arg8[%scan3A_16, %dma_start3A] : memref<125x80xi32, #tpu.memory_space<vmem>> -> memref<1x80xi32, #tpu.memory_space<vmem>>
      %dma_start3A_18 = tpu.memref_squeeze %dma_start3A_17 : memref<1x80xi32, #tpu.memory_space<vmem>> -> memref<80xi32, #tpu.memory_space<vmem>>
      %dma_start3A_19 = arith.constant 0 : i32
      %dma_start3A_20 = arith.constant 0 : i32
      %dma_start3A_21 = tpu.memref_slice %arg2[%dma_start3A_19, %dma_start3A_20] : memref<50000x32xf32, #tpu.memory_space<hbm>> -> memref<50000x32xf32, #tpu.memory_space<hbm>>
      tpu.enqueue_indirect_dma source(%dma_start3A_21 : memref<50000x32xf32, #tpu.memory_space<hbm>>) target(%arg10 : memref<80x32xf32, #tpu.memory_space<vmem>>) offsets(%dma_start3A_18 : memref<80xi32, #tpu.memory_space<vmem>>) semaphore(%arg12 : memref<!tpu.dma_semaphore, #tpu.memory_space<semaphore_mem>>)
      %dma_wait3A = arith.constant 0 : i32
      %dma_wait3A_22 = tpu.memref_slice %arg8[%scan3A_16, %dma_wait3A] : memref<125x80xi32, #tpu.memory_space<vmem>> -> memref<1x80xi32, #tpu.memory_space<vmem>>
      %dma_wait3A_23 = tpu.memref_squeeze %dma_wait3A_22 : memref<1x80xi32, #tpu.memory_space<vmem>> -> memref<80xi32, #tpu.memory_space<vmem>>
      %dma_wait3A_24 = arith.constant 0 : i32
      %dma_wait3A_25 = arith.constant 0 : i32
      %dma_wait3A_26 = tpu.memref_slice %arg2[%dma_wait3A_24, %dma_wait3A_25] : memref<50000x32xf32, #tpu.memory_space<hbm>> -> memref<50000x32xf32, #tpu.memory_space<hbm>>
      tpu.wait_indirect_dma semaphore(%arg12 : memref<!tpu.dma_semaphore, #tpu.memory_space<semaphore_mem>>) src(%dma_wait3A_26 : memref<50000x32xf32, #tpu.memory_space<hbm>>) dst(%arg10 : memref<80x32xf32, #tpu.memory_space<vmem>>)
      "tpu.region"() ({
        %run_scoped3A = tpu.sem_alloc : memref<!tpu.dma_semaphore, #tpu.memory_space<semaphore_mem>>
        %dma_start3A_27 = arith.constant 0 : i32
        %dma_start3A_28 = tpu.memref_slice %arg9[%scan3A_16, %dma_start3A_27] : memref<125x80xi32, #tpu.memory_space<vmem>> -> memref<1x80xi32, #tpu.memory_space<vmem>>
        %dma_start3A_29 = tpu.memref_squeeze %dma_start3A_28 : memref<1x80xi32, #tpu.memory_space<vmem>> -> memref<80xi32, #tpu.memory_space<vmem>>
        %dma_start3A_30 = arith.constant 0 : i32
        %dma_start3A_31 = arith.constant 0 : i32
        %dma_start3A_32 = tpu.memref_slice %arg11[%dma_start3A_30, %dma_start3A_31] : memref<50048x32xf32, #tpu.memory_space<vmem_shared>> -> memref<50048x32xf32, #tpu.memory_space<vmem_shared>>
        tpu.enqueue_indirect_dma source(%arg10 : memref<80x32xf32, #tpu.memory_space<vmem>>) target(%dma_start3A_32 : memref<50048x32xf32, #tpu.memory_space<vmem_shared>>) offsets(%dma_start3A_29 : memref<80xi32, #tpu.memory_space<vmem>>) semaphore(%run_scoped3A : memref<!tpu.dma_semaphore, #tpu.memory_space<semaphore_mem>>) {add = true}
        %dma_wait3A_33 = arith.constant 0 : i32
        %dma_wait3A_34 = tpu.memref_slice %arg9[%scan3A_16, %dma_wait3A_33] : memref<125x80xi32, #tpu.memory_space<vmem>> -> memref<1x80xi32, #tpu.memory_space<vmem>>
        %dma_wait3A_35 = tpu.memref_squeeze %dma_wait3A_34 : memref<1x80xi32, #tpu.memory_space<vmem>> -> memref<80xi32, #tpu.memory_space<vmem>>
        %dma_wait3A_36 = arith.constant 0 : i32
        %dma_wait3A_37 = arith.constant 0 : i32
        %dma_wait3A_38 = tpu.memref_slice %arg11[%dma_wait3A_36, %dma_wait3A_37] : memref<50048x32xf32, #tpu.memory_space<vmem_shared>> -> memref<50048x32xf32, #tpu.memory_space<vmem_shared>>
        tpu.wait_indirect_dma semaphore(%run_scoped3A : memref<!tpu.dma_semaphore, #tpu.memory_space<semaphore_mem>>) src(%arg10 : memref<80x32xf32, #tpu.memory_space<vmem>>) dst(%dma_wait3A_38 : memref<50048x32xf32, #tpu.memory_space<vmem_shared>>)
        tpu.yield
      }) : () -> ()
    }
    %scan3A_7 = arith.constant 125 : i32
    %barrier3A_8 = arith.constant 0 : index
    tpu.barrier barrier_id(%barrier3A_8)
    %eq3A = arith.constant 0 : i32
    %eq3A_9 = arith.cmpi eq, %arg0, %eq3A : i32
    %convert_element_type3A = arith.extui %eq3A_9 : i1 to i32
    %cond3A = arith.constant 0 : i32
    %cond3A_10 = arith.cmpi ne, %convert_element_type3A, %cond3A : i32
    scf.if %cond3A_10 {
      %mul3A_16 = arith.constant 3128 : i32
      %mul3A_17 = arith.muli %arg1, %mul3A_16 : i32
      %mul3A_18 = arith.constant 3128 : i32
      %mul3A_19 = arith.muli %arg1, %mul3A_18 : i32
      "tpu.region"() ({
        %run_scoped3A = tpu.sem_alloc : memref<!tpu.dma_semaphore, #tpu.memory_space<semaphore_mem>>
        %dma_start3A = arith.constant 0 : i32
        %dma_start3A_20 = tpu.memref_slice %arg6[%mul3A_19, %dma_start3A] : memref<50048x32xf32, #tpu.memory_space<hbm>> -> memref<3128x32xf32, #tpu.memory_space<hbm>>
        %dma_start3A_21 = arith.constant 0 : i32
        %dma_start3A_22 = tpu.memref_slice %arg11[%mul3A_17, %dma_start3A_21] : memref<50048x32xf32, #tpu.memory_space<vmem_shared>> -> memref<3128x32xf32, #tpu.memory_space<vmem_shared>>
        tpu.enqueue_dma source(%dma_start3A_22 : memref<3128x32xf32, #tpu.memory_space<vmem_shared>>) target(%dma_start3A_20 : memref<3128x32xf32, #tpu.memory_space<hbm>>) target_semaphore(%run_scoped3A : memref<!tpu.dma_semaphore, #tpu.memory_space<semaphore_mem>>)
        %dma_wait3A = arith.constant 0 : i32
        %dma_wait3A_23 = tpu.memref_slice %arg6[%mul3A_19, %dma_wait3A] : memref<50048x32xf32, #tpu.memory_space<hbm>> -> memref<3128x32xf32, #tpu.memory_space<hbm>>
        %dma_wait3A_24 = arith.constant 0 : i32
        %dma_wait3A_25 = tpu.memref_slice %arg11[%mul3A_17, %dma_wait3A_24] : memref<50048x32xf32, #tpu.memory_space<vmem_shared>> -> memref<3128x32xf32, #tpu.memory_space<vmem_shared>>
        tpu.wait_dma2 semaphore(%run_scoped3A : memref<!tpu.dma_semaphore, #tpu.memory_space<semaphore_mem>>) src(%dma_wait3A_25 : memref<3128x32xf32, #tpu.memory_space<vmem_shared>>) dst(%dma_wait3A_23 : memref<3128x32xf32, #tpu.memory_space<hbm>>)
        tpu.yield
      }) : () -> ()
    } else {
    }
    %eq3A_11 = arith.constant 1 : i32
    %eq3A_12 = arith.cmpi eq, %arg0, %eq3A_11 : i32
    %convert_element_type3A_13 = arith.extui %eq3A_12 : i1 to i32
    %cond3A_14 = arith.constant 0 : i32
    %cond3A_15 = arith.cmpi ne, %convert_element_type3A_13, %cond3A_14 : i32
    scf.if %cond3A_15 {
      %mul3A_16 = arith.constant 3128 : i32
      %mul3A_17 = arith.muli %arg1, %mul3A_16 : i32
      %mul3A_18 = arith.constant 3128 : i32
      %mul3A_19 = arith.muli %arg1, %mul3A_18 : i32
      "tpu.region"() ({
        %run_scoped3A = tpu.sem_alloc : memref<!tpu.dma_semaphore, #tpu.memory_space<semaphore_mem>>
        %dma_start3A = arith.constant 0 : i32
        %dma_start3A_20 = tpu.memref_slice %arg7[%mul3A_19, %dma_start3A] : memref<50048x32xf32, #tpu.memory_space<hbm>> -> memref<3128x32xf32, #tpu.memory_space<hbm>>
        %dma_start3A_21 = arith.constant 0 : i32
        %dma_start3A_22 = tpu.memref_slice %arg11[%mul3A_17, %dma_start3A_21] : memref<50048x32xf32, #tpu.memory_space<vmem_shared>> -> memref<3128x32xf32, #tpu.memory_space<vmem_shared>>
        tpu.enqueue_dma source(%dma_start3A_22 : memref<3128x32xf32, #tpu.memory_space<vmem_shared>>) target(%dma_start3A_20 : memref<3128x32xf32, #tpu.memory_space<hbm>>) target_semaphore(%run_scoped3A : memref<!tpu.dma_semaphore, #tpu.memory_space<semaphore_mem>>)
        %dma_wait3A = arith.constant 0 : i32
        %dma_wait3A_23 = tpu.memref_slice %arg7[%mul3A_19, %dma_wait3A] : memref<50048x32xf32, #tpu.memory_space<hbm>> -> memref<3128x32xf32, #tpu.memory_space<hbm>>
        %dma_wait3A_24 = arith.constant 0 : i32
        %dma_wait3A_25 = tpu.memref_slice %arg11[%mul3A_17, %dma_wait3A_24] : memref<50048x32xf32, #tpu.memory_space<vmem_shared>> -> memref<3128x32xf32, #tpu.memory_space<vmem_shared>>
        tpu.wait_dma2 semaphore(%run_scoped3A : memref<!tpu.dma_semaphore, #tpu.memory_space<semaphore_mem>>) src(%dma_wait3A_25 : memref<3128x32xf32, #tpu.memory_space<vmem_shared>>) dst(%dma_wait3A_23 : memref<3128x32xf32, #tpu.memory_space<hbm>>)
        tpu.yield
      }) : () -> ()
    } else {
    }
    return
  }
}

#map = affine_map<(d0, d1) -> (0, 0)>
#map1 = affine_map<(d0, d1) -> (0, 0, 0)>
module attributes {stable_mosaic.version = 14 : i64} {
  func.func @_pass_body(%arg0: i32, %arg1: i32, %arg2: memref<50000x32xf32, #tpu.memory_space<hbm>>, %arg3: memref<32x125x80xi32, #tpu.memory_space<hbm>>, %arg4: memref<32x125x80xi32, #tpu.memory_space<hbm>>, %arg5: memref<3128x32xf32, #tpu.memory_space<hbm>>, %arg6: memref<50048x32xf32, #tpu.memory_space<hbm>>, %arg7: memref<50048x32xf32, #tpu.memory_space<hbm>>, %arg8: memref<125x80xi32, #tpu.memory_space<vmem>>, %arg9: memref<125x80xi32, #tpu.memory_space<vmem>>, %arg10: memref<80x32xf32, #tpu.memory_space<vmem>>, %arg11: memref<50048x32xf32, #tpu.memory_space<vmem_shared>>, %arg12: memref<!tpu.dma_semaphore, #tpu.memory_space<semaphore_mem>>) attributes {dimension_semantics = [#tpu.dimension_semantics<core_parallel>, #tpu.dimension_semantics<subcore_parallel>], iteration_bounds = array<i64: 2, 16>, scalar_prefetch = 0 : i64, scratch_operands = 5 : i64, tpu.core_type = #tpu.core_type<sc_vector_subcore>, window_params = [{transform_indices = #map}, {transform_indices = #map1}, {transform_indices = #map1}, {transform_indices = #map}, {transform_indices = #map}, {transform_indices = #map}]} {
    %mul3A = arith.constant 16 : i32
    %mul3A_0 = arith.muli %arg0, %mul3A : i32
    %add3A = arith.addi %mul3A_0, %arg1 : i32
    %mul3A_1 = arith.constant 3128 : i32
    %mul3A_2 = arith.muli %arg1, %mul3A_1 : i32
    "tpu.region"() ({
      %run_scoped3A = tpu.sem_alloc : memref<!tpu.dma_semaphore, #tpu.memory_space<semaphore_mem>>
      %dma_start3A = arith.constant 0 : i32
      %dma_start3A_16 = tpu.memref_slice %arg11[%mul3A_2, %dma_start3A] : memref<50048x32xf32, #tpu.memory_space<vmem_shared>> -> memref<3128x32xf32, #tpu.memory_space<vmem_shared>>
      tpu.enqueue_dma source(%arg5 : memref<3128x32xf32, #tpu.memory_space<hbm>>) target(%dma_start3A_16 : memref<3128x32xf32, #tpu.memory_space<vmem_shared>>) target_semaphore(%run_scoped3A : memref<!tpu.dma_semaphore, #tpu.memory_space<semaphore_mem>>)
      %dma_wait3A = arith.constant 0 : i32
      %dma_wait3A_17 = tpu.memref_slice %arg11[%mul3A_2, %dma_wait3A] : memref<50048x32xf32, #tpu.memory_space<vmem_shared>> -> memref<3128x32xf32, #tpu.memory_space<vmem_shared>>
      tpu.wait_dma2 semaphore(%run_scoped3A : memref<!tpu.dma_semaphore, #tpu.memory_space<semaphore_mem>>) src(%arg5 : memref<3128x32xf32, #tpu.memory_space<hbm>>) dst(%dma_wait3A_17 : memref<3128x32xf32, #tpu.memory_space<vmem_shared>>)
      tpu.yield
    }) : () -> ()
    "tpu.region"() ({
      %run_scoped3A = tpu.sem_alloc : memref<!tpu.dma_semaphore, #tpu.memory_space<semaphore_mem>>
      %dma_start3A = arith.constant 0 : i32
      %dma_start3A_16 = arith.constant 0 : i32
      %dma_start3A_17 = tpu.memref_slice %arg3[%add3A, %dma_start3A, %dma_start3A_16] : memref<32x125x80xi32, #tpu.memory_space<hbm>> -> memref<1x125x80xi32, #tpu.memory_space<hbm>>
      %dma_start3A_18 = tpu.memref_squeeze %dma_start3A_17 : memref<1x125x80xi32, #tpu.memory_space<hbm>> -> memref<125x80xi32, #tpu.memory_space<hbm>>
      %dma_start3A_19 = arith.constant 0 : i32
      %dma_start3A_20 = arith.constant 0 : i32
      %dma_start3A_21 = tpu.memref_slice %arg3[%add3A, %dma_start3A_19, %dma_start3A_20] : memref<32x125x80xi32, #tpu.memory_space<hbm>> -> memref<1x125x80xi32, #tpu.memory_space<hbm>>
      %dma_start3A_22 = tpu.memref_squeeze %dma_start3A_21 : memref<1x125x80xi32, #tpu.memory_space<hbm>> -> memref<125x80xi32, #tpu.memory_space<hbm>>
      tpu.enqueue_dma source(%dma_start3A_22 : memref<125x80xi32, #tpu.memory_space<hbm>>) target(%arg8 : memref<125x80xi32, #tpu.memory_space<vmem>>) target_semaphore(%run_scoped3A : memref<!tpu.dma_semaphore, #tpu.memory_space<semaphore_mem>>)
      %dma_wait3A = arith.constant 0 : i32
      %dma_wait3A_23 = arith.constant 0 : i32
      %dma_wait3A_24 = tpu.memref_slice %arg3[%add3A, %dma_wait3A, %dma_wait3A_23] : memref<32x125x80xi32, #tpu.memory_space<hbm>> -> memref<1x125x80xi32, #tpu.memory_space<hbm>>
      %dma_wait3A_25 = tpu.memref_squeeze %dma_wait3A_24 : memref<1x125x80xi32, #tpu.memory_space<hbm>> -> memref<125x80xi32, #tpu.memory_space<hbm>>
      %dma_wait3A_26 = arith.constant 0 : i32
      %dma_wait3A_27 = arith.constant 0 : i32
      %dma_wait3A_28 = tpu.memref_slice %arg3[%add3A, %dma_wait3A_26, %dma_wait3A_27] : memref<32x125x80xi32, #tpu.memory_space<hbm>> -> memref<1x125x80xi32, #tpu.memory_space<hbm>>
      %dma_wait3A_29 = tpu.memref_squeeze %dma_wait3A_28 : memref<1x125x80xi32, #tpu.memory_space<hbm>> -> memref<125x80xi32, #tpu.memory_space<hbm>>
      tpu.wait_dma2 semaphore(%run_scoped3A : memref<!tpu.dma_semaphore, #tpu.memory_space<semaphore_mem>>) src(%dma_wait3A_29 : memref<125x80xi32, #tpu.memory_space<hbm>>) dst(%arg8 : memref<125x80xi32, #tpu.memory_space<vmem>>)
      tpu.yield
    }) : () -> ()
    "tpu.region"() ({
      %run_scoped3A = tpu.sem_alloc : memref<!tpu.dma_semaphore, #tpu.memory_space<semaphore_mem>>
      %dma_start3A = arith.constant 0 : i32
      %dma_start3A_16 = arith.constant 0 : i32
      %dma_start3A_17 = tpu.memref_slice %arg4[%add3A, %dma_start3A, %dma_start3A_16] : memref<32x125x80xi32, #tpu.memory_space<hbm>> -> memref<1x125x80xi32, #tpu.memory_space<hbm>>
      %dma_start3A_18 = tpu.memref_squeeze %dma_start3A_17 : memref<1x125x80xi32, #tpu.memory_space<hbm>> -> memref<125x80xi32, #tpu.memory_space<hbm>>
      %dma_start3A_19 = arith.constant 0 : i32
      %dma_start3A_20 = arith.constant 0 : i32
      %dma_start3A_21 = tpu.memref_slice %arg4[%add3A, %dma_start3A_19, %dma_start3A_20] : memref<32x125x80xi32, #tpu.memory_space<hbm>> -> memref<1x125x80xi32, #tpu.memory_space<hbm>>
      %dma_start3A_22 = tpu.memref_squeeze %dma_start3A_21 : memref<1x125x80xi32, #tpu.memory_space<hbm>> -> memref<125x80xi32, #tpu.memory_space<hbm>>
      tpu.enqueue_dma source(%dma_start3A_22 : memref<125x80xi32, #tpu.memory_space<hbm>>) target(%arg9 : memref<125x80xi32, #tpu.memory_space<vmem>>) target_semaphore(%run_scoped3A : memref<!tpu.dma_semaphore, #tpu.memory_space<semaphore_mem>>)
      %dma_wait3A = arith.constant 0 : i32
      %dma_wait3A_23 = arith.constant 0 : i32
      %dma_wait3A_24 = tpu.memref_slice %arg4[%add3A, %dma_wait3A, %dma_wait3A_23] : memref<32x125x80xi32, #tpu.memory_space<hbm>> -> memref<1x125x80xi32, #tpu.memory_space<hbm>>
      %dma_wait3A_25 = tpu.memref_squeeze %dma_wait3A_24 : memref<1x125x80xi32, #tpu.memory_space<hbm>> -> memref<125x80xi32, #tpu.memory_space<hbm>>
      %dma_wait3A_26 = arith.constant 0 : i32
      %dma_wait3A_27 = arith.constant 0 : i32
      %dma_wait3A_28 = tpu.memref_slice %arg4[%add3A, %dma_wait3A_26, %dma_wait3A_27] : memref<32x125x80xi32, #tpu.memory_space<hbm>> -> memref<1x125x80xi32, #tpu.memory_space<hbm>>
      %dma_wait3A_29 = tpu.memref_squeeze %dma_wait3A_28 : memref<1x125x80xi32, #tpu.memory_space<hbm>> -> memref<125x80xi32, #tpu.memory_space<hbm>>
      tpu.wait_dma2 semaphore(%run_scoped3A : memref<!tpu.dma_semaphore, #tpu.memory_space<semaphore_mem>>) src(%dma_wait3A_29 : memref<125x80xi32, #tpu.memory_space<hbm>>) dst(%arg9 : memref<125x80xi32, #tpu.memory_space<vmem>>)
      tpu.yield
    }) : () -> ()
    %barrier3A = arith.constant 0 : index
    tpu.barrier barrier_id(%barrier3A)
    %scan3A = arith.constant 0 : i32
    %scan3A_3 = arith.constant 0 : i32
    %scan3A_4 = arith.constant 125 : i32
    %scan3A_5 = arith.addi %scan3A_3, %scan3A_4 : i32
    %scan3A_6 = arith.constant 1 : i32
    scf.for %scan3A_16 = %scan3A_3 to %scan3A_5 step %scan3A_6  : i32 {
      %dma_start3A = arith.constant 0 : i32
      %dma_start3A_17 = tpu.memref_slice %arg8[%scan3A_16, %dma_start3A] : memref<125x80xi32, #tpu.memory_space<vmem>> -> memref<1x80xi32, #tpu.memory_space<vmem>>
      %dma_start3A_18 = tpu.memref_squeeze %dma_start3A_17 : memref<1x80xi32, #tpu.memory_space<vmem>> -> memref<80xi32, #tpu.memory_space<vmem>>
      %dma_start3A_19 = arith.constant 0 : i32
      %dma_start3A_20 = arith.constant 0 : i32
      %dma_start3A_21 = tpu.memref_slice %arg2[%dma_start3A_19, %dma_start3A_20] : memref<50000x32xf32, #tpu.memory_space<hbm>> -> memref<50000x32xf32, #tpu.memory_space<hbm>>
      tpu.enqueue_indirect_dma source(%dma_start3A_21 : memref<50000x32xf32, #tpu.memory_space<hbm>>) target(%arg10 : memref<80x32xf32, #tpu.memory_space<vmem>>) offsets(%dma_start3A_18 : memref<80xi32, #tpu.memory_space<vmem>>) semaphore(%arg12 : memref<!tpu.dma_semaphore, #tpu.memory_space<semaphore_mem>>)
      %dma_wait3A = arith.constant 0 : i32
      %dma_wait3A_22 = tpu.memref_slice %arg8[%scan3A_16, %dma_wait3A] : memref<125x80xi32, #tpu.memory_space<vmem>> -> memref<1x80xi32, #tpu.memory_space<vmem>>
      %dma_wait3A_23 = tpu.memref_squeeze %dma_wait3A_22 : memref<1x80xi32, #tpu.memory_space<vmem>> -> memref<80xi32, #tpu.memory_space<vmem>>
      %dma_wait3A_24 = arith.constant 0 : i32
      %dma_wait3A_25 = arith.constant 0 : i32
      %dma_wait3A_26 = tpu.memref_slice %arg2[%dma_wait3A_24, %dma_wait3A_25] : memref<50000x32xf32, #tpu.memory_space<hbm>> -> memref<50000x32xf32, #tpu.memory_space<hbm>>
      tpu.wait_indirect_dma semaphore(%arg12 : memref<!tpu.dma_semaphore, #tpu.memory_space<semaphore_mem>>) src(%dma_wait3A_26 : memref<50000x32xf32, #tpu.memory_space<hbm>>) dst(%arg10 : memref<80x32xf32, #tpu.memory_space<vmem>>)
      "tpu.region"() ({
        %run_scoped3A = tpu.sem_alloc : memref<!tpu.dma_semaphore, #tpu.memory_space<semaphore_mem>>
        %dma_start3A_27 = arith.constant 0 : i32
        %dma_start3A_28 = tpu.memref_slice %arg9[%scan3A_16, %dma_start3A_27] : memref<125x80xi32, #tpu.memory_space<vmem>> -> memref<1x80xi32, #tpu.memory_space<vmem>>
        %dma_start3A_29 = tpu.memref_squeeze %dma_start3A_28 : memref<1x80xi32, #tpu.memory_space<vmem>> -> memref<80xi32, #tpu.memory_space<vmem>>
        %dma_start3A_30 = arith.constant 0 : i32
        %dma_start3A_31 = arith.constant 0 : i32
        %dma_start3A_32 = tpu.memref_slice %arg11[%dma_start3A_30, %dma_start3A_31] : memref<50048x32xf32, #tpu.memory_space<vmem_shared>> -> memref<50048x32xf32, #tpu.memory_space<vmem_shared>>
        tpu.enqueue_indirect_dma source(%arg10 : memref<80x32xf32, #tpu.memory_space<vmem>>) target(%dma_start3A_32 : memref<50048x32xf32, #tpu.memory_space<vmem_shared>>) offsets(%dma_start3A_29 : memref<80xi32, #tpu.memory_space<vmem>>) semaphore(%run_scoped3A : memref<!tpu.dma_semaphore, #tpu.memory_space<semaphore_mem>>) {add = true}
        %dma_wait3A_33 = arith.constant 0 : i32
        %dma_wait3A_34 = tpu.memref_slice %arg9[%scan3A_16, %dma_wait3A_33] : memref<125x80xi32, #tpu.memory_space<vmem>> -> memref<1x80xi32, #tpu.memory_space<vmem>>
        %dma_wait3A_35 = tpu.memref_squeeze %dma_wait3A_34 : memref<1x80xi32, #tpu.memory_space<vmem>> -> memref<80xi32, #tpu.memory_space<vmem>>
        %dma_wait3A_36 = arith.constant 0 : i32
        %dma_wait3A_37 = arith.constant 0 : i32
        %dma_wait3A_38 = tpu.memref_slice %arg11[%dma_wait3A_36, %dma_wait3A_37] : memref<50048x32xf32, #tpu.memory_space<vmem_shared>> -> memref<50048x32xf32, #tpu.memory_space<vmem_shared>>
        tpu.wait_indirect_dma semaphore(%run_scoped3A : memref<!tpu.dma_semaphore, #tpu.memory_space<semaphore_mem>>) src(%arg10 : memref<80x32xf32, #tpu.memory_space<vmem>>) dst(%dma_wait3A_38 : memref<50048x32xf32, #tpu.memory_space<vmem_shared>>)
        tpu.yield
      }) : () -> ()
    }
    %scan3A_7 = arith.constant 125 : i32
    %barrier3A_8 = arith.constant 0 : index
    tpu.barrier barrier_id(%barrier3A_8)
    %eq3A = arith.constant 0 : i32
    %eq3A_9 = arith.cmpi eq, %arg0, %eq3A : i32
    %convert_element_type3A = arith.extui %eq3A_9 : i1 to i32
    %cond3A = arith.constant 0 : i32
    %cond3A_10 = arith.cmpi ne, %convert_element_type3A, %cond3A : i32
    scf.if %cond3A_10 {
      %mul3A_16 = arith.constant 3128 : i32
      %mul3A_17 = arith.muli %arg1, %mul3A_16 : i32
      %mul3A_18 = arith.constant 3128 : i32
      %mul3A_19 = arith.muli %arg1, %mul3A_18 : i32
      "tpu.region"() ({
        %run_scoped3A = tpu.sem_alloc : memref<!tpu.dma_semaphore, #tpu.memory_space<semaphore_mem>>
        %dma_start3A = arith.constant 0 : i32
        %dma_start3A_20 = tpu.memref_slice %arg6[%mul3A_19, %dma_start3A] : memref<50048x32xf32, #tpu.memory_space<hbm>> -> memref<3128x32xf32, #tpu.memory_space<hbm>>
        %dma_start3A_21 = arith.constant 0 : i32
        %dma_start3A_22 = tpu.memref_slice %arg11[%mul3A_17, %dma_start3A_21] : memref<50048x32xf32, #tpu.memory_space<vmem_shared>> -> memref<3128x32xf32, #tpu.memory_space<vmem_shared>>
        tpu.enqueue_dma source(%dma_start3A_22 : memref<3128x32xf32, #tpu.memory_space<vmem_shared>>) target(%dma_start3A_20 : memref<3128x32xf32, #tpu.memory_space<hbm>>) target_semaphore(%run_scoped3A : memref<!tpu.dma_semaphore, #tpu.memory_space<semaphore_mem>>)
        %dma_wait3A = arith.constant 0 : i32
        %dma_wait3A_23 = tpu.memref_slice %arg6[%mul3A_19, %dma_wait3A] : memref<50048x32xf32, #tpu.memory_space<hbm>> -> memref<3128x32xf32, #tpu.memory_space<hbm>>
        %dma_wait3A_24 = arith.constant 0 : i32
        %dma_wait3A_25 = tpu.memref_slice %arg11[%mul3A_17, %dma_wait3A_24] : memref<50048x32xf32, #tpu.memory_space<vmem_shared>> -> memref<3128x32xf32, #tpu.memory_space<vmem_shared>>
        tpu.wait_dma2 semaphore(%run_scoped3A : memref<!tpu.dma_semaphore, #tpu.memory_space<semaphore_mem>>) src(%dma_wait3A_25 : memref<3128x32xf32, #tpu.memory_space<vmem_shared>>) dst(%dma_wait3A_23 : memref<3128x32xf32, #tpu.memory_space<hbm>>)
        tpu.yield
      }) : () -> ()
    } else {
    }
    %eq3A_11 = arith.constant 1 : i32
    %eq3A_12 = arith.cmpi eq, %arg0, %eq3A_11 : i32
    %convert_element_type3A_13 = arith.extui %eq3A_12 : i1 to i32
    %cond3A_14 = arith.constant 0 : i32
    %cond3A_15 = arith.cmpi ne, %convert_element_type3A_13, %cond3A_14 : i32
    scf.if %cond3A_15 {
      %mul3A_16 = arith.constant 3128 : i32
      %mul3A_17 = arith.muli %arg1, %mul3A_16 : i32
      %mul3A_18 = arith.constant 3128 : i32
      %mul3A_19 = arith.muli %arg1, %mul3A_18 : i32
      "tpu.region"() ({
        %run_scoped3A = tpu.sem_alloc : memref<!tpu.dma_semaphore, #tpu.memory_space<semaphore_mem>>
        %dma_start3A = arith.constant 0 : i32
        %dma_start3A_20 = tpu.memref_slice %arg7[%mul3A_19, %dma_start3A] : memref<50048x32xf32, #tpu.memory_space<hbm>> -> memref<3128x32xf32, #tpu.memory_space<hbm>>
        %dma_start3A_21 = arith.constant 0 : i32
        %dma_start3A_22 = tpu.memref_slice %arg11[%mul3A_17, %dma_start3A_21] : memref<50048x32xf32, #tpu.memory_space<vmem_shared>> -> memref<3128x32xf32, #tpu.memory_space<vmem_shared>>
        tpu.enqueue_dma source(%dma_start3A_22 : memref<3128x32xf32, #tpu.memory_space<vmem_shared>>) target(%dma_start3A_20 : memref<3128x32xf32, #tpu.memory_space<hbm>>) target_semaphore(%run_scoped3A : memref<!tpu.dma_semaphore, #tpu.memory_space<semaphore_mem>>)
        %dma_wait3A = arith.constant 0 : i32
        %dma_wait3A_23 = tpu.memref_slice %arg7[%mul3A_19, %dma_wait3A] : memref<50048x32xf32, #tpu.memory_space<hbm>> -> memref<3128x32xf32, #tpu.memory_space<hbm>>
        %dma_wait3A_24 = arith.constant 0 : i32
        %dma_wait3A_25 = tpu.memref_slice %arg11[%mul3A_17, %dma_wait3A_24] : memref<50048x32xf32, #tpu.memory_space<vmem_shared>> -> memref<3128x32xf32, #tpu.memory_space<vmem_shared>>
        tpu.wait_dma2 semaphore(%run_scoped3A : memref<!tpu.dma_semaphore, #tpu.memory_space<semaphore_mem>>) src(%dma_wait3A_25 : memref<3128x32xf32, #tpu.memory_space<vmem_shared>>) dst(%dma_wait3A_23 : memref<3128x32xf32, #tpu.memory_space<hbm>>)
        tpu.yield
      }) : () -> ()
    } else {
    }
    return
  }
}

#map = affine_map<(d0, d1) -> (0, 0)>
#map1 = affine_map<(d0, d1) -> (0, 0, 0)>
module attributes {stable_mosaic.version = 14 : i64} {
  func.func @_pass_body(%arg0: i32, %arg1: i32, %arg2: memref<50000x32xf32, #tpu.memory_space<hbm>>, %arg3: memref<32x125x80xi32, #tpu.memory_space<hbm>>, %arg4: memref<32x125x80xi32, #tpu.memory_space<hbm>>, %arg5: memref<3128x32xf32, #tpu.memory_space<hbm>>, %arg6: memref<50048x32xf32, #tpu.memory_space<hbm>>, %arg7: memref<50048x32xf32, #tpu.memory_space<hbm>>, %arg8: memref<125x80xi32, #tpu.memory_space<vmem>>, %arg9: memref<125x80xi32, #tpu.memory_space<vmem>>, %arg10: memref<80x32xf32, #tpu.memory_space<vmem>>, %arg11: memref<50048x32xf32, #tpu.memory_space<vmem_shared>>, %arg12: memref<!tpu.dma_semaphore, #tpu.memory_space<semaphore_mem>>) attributes {dimension_semantics = [#tpu.dimension_semantics<core_parallel>, #tpu.dimension_semantics<subcore_parallel>], iteration_bounds = array<i64: 2, 16>, scalar_prefetch = 0 : i64, scratch_operands = 5 : i64, tpu.core_type = #tpu.core_type<sc_vector_subcore>, window_params = [{transform_indices = #map}, {transform_indices = #map1}, {transform_indices = #map1}, {transform_indices = #map}, {transform_indices = #map}, {transform_indices = #map}]} {
    %mul3A = arith.constant 16 : i32
    %mul3A_0 = arith.muli %arg0, %mul3A : i32
    %add3A = arith.addi %mul3A_0, %arg1 : i32
    %mul3A_1 = arith.constant 3128 : i32
    %mul3A_2 = arith.muli %arg1, %mul3A_1 : i32
    "tpu.region"() ({
      %run_scoped3A = tpu.sem_alloc : memref<!tpu.dma_semaphore, #tpu.memory_space<semaphore_mem>>
      %dma_start3A = arith.constant 0 : i32
      %dma_start3A_16 = tpu.memref_slice %arg11[%mul3A_2, %dma_start3A] : memref<50048x32xf32, #tpu.memory_space<vmem_shared>> -> memref<3128x32xf32, #tpu.memory_space<vmem_shared>>
      tpu.enqueue_dma source(%arg5 : memref<3128x32xf32, #tpu.memory_space<hbm>>) target(%dma_start3A_16 : memref<3128x32xf32, #tpu.memory_space<vmem_shared>>) target_semaphore(%run_scoped3A : memref<!tpu.dma_semaphore, #tpu.memory_space<semaphore_mem>>)
      %dma_wait3A = arith.constant 0 : i32
      %dma_wait3A_17 = tpu.memref_slice %arg11[%mul3A_2, %dma_wait3A] : memref<50048x32xf32, #tpu.memory_space<vmem_shared>> -> memref<3128x32xf32, #tpu.memory_space<vmem_shared>>
      tpu.wait_dma2 semaphore(%run_scoped3A : memref<!tpu.dma_semaphore, #tpu.memory_space<semaphore_mem>>) src(%arg5 : memref<3128x32xf32, #tpu.memory_space<hbm>>) dst(%dma_wait3A_17 : memref<3128x32xf32, #tpu.memory_space<vmem_shared>>)
      tpu.yield
    }) : () -> ()
    "tpu.region"() ({
      %run_scoped3A = tpu.sem_alloc : memref<!tpu.dma_semaphore, #tpu.memory_space<semaphore_mem>>
      %dma_start3A = arith.constant 0 : i32
      %dma_start3A_16 = arith.constant 0 : i32
      %dma_start3A_17 = tpu.memref_slice %arg3[%add3A, %dma_start3A, %dma_start3A_16] : memref<32x125x80xi32, #tpu.memory_space<hbm>> -> memref<1x125x80xi32, #tpu.memory_space<hbm>>
      %dma_start3A_18 = tpu.memref_squeeze %dma_start3A_17 : memref<1x125x80xi32, #tpu.memory_space<hbm>> -> memref<125x80xi32, #tpu.memory_space<hbm>>
      %dma_start3A_19 = arith.constant 0 : i32
      %dma_start3A_20 = arith.constant 0 : i32
      %dma_start3A_21 = tpu.memref_slice %arg3[%add3A, %dma_start3A_19, %dma_start3A_20] : memref<32x125x80xi32, #tpu.memory_space<hbm>> -> memref<1x125x80xi32, #tpu.memory_space<hbm>>
      %dma_start3A_22 = tpu.memref_squeeze %dma_start3A_21 : memref<1x125x80xi32, #tpu.memory_space<hbm>> -> memref<125x80xi32, #tpu.memory_space<hbm>>
      tpu.enqueue_dma source(%dma_start3A_22 : memref<125x80xi32, #tpu.memory_space<hbm>>) target(%arg8 : memref<125x80xi32, #tpu.memory_space<vmem>>) target_semaphore(%run_scoped3A : memref<!tpu.dma_semaphore, #tpu.memory_space<semaphore_mem>>)
      %dma_wait3A = arith.constant 0 : i32
      %dma_wait3A_23 = arith.constant 0 : i32
      %dma_wait3A_24 = tpu.memref_slice %arg3[%add3A, %dma_wait3A, %dma_wait3A_23] : memref<32x125x80xi32, #tpu.memory_space<hbm>> -> memref<1x125x80xi32, #tpu.memory_space<hbm>>
      %dma_wait3A_25 = tpu.memref_squeeze %dma_wait3A_24 : memref<1x125x80xi32, #tpu.memory_space<hbm>> -> memref<125x80xi32, #tpu.memory_space<hbm>>
      %dma_wait3A_26 = arith.constant 0 : i32
      %dma_wait3A_27 = arith.constant 0 : i32
      %dma_wait3A_28 = tpu.memref_slice %arg3[%add3A, %dma_wait3A_26, %dma_wait3A_27] : memref<32x125x80xi32, #tpu.memory_space<hbm>> -> memref<1x125x80xi32, #tpu.memory_space<hbm>>
      %dma_wait3A_29 = tpu.memref_squeeze %dma_wait3A_28 : memref<1x125x80xi32, #tpu.memory_space<hbm>> -> memref<125x80xi32, #tpu.memory_space<hbm>>
      tpu.wait_dma2 semaphore(%run_scoped3A : memref<!tpu.dma_semaphore, #tpu.memory_space<semaphore_mem>>) src(%dma_wait3A_29 : memref<125x80xi32, #tpu.memory_space<hbm>>) dst(%arg8 : memref<125x80xi32, #tpu.memory_space<vmem>>)
      tpu.yield
    }) : () -> ()
    "tpu.region"() ({
      %run_scoped3A = tpu.sem_alloc : memref<!tpu.dma_semaphore, #tpu.memory_space<semaphore_mem>>
      %dma_start3A = arith.constant 0 : i32
      %dma_start3A_16 = arith.constant 0 : i32
      %dma_start3A_17 = tpu.memref_slice %arg4[%add3A, %dma_start3A, %dma_start3A_16] : memref<32x125x80xi32, #tpu.memory_space<hbm>> -> memref<1x125x80xi32, #tpu.memory_space<hbm>>
      %dma_start3A_18 = tpu.memref_squeeze %dma_start3A_17 : memref<1x125x80xi32, #tpu.memory_space<hbm>> -> memref<125x80xi32, #tpu.memory_space<hbm>>
      %dma_start3A_19 = arith.constant 0 : i32
      %dma_start3A_20 = arith.constant 0 : i32
      %dma_start3A_21 = tpu.memref_slice %arg4[%add3A, %dma_start3A_19, %dma_start3A_20] : memref<32x125x80xi32, #tpu.memory_space<hbm>> -> memref<1x125x80xi32, #tpu.memory_space<hbm>>
      %dma_start3A_22 = tpu.memref_squeeze %dma_start3A_21 : memref<1x125x80xi32, #tpu.memory_space<hbm>> -> memref<125x80xi32, #tpu.memory_space<hbm>>
      tpu.enqueue_dma source(%dma_start3A_22 : memref<125x80xi32, #tpu.memory_space<hbm>>) target(%arg9 : memref<125x80xi32, #tpu.memory_space<vmem>>) target_semaphore(%run_scoped3A : memref<!tpu.dma_semaphore, #tpu.memory_space<semaphore_mem>>)
      %dma_wait3A = arith.constant 0 : i32
      %dma_wait3A_23 = arith.constant 0 : i32
      %dma_wait3A_24 = tpu.memref_slice %arg4[%add3A, %dma_wait3A, %dma_wait3A_23] : memref<32x125x80xi32, #tpu.memory_space<hbm>> -> memref<1x125x80xi32, #tpu.memory_space<hbm>>
      %dma_wait3A_25 = tpu.memref_squeeze %dma_wait3A_24 : memref<1x125x80xi32, #tpu.memory_space<hbm>> -> memref<125x80xi32, #tpu.memory_space<hbm>>
      %dma_wait3A_26 = arith.constant 0 : i32
      %dma_wait3A_27 = arith.constant 0 : i32
      %dma_wait3A_28 = tpu.memref_slice %arg4[%add3A, %dma_wait3A_26, %dma_wait3A_27] : memref<32x125x80xi32, #tpu.memory_space<hbm>> -> memref<1x125x80xi32, #tpu.memory_space<hbm>>
      %dma_wait3A_29 = tpu.memref_squeeze %dma_wait3A_28 : memref<1x125x80xi32, #tpu.memory_space<hbm>> -> memref<125x80xi32, #tpu.memory_space<hbm>>
      tpu.wait_dma2 semaphore(%run_scoped3A : memref<!tpu.dma_semaphore, #tpu.memory_space<semaphore_mem>>) src(%dma_wait3A_29 : memref<125x80xi32, #tpu.memory_space<hbm>>) dst(%arg9 : memref<125x80xi32, #tpu.memory_space<vmem>>)
      tpu.yield
    }) : () -> ()
    %barrier3A = arith.constant 0 : index
    tpu.barrier barrier_id(%barrier3A)
    %scan3A = arith.constant 0 : i32
    %scan3A_3 = arith.constant 0 : i32
    %scan3A_4 = arith.constant 125 : i32
    %scan3A_5 = arith.addi %scan3A_3, %scan3A_4 : i32
    %scan3A_6 = arith.constant 1 : i32
    scf.for %scan3A_16 = %scan3A_3 to %scan3A_5 step %scan3A_6  : i32 {
      %dma_start3A = arith.constant 0 : i32
      %dma_start3A_17 = tpu.memref_slice %arg8[%scan3A_16, %dma_start3A] : memref<125x80xi32, #tpu.memory_space<vmem>> -> memref<1x80xi32, #tpu.memory_space<vmem>>
      %dma_start3A_18 = tpu.memref_squeeze %dma_start3A_17 : memref<1x80xi32, #tpu.memory_space<vmem>> -> memref<80xi32, #tpu.memory_space<vmem>>
      %dma_start3A_19 = arith.constant 0 : i32
      %dma_start3A_20 = arith.constant 0 : i32
      %dma_start3A_21 = tpu.memref_slice %arg2[%dma_start3A_19, %dma_start3A_20] : memref<50000x32xf32, #tpu.memory_space<hbm>> -> memref<50000x32xf32, #tpu.memory_space<hbm>>
      tpu.enqueue_indirect_dma source(%dma_start3A_21 : memref<50000x32xf32, #tpu.memory_space<hbm>>) target(%arg10 : memref<80x32xf32, #tpu.memory_space<vmem>>) offsets(%dma_start3A_18 : memref<80xi32, #tpu.memory_space<vmem>>) semaphore(%arg12 : memref<!tpu.dma_semaphore, #tpu.memory_space<semaphore_mem>>)
      %dma_wait3A = arith.constant 0 : i32
      %dma_wait3A_22 = tpu.memref_slice %arg8[%scan3A_16, %dma_wait3A] : memref<125x80xi32, #tpu.memory_space<vmem>> -> memref<1x80xi32, #tpu.memory_space<vmem>>
      %dma_wait3A_23 = tpu.memref_squeeze %dma_wait3A_22 : memref<1x80xi32, #tpu.memory_space<vmem>> -> memref<80xi32, #tpu.memory_space<vmem>>
      %dma_wait3A_24 = arith.constant 0 : i32
      %dma_wait3A_25 = arith.constant 0 : i32
      %dma_wait3A_26 = tpu.memref_slice %arg2[%dma_wait3A_24, %dma_wait3A_25] : memref<50000x32xf32, #tpu.memory_space<hbm>> -> memref<50000x32xf32, #tpu.memory_space<hbm>>
      tpu.wait_indirect_dma semaphore(%arg12 : memref<!tpu.dma_semaphore, #tpu.memory_space<semaphore_mem>>) src(%dma_wait3A_26 : memref<50000x32xf32, #tpu.memory_space<hbm>>) dst(%arg10 : memref<80x32xf32, #tpu.memory_space<vmem>>)
      "tpu.region"() ({
        %run_scoped3A = tpu.sem_alloc : memref<!tpu.dma_semaphore, #tpu.memory_space<semaphore_mem>>
        %dma_start3A_27 = arith.constant 0 : i32
        %dma_start3A_28 = tpu.memref_slice %arg9[%scan3A_16, %dma_start3A_27] : memref<125x80xi32, #tpu.memory_space<vmem>> -> memref<1x80xi32, #tpu.memory_space<vmem>>
        %dma_start3A_29 = tpu.memref_squeeze %dma_start3A_28 : memref<1x80xi32, #tpu.memory_space<vmem>> -> memref<80xi32, #tpu.memory_space<vmem>>
        %dma_start3A_30 = arith.constant 0 : i32
        %dma_start3A_31 = arith.constant 0 : i32
        %dma_start3A_32 = tpu.memref_slice %arg11[%dma_start3A_30, %dma_start3A_31] : memref<50048x32xf32, #tpu.memory_space<vmem_shared>> -> memref<50048x32xf32, #tpu.memory_space<vmem_shared>>
        tpu.enqueue_indirect_dma source(%arg10 : memref<80x32xf32, #tpu.memory_space<vmem>>) target(%dma_start3A_32 : memref<50048x32xf32, #tpu.memory_space<vmem_shared>>) offsets(%dma_start3A_29 : memref<80xi32, #tpu.memory_space<vmem>>) semaphore(%run_scoped3A : memref<!tpu.dma_semaphore, #tpu.memory_space<semaphore_mem>>) {add = true}
        %dma_wait3A_33 = arith.constant 0 : i32
        %dma_wait3A_34 = tpu.memref_slice %arg9[%scan3A_16, %dma_wait3A_33] : memref<125x80xi32, #tpu.memory_space<vmem>> -> memref<1x80xi32, #tpu.memory_space<vmem>>
        %dma_wait3A_35 = tpu.memref_squeeze %dma_wait3A_34 : memref<1x80xi32, #tpu.memory_space<vmem>> -> memref<80xi32, #tpu.memory_space<vmem>>
        %dma_wait3A_36 = arith.constant 0 : i32
        %dma_wait3A_37 = arith.constant 0 : i32
        %dma_wait3A_38 = tpu.memref_slice %arg11[%dma_wait3A_36, %dma_wait3A_37] : memref<50048x32xf32, #tpu.memory_space<vmem_shared>> -> memref<50048x32xf32, #tpu.memory_space<vmem_shared>>
        tpu.wait_indirect_dma semaphore(%run_scoped3A : memref<!tpu.dma_semaphore, #tpu.memory_space<semaphore_mem>>) src(%arg10 : memref<80x32xf32, #tpu.memory_space<vmem>>) dst(%dma_wait3A_38 : memref<50048x32xf32, #tpu.memory_space<vmem_shared>>)
        tpu.yield
      }) : () -> ()
    }
    %scan3A_7 = arith.constant 125 : i32
    %barrier3A_8 = arith.constant 0 : index
    tpu.barrier barrier_id(%barrier3A_8)
    %eq3A = arith.constant 0 : i32
    %eq3A_9 = arith.cmpi eq, %arg0, %eq3A : i32
    %convert_element_type3A = arith.extui %eq3A_9 : i1 to i32
    %cond3A = arith.constant 0 : i32
    %cond3A_10 = arith.cmpi ne, %convert_element_type3A, %cond3A : i32
    scf.if %cond3A_10 {
      %mul3A_16 = arith.constant 3128 : i32
      %mul3A_17 = arith.muli %arg1, %mul3A_16 : i32
      %mul3A_18 = arith.constant 3128 : i32
      %mul3A_19 = arith.muli %arg1, %mul3A_18 : i32
      "tpu.region"() ({
        %run_scoped3A = tpu.sem_alloc : memref<!tpu.dma_semaphore, #tpu.memory_space<semaphore_mem>>
        %dma_start3A = arith.constant 0 : i32
        %dma_start3A_20 = tpu.memref_slice %arg6[%mul3A_19, %dma_start3A] : memref<50048x32xf32, #tpu.memory_space<hbm>> -> memref<3128x32xf32, #tpu.memory_space<hbm>>
        %dma_start3A_21 = arith.constant 0 : i32
        %dma_start3A_22 = tpu.memref_slice %arg11[%mul3A_17, %dma_start3A_21] : memref<50048x32xf32, #tpu.memory_space<vmem_shared>> -> memref<3128x32xf32, #tpu.memory_space<vmem_shared>>
        tpu.enqueue_dma source(%dma_start3A_22 : memref<3128x32xf32, #tpu.memory_space<vmem_shared>>) target(%dma_start3A_20 : memref<3128x32xf32, #tpu.memory_space<hbm>>) target_semaphore(%run_scoped3A : memref<!tpu.dma_semaphore, #tpu.memory_space<semaphore_mem>>)
        %dma_wait3A = arith.constant 0 : i32
        %dma_wait3A_23 = tpu.memref_slice %arg6[%mul3A_19, %dma_wait3A] : memref<50048x32xf32, #tpu.memory_space<hbm>> -> memref<3128x32xf32, #tpu.memory_space<hbm>>
        %dma_wait3A_24 = arith.constant 0 : i32
        %dma_wait3A_25 = tpu.memref_slice %arg11[%mul3A_17, %dma_wait3A_24] : memref<50048x32xf32, #tpu.memory_space<vmem_shared>> -> memref<3128x32xf32, #tpu.memory_space<vmem_shared>>
        tpu.wait_dma2 semaphore(%run_scoped3A : memref<!tpu.dma_semaphore, #tpu.memory_space<semaphore_mem>>) src(%dma_wait3A_25 : memref<3128x32xf32, #tpu.memory_space<vmem_shared>>) dst(%dma_wait3A_23 : memref<3128x32xf32, #tpu.memory_space<hbm>>)
        tpu.yield
      }) : () -> ()
    } else {
    }
    %eq3A_11 = arith.constant 1 : i32
    %eq3A_12 = arith.cmpi eq, %arg0, %eq3A_11 : i32
    %convert_element_type3A_13 = arith.extui %eq3A_12 : i1 to i32
    %cond3A_14 = arith.constant 0 : i32
    %cond3A_15 = arith.cmpi ne, %convert_element_type3A_13, %cond3A_14 : i32
    scf.if %cond3A_15 {
      %mul3A_16 = arith.constant 3128 : i32
      %mul3A_17 = arith.muli %arg1, %mul3A_16 : i32
      %mul3A_18 = arith.constant 3128 : i32
      %mul3A_19 = arith.muli %arg1, %mul3A_18 : i32
      "tpu.region"() ({
        %run_scoped3A = tpu.sem_alloc : memref<!tpu.dma_semaphore, #tpu.memory_space<semaphore_mem>>
        %dma_start3A = arith.constant 0 : i32
        %dma_start3A_20 = tpu.memref_slice %arg7[%mul3A_19, %dma_start3A] : memref<50048x32xf32, #tpu.memory_space<hbm>> -> memref<3128x32xf32, #tpu.memory_space<hbm>>
        %dma_start3A_21 = arith.constant 0 : i32
        %dma_start3A_22 = tpu.memref_slice %arg11[%mul3A_17, %dma_start3A_21] : memref<50048x32xf32, #tpu.memory_space<vmem_shared>> -> memref<3128x32xf32, #tpu.memory_space<vmem_shared>>
        tpu.enqueue_dma source(%dma_start3A_22 : memref<3128x32xf32, #tpu.memory_space<vmem_shared>>) target(%dma_start3A_20 : memref<3128x32xf32, #tpu.memory_space<hbm>>) target_semaphore(%run_scoped3A : memref<!tpu.dma_semaphore, #tpu.memory_space<semaphore_mem>>)
        %dma_wait3A = arith.constant 0 : i32
        %dma_wait3A_23 = tpu.memref_slice %arg7[%mul3A_19, %dma_wait3A] : memref<50048x32xf32, #tpu.memory_space<hbm>> -> memref<3128x32xf32, #tpu.memory_space<hbm>>
        %dma_wait3A_24 = arith.constant 0 : i32
        %dma_wait3A_25 = tpu.memref_slice %arg11[%mul3A_17, %dma_wait3A_24] : memref<50048x32xf32, #tpu.memory_space<vmem_shared>> -> memref<3128x32xf32, #tpu.memory_space<vmem_shared>>
        tpu.wait_dma2 semaphore(%run_scoped3A : memref<!tpu.dma_semaphore, #tpu.memory_space<semaphore_mem>>) src(%dma_wait3A_25 : memref<3128x32xf32, #tpu.memory_space<vmem_shared>>) dst(%dma_wait3A_23 : memref<3128x32xf32, #tpu.memory_space<hbm>>)
        tpu.yield
      }) : () -> ()
    } else {
    }
    return
  }
}

#map = affine_map<(d0, d1) -> (0)>
#map1 = affine_map<(d0, d1) -> (0, 0)>
#map2 = affine_map<(d0, d1) -> (0, 0, 0)>
module attributes {stable_mosaic.version = 14 : i64} {
  func.func @_count_body(%arg0: i32, %arg1: i32, %arg2: memref<320000xi32, #tpu.memory_space<hbm>>, %arg3: memref<320000xi32, #tpu.memory_space<hbm>>, %arg4: memref<320000xi32, #tpu.memory_space<hbm>>, %arg5: memref<80x16xf32, #tpu.memory_space<hbm>>, %arg6: memref<3128x16xf32, #tpu.memory_space<hbm>>, %arg7: memref<2x50048x16xf32, #tpu.memory_space<hbm>>, %arg8: memref<32x125x80xi32, #tpu.memory_space<hbm>>, %arg9: memref<32x125x80xi32, #tpu.memory_space<hbm>>, %arg10: memref<10000xi32, #tpu.memory_space<vmem>>, %arg11: memref<10000xi32, #tpu.memory_space<vmem>>, %arg12: memref<10000xi32, #tpu.memory_space<vmem>>, %arg13: memref<125x80xi32, #tpu.memory_space<vmem>>, %arg14: memref<125x80xi32, #tpu.memory_space<vmem>>, %arg15: memref<80x16xf32, #tpu.memory_space<vmem>>, %arg16: memref<50048x16xf32, #tpu.memory_space<vmem_shared>>) attributes {dimension_semantics = [#tpu.dimension_semantics<core_parallel>, #tpu.dimension_semantics<subcore_parallel>], iteration_bounds = array<i64: 2, 16>, scalar_prefetch = 0 : i64, scratch_operands = 7 : i64, tpu.core_type = #tpu.core_type<sc_vector_subcore>, window_params = [{transform_indices = #map}, {transform_indices = #map}, {transform_indices = #map}, {transform_indices = #map1}, {transform_indices = #map1}, {transform_indices = #map2}, {transform_indices = #map2}, {transform_indices = #map2}]} {
    %mul3A = arith.constant 16 : i32
    %mul3A_0 = arith.muli %arg0, %mul3A : i32
    %add3A = arith.addi %mul3A_0, %arg1 : i32
    %mul3A_1 = arith.constant 10000 : i32
    %mul3A_2 = arith.muli %add3A, %mul3A_1 : i32
    "tpu.region"() ({
      %run_scoped3A = tpu.sem_alloc : memref<!tpu.dma_semaphore, #tpu.memory_space<semaphore_mem>>
      %dma_start3A = tpu.memref_slice %arg2[%mul3A_2] : memref<320000xi32, #tpu.memory_space<hbm>> -> memref<10000xi32, #tpu.memory_space<hbm>>
      %dma_start3A_21 = tpu.memref_slice %arg2[%mul3A_2] : memref<320000xi32, #tpu.memory_space<hbm>> -> memref<10000xi32, #tpu.memory_space<hbm>>
      tpu.enqueue_dma source(%dma_start3A_21 : memref<10000xi32, #tpu.memory_space<hbm>>) target(%arg10 : memref<10000xi32, #tpu.memory_space<vmem>>) target_semaphore(%run_scoped3A : memref<!tpu.dma_semaphore, #tpu.memory_space<semaphore_mem>>)
      %dma_wait3A = tpu.memref_slice %arg2[%mul3A_2] : memref<320000xi32, #tpu.memory_space<hbm>> -> memref<10000xi32, #tpu.memory_space<hbm>>
      %dma_wait3A_22 = tpu.memref_slice %arg2[%mul3A_2] : memref<320000xi32, #tpu.memory_space<hbm>> -> memref<10000xi32, #tpu.memory_space<hbm>>
      tpu.wait_dma2 semaphore(%run_scoped3A : memref<!tpu.dma_semaphore, #tpu.memory_space<semaphore_mem>>) src(%dma_wait3A_22 : memref<10000xi32, #tpu.memory_space<hbm>>) dst(%arg10 : memref<10000xi32, #tpu.memory_space<vmem>>)
      tpu.yield
    }) : () -> ()
    "tpu.region"() ({
      %run_scoped3A = tpu.sem_alloc : memref<!tpu.dma_semaphore, #tpu.memory_space<semaphore_mem>>
      %dma_start3A = tpu.memref_slice %arg3[%mul3A_2] : memref<320000xi32, #tpu.memory_space<hbm>> -> memref<10000xi32, #tpu.memory_space<hbm>>
      %dma_start3A_21 = tpu.memref_slice %arg3[%mul3A_2] : memref<320000xi32, #tpu.memory_space<hbm>> -> memref<10000xi32, #tpu.memory_space<hbm>>
      tpu.enqueue_dma source(%dma_start3A_21 : memref<10000xi32, #tpu.memory_space<hbm>>) target(%arg11 : memref<10000xi32, #tpu.memory_space<vmem>>) target_semaphore(%run_scoped3A : memref<!tpu.dma_semaphore, #tpu.memory_space<semaphore_mem>>)
      %dma_wait3A = tpu.memref_slice %arg3[%mul3A_2] : memref<320000xi32, #tpu.memory_space<hbm>> -> memref<10000xi32, #tpu.memory_space<hbm>>
      %dma_wait3A_22 = tpu.memref_slice %arg3[%mul3A_2] : memref<320000xi32, #tpu.memory_space<hbm>> -> memref<10000xi32, #tpu.memory_space<hbm>>
      tpu.wait_dma2 semaphore(%run_scoped3A : memref<!tpu.dma_semaphore, #tpu.memory_space<semaphore_mem>>) src(%dma_wait3A_22 : memref<10000xi32, #tpu.memory_space<hbm>>) dst(%arg11 : memref<10000xi32, #tpu.memory_space<vmem>>)
      tpu.yield
    }) : () -> ()
    "tpu.region"() ({
      %run_scoped3A = tpu.sem_alloc : memref<!tpu.dma_semaphore, #tpu.memory_space<semaphore_mem>>
      %dma_start3A = tpu.memref_slice %arg4[%mul3A_2] : memref<320000xi32, #tpu.memory_space<hbm>> -> memref<10000xi32, #tpu.memory_space<hbm>>
      %dma_start3A_21 = tpu.memref_slice %arg4[%mul3A_2] : memref<320000xi32, #tpu.memory_space<hbm>> -> memref<10000xi32, #tpu.memory_space<hbm>>
      tpu.enqueue_dma source(%dma_start3A_21 : memref<10000xi32, #tpu.memory_space<hbm>>) target(%arg12 : memref<10000xi32, #tpu.memory_space<vmem>>) target_semaphore(%run_scoped3A : memref<!tpu.dma_semaphore, #tpu.memory_space<semaphore_mem>>)
      %dma_wait3A = tpu.memref_slice %arg4[%mul3A_2] : memref<320000xi32, #tpu.memory_space<hbm>> -> memref<10000xi32, #tpu.memory_space<hbm>>
      %dma_wait3A_22 = tpu.memref_slice %arg4[%mul3A_2] : memref<320000xi32, #tpu.memory_space<hbm>> -> memref<10000xi32, #tpu.memory_space<hbm>>
      tpu.wait_dma2 semaphore(%run_scoped3A : memref<!tpu.dma_semaphore, #tpu.memory_space<semaphore_mem>>) src(%dma_wait3A_22 : memref<10000xi32, #tpu.memory_space<hbm>>) dst(%arg12 : memref<10000xi32, #tpu.memory_space<vmem>>)
      tpu.yield
    }) : () -> ()
    "tpu.region"() ({
      %run_scoped3A = tpu.sem_alloc : memref<!tpu.dma_semaphore, #tpu.memory_space<semaphore_mem>>
      tpu.enqueue_dma source(%arg5 : memref<80x16xf32, #tpu.memory_space<hbm>>) target(%arg15 : memref<80x16xf32, #tpu.memory_space<vmem>>) target_semaphore(%run_scoped3A : memref<!tpu.dma_semaphore, #tpu.memory_space<semaphore_mem>>)
      tpu.wait_dma2 semaphore(%run_scoped3A : memref<!tpu.dma_semaphore, #tpu.memory_space<semaphore_mem>>) src(%arg5 : memref<80x16xf32, #tpu.memory_space<hbm>>) dst(%arg15 : memref<80x16xf32, #tpu.memory_space<vmem>>)
      tpu.yield
    }) : () -> ()
    %mul3A_3 = arith.constant 3128 : i32
    %mul3A_4 = arith.muli %arg1, %mul3A_3 : i32
    "tpu.region"() ({
      %run_scoped3A = tpu.sem_alloc : memref<!tpu.dma_semaphore, #tpu.memory_space<semaphore_mem>>
      %dma_start3A = arith.constant 0 : i32
      %dma_start3A_21 = tpu.memref_slice %arg16[%mul3A_4, %dma_start3A] : memref<50048x16xf32, #tpu.memory_space<vmem_shared>> -> memref<3128x16xf32, #tpu.memory_space<vmem_shared>>
      tpu.enqueue_dma source(%arg6 : memref<3128x16xf32, #tpu.memory_space<hbm>>) target(%dma_start3A_21 : memref<3128x16xf32, #tpu.memory_space<vmem_shared>>) target_semaphore(%run_scoped3A : memref<!tpu.dma_semaphore, #tpu.memory_space<semaphore_mem>>)
      %dma_wait3A = arith.constant 0 : i32
      %dma_wait3A_22 = tpu.memref_slice %arg16[%mul3A_4, %dma_wait3A] : memref<50048x16xf32, #tpu.memory_space<vmem_shared>> -> memref<3128x16xf32, #tpu.memory_space<vmem_shared>>
      tpu.wait_dma2 semaphore(%run_scoped3A : memref<!tpu.dma_semaphore, #tpu.memory_space<semaphore_mem>>) src(%arg6 : memref<3128x16xf32, #tpu.memory_space<hbm>>) dst(%dma_wait3A_22 : memref<3128x16xf32, #tpu.memory_space<vmem_shared>>)
      tpu.yield
    }) : () -> ()
    %scan3A = arith.constant 0 : i32
    %scan3A_5 = arith.constant 0 : i32
    %scan3A_6 = arith.constant 125 : i32
    %scan3A_7 = arith.addi %scan3A_5, %scan3A_6 : i32
    %scan3A_8 = arith.constant 1 : i32
    scf.for %scan3A_21 = %scan3A_5 to %scan3A_7 step %scan3A_8  : i32 {
      %mul3A_22 = arith.constant 80 : i32
      %mul3A_23 = arith.muli %scan3A_21, %mul3A_22 : i32
      %add3A_24 = arith.constant 0 : i32
      %add3A_25 = arith.addi %mul3A_23, %add3A_24 : i32
      %get3A = arith.index_cast %add3A_25 : i32 to index
      %get3A_26 = tpu.vector_load %arg10[%get3A] {strides = array<i32>} : memref<10000xi32, #tpu.memory_space<vmem>>, vector<16xi32>,
      %get3A_27 = vector.shape_cast %get3A_26 : vector<16xi32> to vector<16xi32>
      %get3A_28 = arith.index_cast %add3A_25 : i32 to index
      %get3A_29 = tpu.vector_load %arg11[%get3A_28] {strides = array<i32>} : memref<10000xi32, #tpu.memory_space<vmem>>, vector<16xi32>,
      %get3A_30 = vector.shape_cast %get3A_29 : vector<16xi32> to vector<16xi32>
      %get3A_31 = arith.index_cast %add3A_25 : i32 to index
      %get3A_32 = tpu.vector_load %arg12[%get3A_31] {strides = array<i32>} : memref<10000xi32, #tpu.memory_space<vmem>>, vector<16xi32>,
      %get3A_33 = vector.shape_cast %get3A_32 : vector<16xi32> to vector<16xi32>
      %mul3A_34 = arith.constant 5 : i32
      %mul3A_35 = vector.broadcast %mul3A_34 : i32 to vector<16xi32>
      %mul3A_36 = arith.muli %get3A_27, %mul3A_35 : vector<16xi32>
      %add3A_37 = arith.addi %mul3A_36, %get3A_33 : vector<16xi32>
      %swap3A = arith.index_cast %scan3A_21 : i32 to index
      %swap3A_38 = arith.constant 0 : index
      %swap3A_39 = tpu.vector_load %arg13[%swap3A, %swap3A_38] {strides = array<i32>} : memref<125x80xi32, #tpu.memory_space<vmem>>, vector<1x16xi32>,
      %swap3A_40 = vector.shape_cast %swap3A_39 : vector<1x16xi32> to vector<16xi32>
      %swap3A_41 = vector.shape_cast %add3A_37 : vector<16xi32> to vector<1x16xi32>
      tpu.vector_store %arg13[%swap3A, %swap3A_38], %swap3A_41 {strides = array<i32>} : memref<125x80xi32, #tpu.memory_space<vmem>>, vector<1x16xi32>,
      %mul3A_42 = arith.constant 5 : i32
      %mul3A_43 = vector.broadcast %mul3A_42 : i32 to vector<16xi32>
      %mul3A_44 = arith.muli %get3A_30, %mul3A_43 : vector<16xi32>
      %add3A_45 = arith.addi %mul3A_44, %get3A_33 : vector<16xi32>
      %swap3A_46 = arith.index_cast %scan3A_21 : i32 to index
      %swap3A_47 = arith.constant 0 : index
      %swap3A_48 = tpu.vector_load %arg14[%swap3A_46, %swap3A_47] {strides = array<i32>} : memref<125x80xi32, #tpu.memory_space<vmem>>, vector<1x16xi32>,
      %swap3A_49 = vector.shape_cast %swap3A_48 : vector<1x16xi32> to vector<16xi32>
      %swap3A_50 = vector.shape_cast %add3A_45 : vector<16xi32> to vector<1x16xi32>
      tpu.vector_store %arg14[%swap3A_46, %swap3A_47], %swap3A_50 {strides = array<i32>} : memref<125x80xi32, #tpu.memory_space<vmem>>, vector<1x16xi32>,
      %mul3A_51 = arith.constant 80 : i32
      %mul3A_52 = arith.muli %scan3A_21, %mul3A_51 : i32
      %add3A_53 = arith.constant 16 : i32
      %add3A_54 = arith.addi %mul3A_52, %add3A_53 : i32
      %get3A_55 = arith.index_cast %add3A_54 : i32 to index
      %get3A_56 = tpu.vector_load %arg10[%get3A_55] {strides = array<i32>} : memref<10000xi32, #tpu.memory_space<vmem>>, vector<16xi32>,
      %get3A_57 = vector.shape_cast %get3A_56 : vector<16xi32> to vector<16xi32>
      %get3A_58 = arith.index_cast %add3A_54 : i32 to index
      %get3A_59 = tpu.vector_load %arg11[%get3A_58] {strides = array<i32>} : memref<10000xi32, #tpu.memory_space<vmem>>, vector<16xi32>,
      %get3A_60 = vector.shape_cast %get3A_59 : vector<16xi32> to vector<16xi32>
      %get3A_61 = arith.index_cast %add3A_54 : i32 to index
      %get3A_62 = tpu.vector_load %arg12[%get3A_61] {strides = array<i32>} : memref<10000xi32, #tpu.memory_space<vmem>>, vector<16xi32>,
      %get3A_63 = vector.shape_cast %get3A_62 : vector<16xi32> to vector<16xi32>
      %mul3A_64 = arith.constant 5 : i32
      %mul3A_65 = vector.broadcast %mul3A_64 : i32 to vector<16xi32>
      %mul3A_66 = arith.muli %get3A_57, %mul3A_65 : vector<16xi32>
      %add3A_67 = arith.addi %mul3A_66, %get3A_63 : vector<16xi32>
      %swap3A_68 = arith.index_cast %scan3A_21 : i32 to index
      %swap3A_69 = arith.constant 16 : index
      %swap3A_70 = tpu.vector_load %arg13[%swap3A_68, %swap3A_69] {strides = array<i32>} : memref<125x80xi32, #tpu.memory_space<vmem>>, vector<1x16xi32>,
      %swap3A_71 = vector.shape_cast %swap3A_70 : vector<1x16xi32> to vector<16xi32>
      %swap3A_72 = vector.shape_cast %add3A_67 : vector<16xi32> to vector<1x16xi32>
      tpu.vector_store %arg13[%swap3A_68, %swap3A_69], %swap3A_72 {strides = array<i32>} : memref<125x80xi32, #tpu.memory_space<vmem>>, vector<1x16xi32>,
      %mul3A_73 = arith.constant 5 : i32
      %mul3A_74 = vector.broadcast %mul3A_73 : i32 to vector<16xi32>
      %mul3A_75 = arith.muli %get3A_60, %mul3A_74 : vector<16xi32>
      %add3A_76 = arith.addi %mul3A_75, %get3A_63 : vector<16xi32>
      %swap3A_77 = arith.index_cast %scan3A_21 : i32 to index
      %swap3A_78 = arith.constant 16 : index
      %swap3A_79 = tpu.vector_load %arg14[%swap3A_77, %swap3A_78] {strides = array<i32>} : memref<125x80xi32, #tpu.memory_space<vmem>>, vector<1x16xi32>,
      %swap3A_80 = vector.shape_cast %swap3A_79 : vector<1x16xi32> to vector<16xi32>
      %swap3A_81 = vector.shape_cast %add3A_76 : vector<16xi32> to vector<1x16xi32>
      tpu.vector_store %arg14[%swap3A_77, %swap3A_78], %swap3A_81 {strides = array<i32>} : memref<125x80xi32, #tpu.memory_space<vmem>>, vector<1x16xi32>,
      %mul3A_82 = arith.constant 80 : i32
      %mul3A_83 = arith.muli %scan3A_21, %mul3A_82 : i32
      %add3A_84 = arith.constant 32 : i32
      %add3A_85 = arith.addi %mul3A_83, %add3A_84 : i32
      %get3A_86 = arith.index_cast %add3A_85 : i32 to index
      %get3A_87 = tpu.vector_load %arg10[%get3A_86] {strides = array<i32>} : memref<10000xi32, #tpu.memory_space<vmem>>, vector<16xi32>,
      %get3A_88 = vector.shape_cast %get3A_87 : vector<16xi32> to vector<16xi32>
      %get3A_89 = arith.index_cast %add3A_85 : i32 to index
      %get3A_90 = tpu.vector_load %arg11[%get3A_89] {strides = array<i32>} : memref<10000xi32, #tpu.memory_space<vmem>>, vector<16xi32>,
      %get3A_91 = vector.shape_cast %get3A_90 : vector<16xi32> to vector<16xi32>
      %get3A_92 = arith.index_cast %add3A_85 : i32 to index
      %get3A_93 = tpu.vector_load %arg12[%get3A_92] {strides = array<i32>} : memref<10000xi32, #tpu.memory_space<vmem>>, vector<16xi32>,
      %get3A_94 = vector.shape_cast %get3A_93 : vector<16xi32> to vector<16xi32>
      %mul3A_95 = arith.constant 5 : i32
      %mul3A_96 = vector.broadcast %mul3A_95 : i32 to vector<16xi32>
      %mul3A_97 = arith.muli %get3A_88, %mul3A_96 : vector<16xi32>
      %add3A_98 = arith.addi %mul3A_97, %get3A_94 : vector<16xi32>
      %swap3A_99 = arith.index_cast %scan3A_21 : i32 to index
      %swap3A_100 = arith.constant 32 : index
      %swap3A_101 = tpu.vector_load %arg13[%swap3A_99, %swap3A_100] {strides = array<i32>} : memref<125x80xi32, #tpu.memory_space<vmem>>, vector<1x16xi32>,
      %swap3A_102 = vector.shape_cast %swap3A_101 : vector<1x16xi32> to vector<16xi32>
      %swap3A_103 = vector.shape_cast %add3A_98 : vector<16xi32> to vector<1x16xi32>
      tpu.vector_store %arg13[%swap3A_99, %swap3A_100], %swap3A_103 {strides = array<i32>} : memref<125x80xi32, #tpu.memory_space<vmem>>, vector<1x16xi32>,
      %mul3A_104 = arith.constant 5 : i32
      %mul3A_105 = vector.broadcast %mul3A_104 : i32 to vector<16xi32>
      %mul3A_106 = arith.muli %get3A_91, %mul3A_105 : vector<16xi32>
      %add3A_107 = arith.addi %mul3A_106, %get3A_94 : vector<16xi32>
      %swap3A_108 = arith.index_cast %scan3A_21 : i32 to index
      %swap3A_109 = arith.constant 32 : index
      %swap3A_110 = tpu.vector_load %arg14[%swap3A_108, %swap3A_109] {strides = array<i32>} : memref<125x80xi32, #tpu.memory_space<vmem>>, vector<1x16xi32>,
      %swap3A_111 = vector.shape_cast %swap3A_110 : vector<1x16xi32> to vector<16xi32>
      %swap3A_112 = vector.shape_cast %add3A_107 : vector<16xi32> to vector<1x16xi32>
      tpu.vector_store %arg14[%swap3A_108, %swap3A_109], %swap3A_112 {strides = array<i32>} : memref<125x80xi32, #tpu.memory_space<vmem>>, vector<1x16xi32>,
      %mul3A_113 = arith.constant 80 : i32
      %mul3A_114 = arith.muli %scan3A_21, %mul3A_113 : i32
      %add3A_115 = arith.constant 48 : i32
      %add3A_116 = arith.addi %mul3A_114, %add3A_115 : i32
      %get3A_117 = arith.index_cast %add3A_116 : i32 to index
      %get3A_118 = tpu.vector_load %arg10[%get3A_117] {strides = array<i32>} : memref<10000xi32, #tpu.memory_space<vmem>>, vector<16xi32>,
      %get3A_119 = vector.shape_cast %get3A_118 : vector<16xi32> to vector<16xi32>
      %get3A_120 = arith.index_cast %add3A_116 : i32 to index
      %get3A_121 = tpu.vector_load %arg11[%get3A_120] {strides = array<i32>} : memref<10000xi32, #tpu.memory_space<vmem>>, vector<16xi32>,
      %get3A_122 = vector.shape_cast %get3A_121 : vector<16xi32> to vector<16xi32>
      %get3A_123 = arith.index_cast %add3A_116 : i32 to index
      %get3A_124 = tpu.vector_load %arg12[%get3A_123] {strides = array<i32>} : memref<10000xi32, #tpu.memory_space<vmem>>, vector<16xi32>,
      %get3A_125 = vector.shape_cast %get3A_124 : vector<16xi32> to vector<16xi32>
      %mul3A_126 = arith.constant 5 : i32
      %mul3A_127 = vector.broadcast %mul3A_126 : i32 to vector<16xi32>
      %mul3A_128 = arith.muli %get3A_119, %mul3A_127 : vector<16xi32>
      %add3A_129 = arith.addi %mul3A_128, %get3A_125 : vector<16xi32>
      %swap3A_130 = arith.index_cast %scan3A_21 : i32 to index
      %swap3A_131 = arith.constant 48 : index
      %swap3A_132 = tpu.vector_load %arg13[%swap3A_130, %swap3A_131] {strides = array<i32>} : memref<125x80xi32, #tpu.memory_space<vmem>>, vector<1x16xi32>,
      %swap3A_133 = vector.shape_cast %swap3A_132 : vector<1x16xi32> to vector<16xi32>
      %swap3A_134 = vector.shape_cast %add3A_129 : vector<16xi32> to vector<1x16xi32>
      tpu.vector_store %arg13[%swap3A_130, %swap3A_131], %swap3A_134 {strides = array<i32>} : memref<125x80xi32, #tpu.memory_space<vmem>>, vector<1x16xi32>,
      %mul3A_135 = arith.constant 5 : i32
      %mul3A_136 = vector.broadcast %mul3A_135 : i32 to vector<16xi32>
      %mul3A_137 = arith.muli %get3A_122, %mul3A_136 : vector<16xi32>
      %add3A_138 = arith.addi %mul3A_137, %get3A_125 : vector<16xi32>
      %swap3A_139 = arith.index_cast %scan3A_21 : i32 to index
      %swap3A_140 = arith.constant 48 : index
      %swap3A_141 = tpu.vector_load %arg14[%swap3A_139, %swap3A_140] {strides = array<i32>} : memref<125x80xi32, #tpu.memory_space<vmem>>, vector<1x16xi32>,
      %swap3A_142 = vector.shape_cast %swap3A_141 : vector<1x16xi32> to vector<16xi32>
      %swap3A_143 = vector.shape_cast %add3A_138 : vector<16xi32> to vector<1x16xi32>
      tpu.vector_store %arg14[%swap3A_139, %swap3A_140], %swap3A_143 {strides = array<i32>} : memref<125x80xi32, #tpu.memory_space<vmem>>, vector<1x16xi32>,
      %mul3A_144 = arith.constant 80 : i32
      %mul3A_145 = arith.muli %scan3A_21, %mul3A_144 : i32
      %add3A_146 = arith.constant 64 : i32
      %add3A_147 = arith.addi %mul3A_145, %add3A_146 : i32
      %get3A_148 = arith.index_cast %add3A_147 : i32 to index
      %get3A_149 = tpu.vector_load %arg10[%get3A_148] {strides = array<i32>} : memref<10000xi32, #tpu.memory_space<vmem>>, vector<16xi32>,
      %get3A_150 = vector.shape_cast %get3A_149 : vector<16xi32> to vector<16xi32>
      %get3A_151 = arith.index_cast %add3A_147 : i32 to index
      %get3A_152 = tpu.vector_load %arg11[%get3A_151] {strides = array<i32>} : memref<10000xi32, #tpu.memory_space<vmem>>, vector<16xi32>,
      %get3A_153 = vector.shape_cast %get3A_152 : vector<16xi32> to vector<16xi32>
      %get3A_154 = arith.index_cast %add3A_147 : i32 to index
      %get3A_155 = tpu.vector_load %arg12[%get3A_154] {strides = array<i32>} : memref<10000xi32, #tpu.memory_space<vmem>>, vector<16xi32>,
      %get3A_156 = vector.shape_cast %get3A_155 : vector<16xi32> to vector<16xi32>
      %mul3A_157 = arith.constant 5 : i32
      %mul3A_158 = vector.broadcast %mul3A_157 : i32 to vector<16xi32>
      %mul3A_159 = arith.muli %get3A_150, %mul3A_158 : vector<16xi32>
      %add3A_160 = arith.addi %mul3A_159, %get3A_156 : vector<16xi32>
      %swap3A_161 = arith.index_cast %scan3A_21 : i32 to index
      %swap3A_162 = arith.constant 64 : index
      %swap3A_163 = tpu.vector_load %arg13[%swap3A_161, %swap3A_162] {strides = array<i32>} : memref<125x80xi32, #tpu.memory_space<vmem>>, vector<1x16xi32>,
      %swap3A_164 = vector.shape_cast %swap3A_163 : vector<1x16xi32> to vector<16xi32>
      %swap3A_165 = vector.shape_cast %add3A_160 : vector<16xi32> to vector<1x16xi32>
      tpu.vector_store %arg13[%swap3A_161, %swap3A_162], %swap3A_165 {strides = array<i32>} : memref<125x80xi32, #tpu.memory_space<vmem>>, vector<1x16xi32>,
      %mul3A_166 = arith.constant 5 : i32
      %mul3A_167 = vector.broadcast %mul3A_166 : i32 to vector<16xi32>
      %mul3A_168 = arith.muli %get3A_153, %mul3A_167 : vector<16xi32>
      %add3A_169 = arith.addi %mul3A_168, %get3A_156 : vector<16xi32>
      %swap3A_170 = arith.index_cast %scan3A_21 : i32 to index
      %swap3A_171 = arith.constant 64 : index
      %swap3A_172 = tpu.vector_load %arg14[%swap3A_170, %swap3A_171] {strides = array<i32>} : memref<125x80xi32, #tpu.memory_space<vmem>>, vector<1x16xi32>,
      %swap3A_173 = vector.shape_cast %swap3A_172 : vector<1x16xi32> to vector<16xi32>
      %swap3A_174 = vector.shape_cast %add3A_169 : vector<16xi32> to vector<1x16xi32>
      tpu.vector_store %arg14[%swap3A_170, %swap3A_171], %swap3A_174 {strides = array<i32>} : memref<125x80xi32, #tpu.memory_space<vmem>>, vector<1x16xi32>,
    }
    %scan3A_9 = arith.constant 125 : i32
    %barrier3A = arith.constant 0 : index
    tpu.barrier barrier_id(%barrier3A)
    %scan3A_10 = arith.constant 0 : i32
    %scan3A_11 = arith.constant 0 : i32
    %scan3A_12 = arith.constant 125 : i32
    %scan3A_13 = arith.addi %scan3A_11, %scan3A_12 : i32
    %scan3A_14 = arith.constant 1 : i32
    scf.for %scan3A_21 = %scan3A_11 to %scan3A_13 step %scan3A_14  : i32 {
      "tpu.region"() ({
        %run_scoped3A = tpu.sem_alloc : memref<!tpu.dma_semaphore, #tpu.memory_space<semaphore_mem>>
        %dma_start3A = arith.constant 0 : i32
        %dma_start3A_22 = tpu.memref_slice %arg14[%scan3A_21, %dma_start3A] : memref<125x80xi32, #tpu.memory_space<vmem>> -> memref<1x80xi32, #tpu.memory_space<vmem>>
        %dma_start3A_23 = tpu.memref_squeeze %dma_start3A_22 : memref<1x80xi32, #tpu.memory_space<vmem>> -> memref<80xi32, #tpu.memory_space<vmem>>
        %dma_start3A_24 = arith.constant 0 : i32
        %dma_start3A_25 = arith.constant 0 : i32
        %dma_start3A_26 = tpu.memref_slice %arg16[%dma_start3A_24, %dma_start3A_25] : memref<50048x16xf32, #tpu.memory_space<vmem_shared>> -> memref<50048x16xf32, #tpu.memory_space<vmem_shared>>
        tpu.enqueue_indirect_dma source(%arg15 : memref<80x16xf32, #tpu.memory_space<vmem>>) target(%dma_start3A_26 : memref<50048x16xf32, #tpu.memory_space<vmem_shared>>) offsets(%dma_start3A_23 : memref<80xi32, #tpu.memory_space<vmem>>) semaphore(%run_scoped3A : memref<!tpu.dma_semaphore, #tpu.memory_space<semaphore_mem>>) {add = true}
        %dma_wait3A = arith.constant 0 : i32
        %dma_wait3A_27 = tpu.memref_slice %arg14[%scan3A_21, %dma_wait3A] : memref<125x80xi32, #tpu.memory_space<vmem>> -> memref<1x80xi32, #tpu.memory_space<vmem>>
        %dma_wait3A_28 = tpu.memref_squeeze %dma_wait3A_27 : memref<1x80xi32, #tpu.memory_space<vmem>> -> memref<80xi32, #tpu.memory_space<vmem>>
        %dma_wait3A_29 = arith.constant 0 : i32
        %dma_wait3A_30 = arith.constant 0 : i32
        %dma_wait3A_31 = tpu.memref_slice %arg16[%dma_wait3A_29, %dma_wait3A_30] : memref<50048x16xf32, #tpu.memory_space<vmem_shared>> -> memref<50048x16xf32, #tpu.memory_space<vmem_shared>>
        tpu.wait_indirect_dma semaphore(%run_scoped3A : memref<!tpu.dma_semaphore, #tpu.memory_space<semaphore_mem>>) src(%arg15 : memref<80x16xf32, #tpu.memory_space<vmem>>) dst(%dma_wait3A_31 : memref<50048x16xf32, #tpu.memory_space<vmem_shared>>)
        tpu.yield
      }) : () -> ()
    }
    %scan3A_15 = arith.constant 125 : i32
    %barrier3A_16 = arith.constant 0 : index
    tpu.barrier barrier_id(%barrier3A_16)
    %mul3A_17 = arith.constant 3128 : i32
    %mul3A_18 = arith.muli %arg1, %mul3A_17 : i32
    %mul3A_19 = arith.constant 3128 : i32
    %mul3A_20 = arith.muli %arg1, %mul3A_19 : i32
    "tpu.region"() ({
      %run_scoped3A = tpu.sem_alloc : memref<!tpu.dma_semaphore, #tpu.memory_space<semaphore_mem>>
      %dma_start3A = arith.constant 0 : i32
      %dma_start3A_21 = tpu.memref_slice %arg7[%arg0, %mul3A_20, %dma_start3A] : memref<2x50048x16xf32, #tpu.memory_space<hbm>> -> memref<1x3128x16xf32, #tpu.memory_space<hbm>>
      %dma_start3A_22 = tpu.memref_squeeze %dma_start3A_21 : memref<1x3128x16xf32, #tpu.memory_space<hbm>> -> memref<3128x16xf32, #tpu.memory_space<hbm>>
      %dma_start3A_23 = arith.constant 0 : i32
      %dma_start3A_24 = tpu.memref_slice %arg16[%mul3A_18, %dma_start3A_23] : memref<50048x16xf32, #tpu.memory_space<vmem_shared>> -> memref<3128x16xf32, #tpu.memory_space<vmem_shared>>
      tpu.enqueue_dma source(%dma_start3A_24 : memref<3128x16xf32, #tpu.memory_space<vmem_shared>>) target(%dma_start3A_22 : memref<3128x16xf32, #tpu.memory_space<hbm>>) target_semaphore(%run_scoped3A : memref<!tpu.dma_semaphore, #tpu.memory_space<semaphore_mem>>)
      %dma_wait3A = arith.constant 0 : i32
      %dma_wait3A_25 = tpu.memref_slice %arg7[%arg0, %mul3A_20, %dma_wait3A] : memref<2x50048x16xf32, #tpu.memory_space<hbm>> -> memref<1x3128x16xf32, #tpu.memory_space<hbm>>
      %dma_wait3A_26 = tpu.memref_squeeze %dma_wait3A_25 : memref<1x3128x16xf32, #tpu.memory_space<hbm>> -> memref<3128x16xf32, #tpu.memory_space<hbm>>
      %dma_wait3A_27 = arith.constant 0 : i32
      %dma_wait3A_28 = tpu.memref_slice %arg16[%mul3A_18, %dma_wait3A_27] : memref<50048x16xf32, #tpu.memory_space<vmem_shared>> -> memref<3128x16xf32, #tpu.memory_space<vmem_shared>>
      tpu.wait_dma2 semaphore(%run_scoped3A : memref<!tpu.dma_semaphore, #tpu.memory_space<semaphore_mem>>) src(%dma_wait3A_28 : memref<3128x16xf32, #tpu.memory_space<vmem_shared>>) dst(%dma_wait3A_26 : memref<3128x16xf32, #tpu.memory_space<hbm>>)
      tpu.yield
    }) : () -> ()
    "tpu.region"() ({
      %run_scoped3A = tpu.sem_alloc : memref<!tpu.dma_semaphore, #tpu.memory_space<semaphore_mem>>
      %dma_start3A = arith.constant 0 : i32
      %dma_start3A_21 = arith.constant 0 : i32
      %dma_start3A_22 = tpu.memref_slice %arg8[%add3A, %dma_start3A, %dma_start3A_21] : memref<32x125x80xi32, #tpu.memory_space<hbm>> -> memref<1x125x80xi32, #tpu.memory_space<hbm>>
      %dma_start3A_23 = tpu.memref_squeeze %dma_start3A_22 : memref<1x125x80xi32, #tpu.memory_space<hbm>> -> memref<125x80xi32, #tpu.memory_space<hbm>>
      %dma_start3A_24 = arith.constant 0 : i32
      %dma_start3A_25 = arith.constant 0 : i32
      %dma_start3A_26 = tpu.memref_slice %arg8[%add3A, %dma_start3A_24, %dma_start3A_25] : memref<32x125x80xi32, #tpu.memory_space<hbm>> -> memref<1x125x80xi32, #tpu.memory_space<hbm>>
      %dma_start3A_27 = tpu.memref_squeeze %dma_start3A_26 : memref<1x125x80xi32, #tpu.memory_space<hbm>> -> memref<125x80xi32, #tpu.memory_space<hbm>>
      tpu.enqueue_dma source(%arg13 : memref<125x80xi32, #tpu.memory_space<vmem>>) target(%dma_start3A_27 : memref<125x80xi32, #tpu.memory_space<hbm>>) target_semaphore(%run_scoped3A : memref<!tpu.dma_semaphore, #tpu.memory_space<semaphore_mem>>)
      %dma_wait3A = arith.constant 0 : i32
      %dma_wait3A_28 = arith.constant 0 : i32
      %dma_wait3A_29 = tpu.memref_slice %arg8[%add3A, %dma_wait3A, %dma_wait3A_28] : memref<32x125x80xi32, #tpu.memory_space<hbm>> -> memref<1x125x80xi32, #tpu.memory_space<hbm>>
      %dma_wait3A_30 = tpu.memref_squeeze %dma_wait3A_29 : memref<1x125x80xi32, #tpu.memory_space<hbm>> -> memref<125x80xi32, #tpu.memory_space<hbm>>
      %dma_wait3A_31 = arith.constant 0 : i32
      %dma_wait3A_32 = arith.constant 0 : i32
      %dma_wait3A_33 = tpu.memref_slice %arg8[%add3A, %dma_wait3A_31, %dma_wait3A_32] : memref<32x125x80xi32, #tpu.memory_space<hbm>> -> memref<1x125x80xi32, #tpu.memory_space<hbm>>
      %dma_wait3A_34 = tpu.memref_squeeze %dma_wait3A_33 : memref<1x125x80xi32, #tpu.memory_space<hbm>> -> memref<125x80xi32, #tpu.memory_space<hbm>>
      tpu.wait_dma2 semaphore(%run_scoped3A : memref<!tpu.dma_semaphore, #tpu.memory_space<semaphore_mem>>) src(%arg13 : memref<125x80xi32, #tpu.memory_space<vmem>>) dst(%dma_wait3A_34 : memref<125x80xi32, #tpu.memory_space<hbm>>)
      tpu.yield
    }) : () -> ()
    "tpu.region"() ({
      %run_scoped3A = tpu.sem_alloc : memref<!tpu.dma_semaphore, #tpu.memory_space<semaphore_mem>>
      %dma_start3A = arith.constant 0 : i32
      %dma_start3A_21 = arith.constant 0 : i32
      %dma_start3A_22 = tpu.memref_slice %arg9[%add3A, %dma_start3A, %dma_start3A_21] : memref<32x125x80xi32, #tpu.memory_space<hbm>> -> memref<1x125x80xi32, #tpu.memory_space<hbm>>
      %dma_start3A_23 = tpu.memref_squeeze %dma_start3A_22 : memref<1x125x80xi32, #tpu.memory_space<hbm>> -> memref<125x80xi32, #tpu.memory_space<hbm>>
      %dma_start3A_24 = arith.constant 0 : i32
      %dma_start3A_25 = arith.constant 0 : i32
      %dma_start3A_26 = tpu.memref_slice %arg9[%add3A, %dma_start3A_24, %dma_start3A_25] : memref<32x125x80xi32, #tpu.memory_space<hbm>> -> memref<1x125x80xi32, #tpu.memory_space<hbm>>
      %dma_start3A_27 = tpu.memref_squeeze %dma_start3A_26 : memref<1x125x80xi32, #tpu.memory_space<hbm>> -> memref<125x80xi32, #tpu.memory_space<hbm>>
      tpu.enqueue_dma source(%arg14 : memref<125x80xi32, #tpu.memory_space<vmem>>) target(%dma_start3A_27 : memref<125x80xi32, #tpu.memory_space<hbm>>) target_semaphore(%run_scoped3A : memref<!tpu.dma_semaphore, #tpu.memory_space<semaphore_mem>>)
      %dma_wait3A = arith.constant 0 : i32
      %dma_wait3A_28 = arith.constant 0 : i32
      %dma_wait3A_29 = tpu.memref_slice %arg9[%add3A, %dma_wait3A, %dma_wait3A_28] : memref<32x125x80xi32, #tpu.memory_space<hbm>> -> memref<1x125x80xi32, #tpu.memory_space<hbm>>
      %dma_wait3A_30 = tpu.memref_squeeze %dma_wait3A_29 : memref<1x125x80xi32, #tpu.memory_space<hbm>> -> memref<125x80xi32, #tpu.memory_space<hbm>>
      %dma_wait3A_31 = arith.constant 0 : i32
      %dma_wait3A_32 = arith.constant 0 : i32
      %dma_wait3A_33 = tpu.memref_slice %arg9[%add3A, %dma_wait3A_31, %dma_wait3A_32] : memref<32x125x80xi32, #tpu.memory_space<hbm>> -> memref<1x125x80xi32, #tpu.memory_space<hbm>>
      %dma_wait3A_34 = tpu.memref_squeeze %dma_wait3A_33 : memref<1x125x80xi32, #tpu.memory_space<hbm>> -> memref<125x80xi32, #tpu.memory_space<hbm>>
      tpu.wait_dma2 semaphore(%run_scoped3A : memref<!tpu.dma_semaphore, #tpu.memory_space<semaphore_mem>>) src(%arg14 : memref<125x80xi32, #tpu.memory_space<vmem>>) dst(%dma_wait3A_34 : memref<125x80xi32, #tpu.memory_space<hbm>>)
      tpu.yield
    }) : () -> ()
    return
  }
}

#map = affine_map<(d0, d1) -> (0, 0)>
#map1 = affine_map<(d0, d1) -> (0, 0, 0)>
module attributes {stable_mosaic.version = 14 : i64} {
  func.func @_pass_body(%arg0: i32, %arg1: i32, %arg2: memref<50000x32xf32, #tpu.memory_space<hbm>>, %arg3: memref<32x125x80xi32, #tpu.memory_space<hbm>>, %arg4: memref<32x125x80xi32, #tpu.memory_space<hbm>>, %arg5: memref<3128x32xf32, #tpu.memory_space<hbm>>, %arg6: memref<50048x32xf32, #tpu.memory_space<hbm>>, %arg7: memref<50048x32xf32, #tpu.memory_space<hbm>>, %arg8: memref<125x80xi32, #tpu.memory_space<vmem>>, %arg9: memref<125x80xi32, #tpu.memory_space<vmem>>, %arg10: memref<80x32xf32, #tpu.memory_space<vmem>>, %arg11: memref<50048x32xf32, #tpu.memory_space<vmem_shared>>, %arg12: memref<!tpu.dma_semaphore, #tpu.memory_space<semaphore_mem>>) attributes {dimension_semantics = [#tpu.dimension_semantics<core_parallel>, #tpu.dimension_semantics<subcore_parallel>], iteration_bounds = array<i64: 2, 16>, scalar_prefetch = 0 : i64, scratch_operands = 5 : i64, tpu.core_type = #tpu.core_type<sc_vector_subcore>, window_params = [{transform_indices = #map}, {transform_indices = #map1}, {transform_indices = #map1}, {transform_indices = #map}, {transform_indices = #map}, {transform_indices = #map}]} {
    %mul3A = arith.constant 16 : i32
    %mul3A_0 = arith.muli %arg0, %mul3A : i32
    %add3A = arith.addi %mul3A_0, %arg1 : i32
    %mul3A_1 = arith.constant 3128 : i32
    %mul3A_2 = arith.muli %arg1, %mul3A_1 : i32
    "tpu.region"() ({
      %run_scoped3A = tpu.sem_alloc : memref<!tpu.dma_semaphore, #tpu.memory_space<semaphore_mem>>
      %dma_start3A = arith.constant 0 : i32
      %dma_start3A_16 = tpu.memref_slice %arg11[%mul3A_2, %dma_start3A] : memref<50048x32xf32, #tpu.memory_space<vmem_shared>> -> memref<3128x32xf32, #tpu.memory_space<vmem_shared>>
      tpu.enqueue_dma source(%arg5 : memref<3128x32xf32, #tpu.memory_space<hbm>>) target(%dma_start3A_16 : memref<3128x32xf32, #tpu.memory_space<vmem_shared>>) target_semaphore(%run_scoped3A : memref<!tpu.dma_semaphore, #tpu.memory_space<semaphore_mem>>)
      %dma_wait3A = arith.constant 0 : i32
      %dma_wait3A_17 = tpu.memref_slice %arg11[%mul3A_2, %dma_wait3A] : memref<50048x32xf32, #tpu.memory_space<vmem_shared>> -> memref<3128x32xf32, #tpu.memory_space<vmem_shared>>
      tpu.wait_dma2 semaphore(%run_scoped3A : memref<!tpu.dma_semaphore, #tpu.memory_space<semaphore_mem>>) src(%arg5 : memref<3128x32xf32, #tpu.memory_space<hbm>>) dst(%dma_wait3A_17 : memref<3128x32xf32, #tpu.memory_space<vmem_shared>>)
      tpu.yield
    }) : () -> ()
    "tpu.region"() ({
      %run_scoped3A = tpu.sem_alloc : memref<!tpu.dma_semaphore, #tpu.memory_space<semaphore_mem>>
      %dma_start3A = arith.constant 0 : i32
      %dma_start3A_16 = arith.constant 0 : i32
      %dma_start3A_17 = tpu.memref_slice %arg3[%add3A, %dma_start3A, %dma_start3A_16] : memref<32x125x80xi32, #tpu.memory_space<hbm>> -> memref<1x125x80xi32, #tpu.memory_space<hbm>>
      %dma_start3A_18 = tpu.memref_squeeze %dma_start3A_17 : memref<1x125x80xi32, #tpu.memory_space<hbm>> -> memref<125x80xi32, #tpu.memory_space<hbm>>
      %dma_start3A_19 = arith.constant 0 : i32
      %dma_start3A_20 = arith.constant 0 : i32
      %dma_start3A_21 = tpu.memref_slice %arg3[%add3A, %dma_start3A_19, %dma_start3A_20] : memref<32x125x80xi32, #tpu.memory_space<hbm>> -> memref<1x125x80xi32, #tpu.memory_space<hbm>>
      %dma_start3A_22 = tpu.memref_squeeze %dma_start3A_21 : memref<1x125x80xi32, #tpu.memory_space<hbm>> -> memref<125x80xi32, #tpu.memory_space<hbm>>
      tpu.enqueue_dma source(%dma_start3A_22 : memref<125x80xi32, #tpu.memory_space<hbm>>) target(%arg8 : memref<125x80xi32, #tpu.memory_space<vmem>>) target_semaphore(%run_scoped3A : memref<!tpu.dma_semaphore, #tpu.memory_space<semaphore_mem>>)
      %dma_wait3A = arith.constant 0 : i32
      %dma_wait3A_23 = arith.constant 0 : i32
      %dma_wait3A_24 = tpu.memref_slice %arg3[%add3A, %dma_wait3A, %dma_wait3A_23] : memref<32x125x80xi32, #tpu.memory_space<hbm>> -> memref<1x125x80xi32, #tpu.memory_space<hbm>>
      %dma_wait3A_25 = tpu.memref_squeeze %dma_wait3A_24 : memref<1x125x80xi32, #tpu.memory_space<hbm>> -> memref<125x80xi32, #tpu.memory_space<hbm>>
      %dma_wait3A_26 = arith.constant 0 : i32
      %dma_wait3A_27 = arith.constant 0 : i32
      %dma_wait3A_28 = tpu.memref_slice %arg3[%add3A, %dma_wait3A_26, %dma_wait3A_27] : memref<32x125x80xi32, #tpu.memory_space<hbm>> -> memref<1x125x80xi32, #tpu.memory_space<hbm>>
      %dma_wait3A_29 = tpu.memref_squeeze %dma_wait3A_28 : memref<1x125x80xi32, #tpu.memory_space<hbm>> -> memref<125x80xi32, #tpu.memory_space<hbm>>
      tpu.wait_dma2 semaphore(%run_scoped3A : memref<!tpu.dma_semaphore, #tpu.memory_space<semaphore_mem>>) src(%dma_wait3A_29 : memref<125x80xi32, #tpu.memory_space<hbm>>) dst(%arg8 : memref<125x80xi32, #tpu.memory_space<vmem>>)
      tpu.yield
    }) : () -> ()
    "tpu.region"() ({
      %run_scoped3A = tpu.sem_alloc : memref<!tpu.dma_semaphore, #tpu.memory_space<semaphore_mem>>
      %dma_start3A = arith.constant 0 : i32
      %dma_start3A_16 = arith.constant 0 : i32
      %dma_start3A_17 = tpu.memref_slice %arg4[%add3A, %dma_start3A, %dma_start3A_16] : memref<32x125x80xi32, #tpu.memory_space<hbm>> -> memref<1x125x80xi32, #tpu.memory_space<hbm>>
      %dma_start3A_18 = tpu.memref_squeeze %dma_start3A_17 : memref<1x125x80xi32, #tpu.memory_space<hbm>> -> memref<125x80xi32, #tpu.memory_space<hbm>>
      %dma_start3A_19 = arith.constant 0 : i32
      %dma_start3A_20 = arith.constant 0 : i32
      %dma_start3A_21 = tpu.memref_slice %arg4[%add3A, %dma_start3A_19, %dma_start3A_20] : memref<32x125x80xi32, #tpu.memory_space<hbm>> -> memref<1x125x80xi32, #tpu.memory_space<hbm>>
      %dma_start3A_22 = tpu.memref_squeeze %dma_start3A_21 : memref<1x125x80xi32, #tpu.memory_space<hbm>> -> memref<125x80xi32, #tpu.memory_space<hbm>>
      tpu.enqueue_dma source(%dma_start3A_22 : memref<125x80xi32, #tpu.memory_space<hbm>>) target(%arg9 : memref<125x80xi32, #tpu.memory_space<vmem>>) target_semaphore(%run_scoped3A : memref<!tpu.dma_semaphore, #tpu.memory_space<semaphore_mem>>)
      %dma_wait3A = arith.constant 0 : i32
      %dma_wait3A_23 = arith.constant 0 : i32
      %dma_wait3A_24 = tpu.memref_slice %arg4[%add3A, %dma_wait3A, %dma_wait3A_23] : memref<32x125x80xi32, #tpu.memory_space<hbm>> -> memref<1x125x80xi32, #tpu.memory_space<hbm>>
      %dma_wait3A_25 = tpu.memref_squeeze %dma_wait3A_24 : memref<1x125x80xi32, #tpu.memory_space<hbm>> -> memref<125x80xi32, #tpu.memory_space<hbm>>
      %dma_wait3A_26 = arith.constant 0 : i32
      %dma_wait3A_27 = arith.constant 0 : i32
      %dma_wait3A_28 = tpu.memref_slice %arg4[%add3A, %dma_wait3A_26, %dma_wait3A_27] : memref<32x125x80xi32, #tpu.memory_space<hbm>> -> memref<1x125x80xi32, #tpu.memory_space<hbm>>
      %dma_wait3A_29 = tpu.memref_squeeze %dma_wait3A_28 : memref<1x125x80xi32, #tpu.memory_space<hbm>> -> memref<125x80xi32, #tpu.memory_space<hbm>>
      tpu.wait_dma2 semaphore(%run_scoped3A : memref<!tpu.dma_semaphore, #tpu.memory_space<semaphore_mem>>) src(%dma_wait3A_29 : memref<125x80xi32, #tpu.memory_space<hbm>>) dst(%arg9 : memref<125x80xi32, #tpu.memory_space<vmem>>)
      tpu.yield
    }) : () -> ()
    %barrier3A = arith.constant 0 : index
    tpu.barrier barrier_id(%barrier3A)
    %scan3A = arith.constant 0 : i32
    %scan3A_3 = arith.constant 0 : i32
    %scan3A_4 = arith.constant 125 : i32
    %scan3A_5 = arith.addi %scan3A_3, %scan3A_4 : i32
    %scan3A_6 = arith.constant 1 : i32
    scf.for %scan3A_16 = %scan3A_3 to %scan3A_5 step %scan3A_6  : i32 {
      %dma_start3A = arith.constant 0 : i32
      %dma_start3A_17 = tpu.memref_slice %arg8[%scan3A_16, %dma_start3A] : memref<125x80xi32, #tpu.memory_space<vmem>> -> memref<1x80xi32, #tpu.memory_space<vmem>>
      %dma_start3A_18 = tpu.memref_squeeze %dma_start3A_17 : memref<1x80xi32, #tpu.memory_space<vmem>> -> memref<80xi32, #tpu.memory_space<vmem>>
      %dma_start3A_19 = arith.constant 0 : i32
      %dma_start3A_20 = arith.constant 0 : i32
      %dma_start3A_21 = tpu.memref_slice %arg2[%dma_start3A_19, %dma_start3A_20] : memref<50000x32xf32, #tpu.memory_space<hbm>> -> memref<50000x32xf32, #tpu.memory_space<hbm>>
      tpu.enqueue_indirect_dma source(%dma_start3A_21 : memref<50000x32xf32, #tpu.memory_space<hbm>>) target(%arg10 : memref<80x32xf32, #tpu.memory_space<vmem>>) offsets(%dma_start3A_18 : memref<80xi32, #tpu.memory_space<vmem>>) semaphore(%arg12 : memref<!tpu.dma_semaphore, #tpu.memory_space<semaphore_mem>>)
      %dma_wait3A = arith.constant 0 : i32
      %dma_wait3A_22 = tpu.memref_slice %arg8[%scan3A_16, %dma_wait3A] : memref<125x80xi32, #tpu.memory_space<vmem>> -> memref<1x80xi32, #tpu.memory_space<vmem>>
      %dma_wait3A_23 = tpu.memref_squeeze %dma_wait3A_22 : memref<1x80xi32, #tpu.memory_space<vmem>> -> memref<80xi32, #tpu.memory_space<vmem>>
      %dma_wait3A_24 = arith.constant 0 : i32
      %dma_wait3A_25 = arith.constant 0 : i32
      %dma_wait3A_26 = tpu.memref_slice %arg2[%dma_wait3A_24, %dma_wait3A_25] : memref<50000x32xf32, #tpu.memory_space<hbm>> -> memref<50000x32xf32, #tpu.memory_space<hbm>>
      tpu.wait_indirect_dma semaphore(%arg12 : memref<!tpu.dma_semaphore, #tpu.memory_space<semaphore_mem>>) src(%dma_wait3A_26 : memref<50000x32xf32, #tpu.memory_space<hbm>>) dst(%arg10 : memref<80x32xf32, #tpu.memory_space<vmem>>)
      "tpu.region"() ({
        %run_scoped3A = tpu.sem_alloc : memref<!tpu.dma_semaphore, #tpu.memory_space<semaphore_mem>>
        %dma_start3A_27 = arith.constant 0 : i32
        %dma_start3A_28 = tpu.memref_slice %arg9[%scan3A_16, %dma_start3A_27] : memref<125x80xi32, #tpu.memory_space<vmem>> -> memref<1x80xi32, #tpu.memory_space<vmem>>
        %dma_start3A_29 = tpu.memref_squeeze %dma_start3A_28 : memref<1x80xi32, #tpu.memory_space<vmem>> -> memref<80xi32, #tpu.memory_space<vmem>>
        %dma_start3A_30 = arith.constant 0 : i32
        %dma_start3A_31 = arith.constant 0 : i32
        %dma_start3A_32 = tpu.memref_slice %arg11[%dma_start3A_30, %dma_start3A_31] : memref<50048x32xf32, #tpu.memory_space<vmem_shared>> -> memref<50048x32xf32, #tpu.memory_space<vmem_shared>>
        tpu.enqueue_indirect_dma source(%arg10 : memref<80x32xf32, #tpu.memory_space<vmem>>) target(%dma_start3A_32 : memref<50048x32xf32, #tpu.memory_space<vmem_shared>>) offsets(%dma_start3A_29 : memref<80xi32, #tpu.memory_space<vmem>>) semaphore(%run_scoped3A : memref<!tpu.dma_semaphore, #tpu.memory_space<semaphore_mem>>) {add = true}
        %dma_wait3A_33 = arith.constant 0 : i32
        %dma_wait3A_34 = tpu.memref_slice %arg9[%scan3A_16, %dma_wait3A_33] : memref<125x80xi32, #tpu.memory_space<vmem>> -> memref<1x80xi32, #tpu.memory_space<vmem>>
        %dma_wait3A_35 = tpu.memref_squeeze %dma_wait3A_34 : memref<1x80xi32, #tpu.memory_space<vmem>> -> memref<80xi32, #tpu.memory_space<vmem>>
        %dma_wait3A_36 = arith.constant 0 : i32
        %dma_wait3A_37 = arith.constant 0 : i32
        %dma_wait3A_38 = tpu.memref_slice %arg11[%dma_wait3A_36, %dma_wait3A_37] : memref<50048x32xf32, #tpu.memory_space<vmem_shared>> -> memref<50048x32xf32, #tpu.memory_space<vmem_shared>>
        tpu.wait_indirect_dma semaphore(%run_scoped3A : memref<!tpu.dma_semaphore, #tpu.memory_space<semaphore_mem>>) src(%arg10 : memref<80x32xf32, #tpu.memory_space<vmem>>) dst(%dma_wait3A_38 : memref<50048x32xf32, #tpu.memory_space<vmem_shared>>)
        tpu.yield
      }) : () -> ()
    }
    %scan3A_7 = arith.constant 125 : i32
    %barrier3A_8 = arith.constant 0 : index
    tpu.barrier barrier_id(%barrier3A_8)
    %eq3A = arith.constant 0 : i32
    %eq3A_9 = arith.cmpi eq, %arg0, %eq3A : i32
    %convert_element_type3A = arith.extui %eq3A_9 : i1 to i32
    %cond3A = arith.constant 0 : i32
    %cond3A_10 = arith.cmpi ne, %convert_element_type3A, %cond3A : i32
    scf.if %cond3A_10 {
      %mul3A_16 = arith.constant 3128 : i32
      %mul3A_17 = arith.muli %arg1, %mul3A_16 : i32
      %mul3A_18 = arith.constant 3128 : i32
      %mul3A_19 = arith.muli %arg1, %mul3A_18 : i32
      "tpu.region"() ({
        %run_scoped3A = tpu.sem_alloc : memref<!tpu.dma_semaphore, #tpu.memory_space<semaphore_mem>>
        %dma_start3A = arith.constant 0 : i32
        %dma_start3A_20 = tpu.memref_slice %arg6[%mul3A_19, %dma_start3A] : memref<50048x32xf32, #tpu.memory_space<hbm>> -> memref<3128x32xf32, #tpu.memory_space<hbm>>
        %dma_start3A_21 = arith.constant 0 : i32
        %dma_start3A_22 = tpu.memref_slice %arg11[%mul3A_17, %dma_start3A_21] : memref<50048x32xf32, #tpu.memory_space<vmem_shared>> -> memref<3128x32xf32, #tpu.memory_space<vmem_shared>>
        tpu.enqueue_dma source(%dma_start3A_22 : memref<3128x32xf32, #tpu.memory_space<vmem_shared>>) target(%dma_start3A_20 : memref<3128x32xf32, #tpu.memory_space<hbm>>) target_semaphore(%run_scoped3A : memref<!tpu.dma_semaphore, #tpu.memory_space<semaphore_mem>>)
        %dma_wait3A = arith.constant 0 : i32
        %dma_wait3A_23 = tpu.memref_slice %arg6[%mul3A_19, %dma_wait3A] : memref<50048x32xf32, #tpu.memory_space<hbm>> -> memref<3128x32xf32, #tpu.memory_space<hbm>>
        %dma_wait3A_24 = arith.constant 0 : i32
        %dma_wait3A_25 = tpu.memref_slice %arg11[%mul3A_17, %dma_wait3A_24] : memref<50048x32xf32, #tpu.memory_space<vmem_shared>> -> memref<3128x32xf32, #tpu.memory_space<vmem_shared>>
        tpu.wait_dma2 semaphore(%run_scoped3A : memref<!tpu.dma_semaphore, #tpu.memory_space<semaphore_mem>>) src(%dma_wait3A_25 : memref<3128x32xf32, #tpu.memory_space<vmem_shared>>) dst(%dma_wait3A_23 : memref<3128x32xf32, #tpu.memory_space<hbm>>)
        tpu.yield
      }) : () -> ()
    } else {
    }
    %eq3A_11 = arith.constant 1 : i32
    %eq3A_12 = arith.cmpi eq, %arg0, %eq3A_11 : i32
    %convert_element_type3A_13 = arith.extui %eq3A_12 : i1 to i32
    %cond3A_14 = arith.constant 0 : i32
    %cond3A_15 = arith.cmpi ne, %convert_element_type3A_13, %cond3A_14 : i32
    scf.if %cond3A_15 {
      %mul3A_16 = arith.constant 3128 : i32
      %mul3A_17 = arith.muli %arg1, %mul3A_16 : i32
      %mul3A_18 = arith.constant 3128 : i32
      %mul3A_19 = arith.muli %arg1, %mul3A_18 : i32
      "tpu.region"() ({
        %run_scoped3A = tpu.sem_alloc : memref<!tpu.dma_semaphore, #tpu.memory_space<semaphore_mem>>
        %dma_start3A = arith.constant 0 : i32
        %dma_start3A_20 = tpu.memref_slice %arg7[%mul3A_19, %dma_start3A] : memref<50048x32xf32, #tpu.memory_space<hbm>> -> memref<3128x32xf32, #tpu.memory_space<hbm>>
        %dma_start3A_21 = arith.constant 0 : i32
        %dma_start3A_22 = tpu.memref_slice %arg11[%mul3A_17, %dma_start3A_21] : memref<50048x32xf32, #tpu.memory_space<vmem_shared>> -> memref<3128x32xf32, #tpu.memory_space<vmem_shared>>
        tpu.enqueue_dma source(%dma_start3A_22 : memref<3128x32xf32, #tpu.memory_space<vmem_shared>>) target(%dma_start3A_20 : memref<3128x32xf32, #tpu.memory_space<hbm>>) target_semaphore(%run_scoped3A : memref<!tpu.dma_semaphore, #tpu.memory_space<semaphore_mem>>)
        %dma_wait3A = arith.constant 0 : i32
        %dma_wait3A_23 = tpu.memref_slice %arg7[%mul3A_19, %dma_wait3A] : memref<50048x32xf32, #tpu.memory_space<hbm>> -> memref<3128x32xf32, #tpu.memory_space<hbm>>
        %dma_wait3A_24 = arith.constant 0 : i32
        %dma_wait3A_25 = tpu.memref_slice %arg11[%mul3A_17, %dma_wait3A_24] : memref<50048x32xf32, #tpu.memory_space<vmem_shared>> -> memref<3128x32xf32, #tpu.memory_space<vmem_shared>>
        tpu.wait_dma2 semaphore(%run_scoped3A : memref<!tpu.dma_semaphore, #tpu.memory_space<semaphore_mem>>) src(%dma_wait3A_25 : memref<3128x32xf32, #tpu.memory_space<vmem_shared>>) dst(%dma_wait3A_23 : memref<3128x32xf32, #tpu.memory_space<hbm>>)
        tpu.yield
      }) : () -> ()
    } else {
    }
    return
  }
}

module attributes {stable_mosaic.version = 14 : i64} {
  func.func @_prep_body(%arg0: memref<4x128x32xf32, #tpu.memory_space<vmem>>, %arg1: memref<5x4xf32, #tpu.memory_space<vmem>>, %arg2: memref<4x32x32xf32, #tpu.memory_space<vmem>>, %arg3: memref<5x4xf32, #tpu.memory_space<vmem>>, %arg4: memref<4x32x32xf32, #tpu.memory_space<vmem>>, %arg5: memref<5x4xf32, #tpu.memory_space<vmem>>, %arg6: memref<4x32x32xf32, #tpu.memory_space<vmem>>, %arg7: memref<5x4xf32, #tpu.memory_space<vmem>>, %arg8: memref<256x128xf32, #tpu.memory_space<vmem>>, %arg9: memref<128x160xf32, #tpu.memory_space<vmem>>, %arg10: memref<32x160xf32, #tpu.memory_space<vmem>>, %arg11: memref<32x160xf32, #tpu.memory_space<vmem>>, %arg12: memref<32x160xf32, #tpu.memory_space<vmem>>, %arg13: memref<128x128xf32, #tpu.memory_space<vmem>>) attributes {dimension_semantics = [], scalar_prefetch = 0 : i64, scratch_operands = 0 : i64, tpu.core_type = #tpu.core_type<tc>} {
    %get3A = arith.constant 0 : index
    %get3A_0 = arith.constant 0 : index
    %get3A_1 = arith.constant 0 : index
    %get3A_2 = vector.load %arg0[%get3A, %get3A_0, %get3A_1] : memref<4x128x32xf32, #tpu.memory_space<vmem>>, vector<4x128x32xf32>
    %convert_element_type3A = arith.truncf %get3A_2 : vector<4x128x32xf32> to vector<4x128x32xbf16>
    %convert_element_type3A_3 = arith.extf %convert_element_type3A : vector<4x128x32xbf16> to vector<4x128x32xf32>
    %get3A_4 = arith.constant 0 : index
    %get3A_5 = arith.constant 0 : index
    %get3A_6 = vector.load %arg1[%get3A_4, %get3A_5] : memref<5x4xf32, #tpu.memory_space<vmem>>, vector<5x4xf32>
    %convert_element_type3A_7 = arith.truncf %get3A_6 : vector<5x4xf32> to vector<5x4xbf16>
    %convert_element_type3A_8 = arith.extf %convert_element_type3A_7 : vector<5x4xbf16> to vector<5x4xf32>
    %broadcast_in_dim3A = arith.constant 0.000000e+00 : f32
    %broadcast_in_dim3A_9 = vector.broadcast %broadcast_in_dim3A : f32 to vector<128x32xf32>
    %slice3A = vector.extract_strided_slice %convert_element_type3A_8 {offsets = [0, 0], sizes = [1, 1], strides = [1, 1]} : vector<5x4xf32> to vector<1x1xf32>
    %slice3A_10 = vector.extract_strided_slice %convert_element_type3A_3 {offsets = [0, 0, 0], sizes = [1, 128, 32], strides = [1, 1, 1]} : vector<4x128x32xf32> to vector<1x128x32xf32>
    %squeeze3A = vector.shape_cast %slice3A_10 : vector<1x128x32xf32> to vector<128x32xf32>
    %mul3A = vector.broadcast %slice3A : vector<1x1xf32> to vector<128x32xf32>
    %mul3A_11 = arith.mulf %mul3A, %squeeze3A : vector<128x32xf32>
    %add3A = arith.addf %broadcast_in_dim3A_9, %mul3A_11 : vector<128x32xf32>
    %slice3A_12 = vector.extract_strided_slice %convert_element_type3A_8 {offsets = [0, 1], sizes = [1, 1], strides = [1, 1]} : vector<5x4xf32> to vector<1x1xf32>
    %slice3A_13 = vector.extract_strided_slice %convert_element_type3A_3 {offsets = [1, 0, 0], sizes = [1, 128, 32], strides = [1, 1, 1]} : vector<4x128x32xf32> to vector<1x128x32xf32>
    %squeeze3A_14 = vector.shape_cast %slice3A_13 : vector<1x128x32xf32> to vector<128x32xf32>
    %mul3A_15 = vector.broadcast %slice3A_12 : vector<1x1xf32> to vector<128x32xf32>
    %mul3A_16 = arith.mulf %mul3A_15, %squeeze3A_14 : vector<128x32xf32>
    %add3A_17 = arith.addf %add3A, %mul3A_16 : vector<128x32xf32>
    %slice3A_18 = vector.extract_strided_slice %convert_element_type3A_8 {offsets = [0, 2], sizes = [1, 1], strides = [1, 1]} : vector<5x4xf32> to vector<1x1xf32>
    %slice3A_19 = vector.extract_strided_slice %convert_element_type3A_3 {offsets = [2, 0, 0], sizes = [1, 128, 32], strides = [1, 1, 1]} : vector<4x128x32xf32> to vector<1x128x32xf32>
    %squeeze3A_20 = vector.shape_cast %slice3A_19 : vector<1x128x32xf32> to vector<128x32xf32>
    %mul3A_21 = vector.broadcast %slice3A_18 : vector<1x1xf32> to vector<128x32xf32>
    %mul3A_22 = arith.mulf %mul3A_21, %squeeze3A_20 : vector<128x32xf32>
    %add3A_23 = arith.addf %add3A_17, %mul3A_22 : vector<128x32xf32>
    %slice3A_24 = vector.extract_strided_slice %convert_element_type3A_8 {offsets = [0, 3], sizes = [1, 1], strides = [1, 1]} : vector<5x4xf32> to vector<1x1xf32>
    %slice3A_25 = vector.extract_strided_slice %convert_element_type3A_3 {offsets = [3, 0, 0], sizes = [1, 128, 32], strides = [1, 1, 1]} : vector<4x128x32xf32> to vector<1x128x32xf32>
    %squeeze3A_26 = vector.shape_cast %slice3A_25 : vector<1x128x32xf32> to vector<128x32xf32>
    %mul3A_27 = vector.broadcast %slice3A_24 : vector<1x1xf32> to vector<128x32xf32>
    %mul3A_28 = arith.mulf %mul3A_27, %squeeze3A_26 : vector<128x32xf32>
    %add3A_29 = arith.addf %add3A_23, %mul3A_28 : vector<128x32xf32>
    %broadcast_in_dim3A_30 = arith.constant 0.000000e+00 : f32
    %broadcast_in_dim3A_31 = vector.broadcast %broadcast_in_dim3A_30 : f32 to vector<128x32xf32>
    %slice3A_32 = vector.extract_strided_slice %convert_element_type3A_8 {offsets = [1, 0], sizes = [1, 1], strides = [1, 1]} : vector<5x4xf32> to vector<1x1xf32>
    %slice3A_33 = vector.extract_strided_slice %convert_element_type3A_3 {offsets = [0, 0, 0], sizes = [1, 128, 32], strides = [1, 1, 1]} : vector<4x128x32xf32> to vector<1x128x32xf32>
    %squeeze3A_34 = vector.shape_cast %slice3A_33 : vector<1x128x32xf32> to vector<128x32xf32>
    %mul3A_35 = vector.broadcast %slice3A_32 : vector<1x1xf32> to vector<128x32xf32>
    %mul3A_36 = arith.mulf %mul3A_35, %squeeze3A_34 : vector<128x32xf32>
    %add3A_37 = arith.addf %broadcast_in_dim3A_31, %mul3A_36 : vector<128x32xf32>
    %slice3A_38 = vector.extract_strided_slice %convert_element_type3A_8 {offsets = [1, 1], sizes = [1, 1], strides = [1, 1]} : vector<5x4xf32> to vector<1x1xf32>
    %slice3A_39 = vector.extract_strided_slice %convert_element_type3A_3 {offsets = [1, 0, 0], sizes = [1, 128, 32], strides = [1, 1, 1]} : vector<4x128x32xf32> to vector<1x128x32xf32>
    %squeeze3A_40 = vector.shape_cast %slice3A_39 : vector<1x128x32xf32> to vector<128x32xf32>
    %mul3A_41 = vector.broadcast %slice3A_38 : vector<1x1xf32> to vector<128x32xf32>
    %mul3A_42 = arith.mulf %mul3A_41, %squeeze3A_40 : vector<128x32xf32>
    %add3A_43 = arith.addf %add3A_37, %mul3A_42 : vector<128x32xf32>
    %slice3A_44 = vector.extract_strided_slice %convert_element_type3A_8 {offsets = [1, 2], sizes = [1, 1], strides = [1, 1]} : vector<5x4xf32> to vector<1x1xf32>
    %slice3A_45 = vector.extract_strided_slice %convert_element_type3A_3 {offsets = [2, 0, 0], sizes = [1, 128, 32], strides = [1, 1, 1]} : vector<4x128x32xf32> to vector<1x128x32xf32>
    %squeeze3A_46 = vector.shape_cast %slice3A_45 : vector<1x128x32xf32> to vector<128x32xf32>
    %mul3A_47 = vector.broadcast %slice3A_44 : vector<1x1xf32> to vector<128x32xf32>
    %mul3A_48 = arith.mulf %mul3A_47, %squeeze3A_46 : vector<128x32xf32>
    %add3A_49 = arith.addf %add3A_43, %mul3A_48 : vector<128x32xf32>
    %slice3A_50 = vector.extract_strided_slice %convert_element_type3A_8 {offsets = [1, 3], sizes = [1, 1], strides = [1, 1]} : vector<5x4xf32> to vector<1x1xf32>
    %slice3A_51 = vector.extract_strided_slice %convert_element_type3A_3 {offsets = [3, 0, 0], sizes = [1, 128, 32], strides = [1, 1, 1]} : vector<4x128x32xf32> to vector<1x128x32xf32>
    %squeeze3A_52 = vector.shape_cast %slice3A_51 : vector<1x128x32xf32> to vector<128x32xf32>
    %mul3A_53 = vector.broadcast %slice3A_50 : vector<1x1xf32> to vector<128x32xf32>
    %mul3A_54 = arith.mulf %mul3A_53, %squeeze3A_52 : vector<128x32xf32>
    %add3A_55 = arith.addf %add3A_49, %mul3A_54 : vector<128x32xf32>
    %broadcast_in_dim3A_56 = arith.constant 0.000000e+00 : f32
    %broadcast_in_dim3A_57 = vector.broadcast %broadcast_in_dim3A_56 : f32 to vector<128x32xf32>
    %slice3A_58 = vector.extract_strided_slice %convert_element_type3A_8 {offsets = [2, 0], sizes = [1, 1], strides = [1, 1]} : vector<5x4xf32> to vector<1x1xf32>
    %slice3A_59 = vector.extract_strided_slice %convert_element_type3A_3 {offsets = [0, 0, 0], sizes = [1, 128, 32], strides = [1, 1, 1]} : vector<4x128x32xf32> to vector<1x128x32xf32>
    %squeeze3A_60 = vector.shape_cast %slice3A_59 : vector<1x128x32xf32> to vector<128x32xf32>
    %mul3A_61 = vector.broadcast %slice3A_58 : vector<1x1xf32> to vector<128x32xf32>
    %mul3A_62 = arith.mulf %mul3A_61, %squeeze3A_60 : vector<128x32xf32>
    %add3A_63 = arith.addf %broadcast_in_dim3A_57, %mul3A_62 : vector<128x32xf32>
    %slice3A_64 = vector.extract_strided_slice %convert_element_type3A_8 {offsets = [2, 1], sizes = [1, 1], strides = [1, 1]} : vector<5x4xf32> to vector<1x1xf32>
    %slice3A_65 = vector.extract_strided_slice %convert_element_type3A_3 {offsets = [1, 0, 0], sizes = [1, 128, 32], strides = [1, 1, 1]} : vector<4x128x32xf32> to vector<1x128x32xf32>
    %squeeze3A_66 = vector.shape_cast %slice3A_65 : vector<1x128x32xf32> to vector<128x32xf32>
    %mul3A_67 = vector.broadcast %slice3A_64 : vector<1x1xf32> to vector<128x32xf32>
    %mul3A_68 = arith.mulf %mul3A_67, %squeeze3A_66 : vector<128x32xf32>
    %add3A_69 = arith.addf %add3A_63, %mul3A_68 : vector<128x32xf32>
    %slice3A_70 = vector.extract_strided_slice %convert_element_type3A_8 {offsets = [2, 2], sizes = [1, 1], strides = [1, 1]} : vector<5x4xf32> to vector<1x1xf32>
    %slice3A_71 = vector.extract_strided_slice %convert_element_type3A_3 {offsets = [2, 0, 0], sizes = [1, 128, 32], strides = [1, 1, 1]} : vector<4x128x32xf32> to vector<1x128x32xf32>
    %squeeze3A_72 = vector.shape_cast %slice3A_71 : vector<1x128x32xf32> to vector<128x32xf32>
    %mul3A_73 = vector.broadcast %slice3A_70 : vector<1x1xf32> to vector<128x32xf32>
    %mul3A_74 = arith.mulf %mul3A_73, %squeeze3A_72 : vector<128x32xf32>
    %add3A_75 = arith.addf %add3A_69, %mul3A_74 : vector<128x32xf32>
    %slice3A_76 = vector.extract_strided_slice %convert_element_type3A_8 {offsets = [2, 3], sizes = [1, 1], strides = [1, 1]} : vector<5x4xf32> to vector<1x1xf32>
    %slice3A_77 = vector.extract_strided_slice %convert_element_type3A_3 {offsets = [3, 0, 0], sizes = [1, 128, 32], strides = [1, 1, 1]} : vector<4x128x32xf32> to vector<1x128x32xf32>
    %squeeze3A_78 = vector.shape_cast %slice3A_77 : vector<1x128x32xf32> to vector<128x32xf32>
    %mul3A_79 = vector.broadcast %slice3A_76 : vector<1x1xf32> to vector<128x32xf32>
    %mul3A_80 = arith.mulf %mul3A_79, %squeeze3A_78 : vector<128x32xf32>
    %add3A_81 = arith.addf %add3A_75, %mul3A_80 : vector<128x32xf32>
    %broadcast_in_dim3A_82 = arith.constant 0.000000e+00 : f32
    %broadcast_in_dim3A_83 = vector.broadcast %broadcast_in_dim3A_82 : f32 to vector<128x32xf32>
    %slice3A_84 = vector.extract_strided_slice %convert_element_type3A_8 {offsets = [3, 0], sizes = [1, 1], strides = [1, 1]} : vector<5x4xf32> to vector<1x1xf32>
    %slice3A_85 = vector.extract_strided_slice %convert_element_type3A_3 {offsets = [0, 0, 0], sizes = [1, 128, 32], strides = [1, 1, 1]} : vector<4x128x32xf32> to vector<1x128x32xf32>
    %squeeze3A_86 = vector.shape_cast %slice3A_85 : vector<1x128x32xf32> to vector<128x32xf32>
    %mul3A_87 = vector.broadcast %slice3A_84 : vector<1x1xf32> to vector<128x32xf32>
    %mul3A_88 = arith.mulf %mul3A_87, %squeeze3A_86 : vector<128x32xf32>
    %add3A_89 = arith.addf %broadcast_in_dim3A_83, %mul3A_88 : vector<128x32xf32>
    %slice3A_90 = vector.extract_strided_slice %convert_element_type3A_8 {offsets = [3, 1], sizes = [1, 1], strides = [1, 1]} : vector<5x4xf32> to vector<1x1xf32>
    %slice3A_91 = vector.extract_strided_slice %convert_element_type3A_3 {offsets = [1, 0, 0], sizes = [1, 128, 32], strides = [1, 1, 1]} : vector<4x128x32xf32> to vector<1x128x32xf32>
    %squeeze3A_92 = vector.shape_cast %slice3A_91 : vector<1x128x32xf32> to vector<128x32xf32>
    %mul3A_93 = vector.broadcast %slice3A_90 : vector<1x1xf32> to vector<128x32xf32>
    %mul3A_94 = arith.mulf %mul3A_93, %squeeze3A_92 : vector<128x32xf32>
    %add3A_95 = arith.addf %add3A_89, %mul3A_94 : vector<128x32xf32>
    %slice3A_96 = vector.extract_strided_slice %convert_element_type3A_8 {offsets = [3, 2], sizes = [1, 1], strides = [1, 1]} : vector<5x4xf32> to vector<1x1xf32>
    %slice3A_97 = vector.extract_strided_slice %convert_element_type3A_3 {offsets = [2, 0, 0], sizes = [1, 128, 32], strides = [1, 1, 1]} : vector<4x128x32xf32> to vector<1x128x32xf32>
    %squeeze3A_98 = vector.shape_cast %slice3A_97 : vector<1x128x32xf32> to vector<128x32xf32>
    %mul3A_99 = vector.broadcast %slice3A_96 : vector<1x1xf32> to vector<128x32xf32>
    %mul3A_100 = arith.mulf %mul3A_99, %squeeze3A_98 : vector<128x32xf32>
    %add3A_101 = arith.addf %add3A_95, %mul3A_100 : vector<128x32xf32>
    %slice3A_102 = vector.extract_strided_slice %convert_element_type3A_8 {offsets = [3, 3], sizes = [1, 1], strides = [1, 1]} : vector<5x4xf32> to vector<1x1xf32>
    %slice3A_103 = vector.extract_strided_slice %convert_element_type3A_3 {offsets = [3, 0, 0], sizes = [1, 128, 32], strides = [1, 1, 1]} : vector<4x128x32xf32> to vector<1x128x32xf32>
    %squeeze3A_104 = vector.shape_cast %slice3A_103 : vector<1x128x32xf32> to vector<128x32xf32>
    %mul3A_105 = vector.broadcast %slice3A_102 : vector<1x1xf32> to vector<128x32xf32>
    %mul3A_106 = arith.mulf %mul3A_105, %squeeze3A_104 : vector<128x32xf32>
    %add3A_107 = arith.addf %add3A_101, %mul3A_106 : vector<128x32xf32>
    %broadcast_in_dim3A_108 = arith.constant 0.000000e+00 : f32
    %broadcast_in_dim3A_109 = vector.broadcast %broadcast_in_dim3A_108 : f32 to vector<128x32xf32>
    %slice3A_110 = vector.extract_strided_slice %convert_element_type3A_8 {offsets = [4, 0], sizes = [1, 1], strides = [1, 1]} : vector<5x4xf32> to vector<1x1xf32>
    %slice3A_111 = vector.extract_strided_slice %convert_element_type3A_3 {offsets = [0, 0, 0], sizes = [1, 128, 32], strides = [1, 1, 1]} : vector<4x128x32xf32> to vector<1x128x32xf32>
    %squeeze3A_112 = vector.shape_cast %slice3A_111 : vector<1x128x32xf32> to vector<128x32xf32>
    %mul3A_113 = vector.broadcast %slice3A_110 : vector<1x1xf32> to vector<128x32xf32>
    %mul3A_114 = arith.mulf %mul3A_113, %squeeze3A_112 : vector<128x32xf32>
    %add3A_115 = arith.addf %broadcast_in_dim3A_109, %mul3A_114 : vector<128x32xf32>
    %slice3A_116 = vector.extract_strided_slice %convert_element_type3A_8 {offsets = [4, 1], sizes = [1, 1], strides = [1, 1]} : vector<5x4xf32> to vector<1x1xf32>
    %slice3A_117 = vector.extract_strided_slice %convert_element_type3A_3 {offsets = [1, 0, 0], sizes = [1, 128, 32], strides = [1, 1, 1]} : vector<4x128x32xf32> to vector<1x128x32xf32>
    %squeeze3A_118 = vector.shape_cast %slice3A_117 : vector<1x128x32xf32> to vector<128x32xf32>
    %mul3A_119 = vector.broadcast %slice3A_116 : vector<1x1xf32> to vector<128x32xf32>
    %mul3A_120 = arith.mulf %mul3A_119, %squeeze3A_118 : vector<128x32xf32>
    %add3A_121 = arith.addf %add3A_115, %mul3A_120 : vector<128x32xf32>
    %slice3A_122 = vector.extract_strided_slice %convert_element_type3A_8 {offsets = [4, 2], sizes = [1, 1], strides = [1, 1]} : vector<5x4xf32> to vector<1x1xf32>
    %slice3A_123 = vector.extract_strided_slice %convert_element_type3A_3 {offsets = [2, 0, 0], sizes = [1, 128, 32], strides = [1, 1, 1]} : vector<4x128x32xf32> to vector<1x128x32xf32>
    %squeeze3A_124 = vector.shape_cast %slice3A_123 : vector<1x128x32xf32> to vector<128x32xf32>
    %mul3A_125 = vector.broadcast %slice3A_122 : vector<1x1xf32> to vector<128x32xf32>
    %mul3A_126 = arith.mulf %mul3A_125, %squeeze3A_124 : vector<128x32xf32>
    %add3A_127 = arith.addf %add3A_121, %mul3A_126 : vector<128x32xf32>
    %slice3A_128 = vector.extract_strided_slice %convert_element_type3A_8 {offsets = [4, 3], sizes = [1, 1], strides = [1, 1]} : vector<5x4xf32> to vector<1x1xf32>
    %slice3A_129 = vector.extract_strided_slice %convert_element_type3A_3 {offsets = [3, 0, 0], sizes = [1, 128, 32], strides = [1, 1, 1]} : vector<4x128x32xf32> to vector<1x128x32xf32>
    %squeeze3A_130 = vector.shape_cast %slice3A_129 : vector<1x128x32xf32> to vector<128x32xf32>
    %mul3A_131 = vector.broadcast %slice3A_128 : vector<1x1xf32> to vector<128x32xf32>
    %mul3A_132 = arith.mulf %mul3A_131, %squeeze3A_130 : vector<128x32xf32>
    %add3A_133 = arith.addf %add3A_127, %mul3A_132 : vector<128x32xf32>
    %concatenate3A = tpu.concatenate %add3A_29, %add3A_55, %add3A_81, %add3A_107, %add3A_133 in 1 : vector<128x32xf32>, vector<128x32xf32>, vector<128x32xf32>, vector<128x32xf32>, vector<128x32xf32> -> vector<128x160xf32>
    %convert_element_type3A_134 = arith.truncf %concatenate3A : vector<128x160xf32> to vector<128x160xbf16>
    %convert_element_type3A_135 = arith.extf %convert_element_type3A_134 : vector<128x160xbf16> to vector<128x160xf32>
    %swap3A = arith.constant 0 : index
    %swap3A_136 = arith.constant 0 : index
    %swap3A_137 = vector.load %arg9[%swap3A, %swap3A_136] : memref<128x160xf32, #tpu.memory_space<vmem>>, vector<128x160xf32>
    tpu.vector_store %arg9[%swap3A, %swap3A_136], %convert_element_type3A_135 {strides = array<i32>} : memref<128x160xf32, #tpu.memory_space<vmem>>, vector<128x160xf32>,
    %get3A_138 = arith.constant 0 : index
    %get3A_139 = arith.constant 0 : index
    %get3A_140 = arith.constant 0 : index
    %get3A_141 = vector.load %arg2[%get3A_138, %get3A_139, %get3A_140] : memref<4x32x32xf32, #tpu.memory_space<vmem>>, vector<4x32x32xf32>
    %convert_element_type3A_142 = arith.truncf %get3A_141 : vector<4x32x32xf32> to vector<4x32x32xbf16>
    %convert_element_type3A_143 = arith.extf %convert_element_type3A_142 : vector<4x32x32xbf16> to vector<4x32x32xf32>
    %get3A_144 = arith.constant 0 : index
    %get3A_145 = arith.constant 0 : index
    %get3A_146 = vector.load %arg3[%get3A_144, %get3A_145] : memref<5x4xf32, #tpu.memory_space<vmem>>, vector<5x4xf32>
    %convert_element_type3A_147 = arith.truncf %get3A_146 : vector<5x4xf32> to vector<5x4xbf16>
    %convert_element_type3A_148 = arith.extf %convert_element_type3A_147 : vector<5x4xbf16> to vector<5x4xf32>
    %broadcast_in_dim3A_149 = arith.constant 0.000000e+00 : f32
    %broadcast_in_dim3A_150 = vector.broadcast %broadcast_in_dim3A_149 : f32 to vector<32x32xf32>
    %slice3A_151 = vector.extract_strided_slice %convert_element_type3A_148 {offsets = [0, 0], sizes = [1, 1], strides = [1, 1]} : vector<5x4xf32> to vector<1x1xf32>
    %slice3A_152 = vector.extract_strided_slice %convert_element_type3A_143 {offsets = [0, 0, 0], sizes = [1, 32, 32], strides = [1, 1, 1]} : vector<4x32x32xf32> to vector<1x32x32xf32>
    %squeeze3A_153 = vector.shape_cast %slice3A_152 : vector<1x32x32xf32> to vector<32x32xf32>
    %mul3A_154 = vector.broadcast %slice3A_151 : vector<1x1xf32> to vector<32x32xf32>
    %mul3A_155 = arith.mulf %mul3A_154, %squeeze3A_153 : vector<32x32xf32>
    %add3A_156 = arith.addf %broadcast_in_dim3A_150, %mul3A_155 : vector<32x32xf32>
    %slice3A_157 = vector.extract_strided_slice %convert_element_type3A_148 {offsets = [0, 1], sizes = [1, 1], strides = [1, 1]} : vector<5x4xf32> to vector<1x1xf32>
    %slice3A_158 = vector.extract_strided_slice %convert_element_type3A_143 {offsets = [1, 0, 0], sizes = [1, 32, 32], strides = [1, 1, 1]} : vector<4x32x32xf32> to vector<1x32x32xf32>
    %squeeze3A_159 = vector.shape_cast %slice3A_158 : vector<1x32x32xf32> to vector<32x32xf32>
    %mul3A_160 = vector.broadcast %slice3A_157 : vector<1x1xf32> to vector<32x32xf32>
    %mul3A_161 = arith.mulf %mul3A_160, %squeeze3A_159 : vector<32x32xf32>
    %add3A_162 = arith.addf %add3A_156, %mul3A_161 : vector<32x32xf32>
    %slice3A_163 = vector.extract_strided_slice %convert_element_type3A_148 {offsets = [0, 2], sizes = [1, 1], strides = [1, 1]} : vector<5x4xf32> to vector<1x1xf32>
    %slice3A_164 = vector.extract_strided_slice %convert_element_type3A_143 {offsets = [2, 0, 0], sizes = [1, 32, 32], strides = [1, 1, 1]} : vector<4x32x32xf32> to vector<1x32x32xf32>
    %squeeze3A_165 = vector.shape_cast %slice3A_164 : vector<1x32x32xf32> to vector<32x32xf32>
    %mul3A_166 = vector.broadcast %slice3A_163 : vector<1x1xf32> to vector<32x32xf32>
    %mul3A_167 = arith.mulf %mul3A_166, %squeeze3A_165 : vector<32x32xf32>
    %add3A_168 = arith.addf %add3A_162, %mul3A_167 : vector<32x32xf32>
    %slice3A_169 = vector.extract_strided_slice %convert_element_type3A_148 {offsets = [0, 3], sizes = [1, 1], strides = [1, 1]} : vector<5x4xf32> to vector<1x1xf32>
    %slice3A_170 = vector.extract_strided_slice %convert_element_type3A_143 {offsets = [3, 0, 0], sizes = [1, 32, 32], strides = [1, 1, 1]} : vector<4x32x32xf32> to vector<1x32x32xf32>
    %squeeze3A_171 = vector.shape_cast %slice3A_170 : vector<1x32x32xf32> to vector<32x32xf32>
    %mul3A_172 = vector.broadcast %slice3A_169 : vector<1x1xf32> to vector<32x32xf32>
    %mul3A_173 = arith.mulf %mul3A_172, %squeeze3A_171 : vector<32x32xf32>
    %add3A_174 = arith.addf %add3A_168, %mul3A_173 : vector<32x32xf32>
    %broadcast_in_dim3A_175 = arith.constant 0.000000e+00 : f32
    %broadcast_in_dim3A_176 = vector.broadcast %broadcast_in_dim3A_175 : f32 to vector<32x32xf32>
    %slice3A_177 = vector.extract_strided_slice %convert_element_type3A_148 {offsets = [1, 0], sizes = [1, 1], strides = [1, 1]} : vector<5x4xf32> to vector<1x1xf32>
    %slice3A_178 = vector.extract_strided_slice %convert_element_type3A_143 {offsets = [0, 0, 0], sizes = [1, 32, 32], strides = [1, 1, 1]} : vector<4x32x32xf32> to vector<1x32x32xf32>
    %squeeze3A_179 = vector.shape_cast %slice3A_178 : vector<1x32x32xf32> to vector<32x32xf32>
    %mul3A_180 = vector.broadcast %slice3A_177 : vector<1x1xf32> to vector<32x32xf32>
    %mul3A_181 = arith.mulf %mul3A_180, %squeeze3A_179 : vector<32x32xf32>
    %add3A_182 = arith.addf %broadcast_in_dim3A_176, %mul3A_181 : vector<32x32xf32>
    %slice3A_183 = vector.extract_strided_slice %convert_element_type3A_148 {offsets = [1, 1], sizes = [1, 1], strides = [1, 1]} : vector<5x4xf32> to vector<1x1xf32>
    %slice3A_184 = vector.extract_strided_slice %convert_element_type3A_143 {offsets = [1, 0, 0], sizes = [1, 32, 32], strides = [1, 1, 1]} : vector<4x32x32xf32> to vector<1x32x32xf32>
    %squeeze3A_185 = vector.shape_cast %slice3A_184 : vector<1x32x32xf32> to vector<32x32xf32>
    %mul3A_186 = vector.broadcast %slice3A_183 : vector<1x1xf32> to vector<32x32xf32>
    %mul3A_187 = arith.mulf %mul3A_186, %squeeze3A_185 : vector<32x32xf32>
    %add3A_188 = arith.addf %add3A_182, %mul3A_187 : vector<32x32xf32>
    %slice3A_189 = vector.extract_strided_slice %convert_element_type3A_148 {offsets = [1, 2], sizes = [1, 1], strides = [1, 1]} : vector<5x4xf32> to vector<1x1xf32>
    %slice3A_190 = vector.extract_strided_slice %convert_element_type3A_143 {offsets = [2, 0, 0], sizes = [1, 32, 32], strides = [1, 1, 1]} : vector<4x32x32xf32> to vector<1x32x32xf32>
    %squeeze3A_191 = vector.shape_cast %slice3A_190 : vector<1x32x32xf32> to vector<32x32xf32>
    %mul3A_192 = vector.broadcast %slice3A_189 : vector<1x1xf32> to vector<32x32xf32>
    %mul3A_193 = arith.mulf %mul3A_192, %squeeze3A_191 : vector<32x32xf32>
    %add3A_194 = arith.addf %add3A_188, %mul3A_193 : vector<32x32xf32>
    %slice3A_195 = vector.extract_strided_slice %convert_element_type3A_148 {offsets = [1, 3], sizes = [1, 1], strides = [1, 1]} : vector<5x4xf32> to vector<1x1xf32>
    %slice3A_196 = vector.extract_strided_slice %convert_element_type3A_143 {offsets = [3, 0, 0], sizes = [1, 32, 32], strides = [1, 1, 1]} : vector<4x32x32xf32> to vector<1x32x32xf32>
    %squeeze3A_197 = vector.shape_cast %slice3A_196 : vector<1x32x32xf32> to vector<32x32xf32>
    %mul3A_198 = vector.broadcast %slice3A_195 : vector<1x1xf32> to vector<32x32xf32>
    %mul3A_199 = arith.mulf %mul3A_198, %squeeze3A_197 : vector<32x32xf32>
    %add3A_200 = arith.addf %add3A_194, %mul3A_199 : vector<32x32xf32>
    %broadcast_in_dim3A_201 = arith.constant 0.000000e+00 : f32
    %broadcast_in_dim3A_202 = vector.broadcast %broadcast_in_dim3A_201 : f32 to vector<32x32xf32>
    %slice3A_203 = vector.extract_strided_slice %convert_element_type3A_148 {offsets = [2, 0], sizes = [1, 1], strides = [1, 1]} : vector<5x4xf32> to vector<1x1xf32>
    %slice3A_204 = vector.extract_strided_slice %convert_element_type3A_143 {offsets = [0, 0, 0], sizes = [1, 32, 32], strides = [1, 1, 1]} : vector<4x32x32xf32> to vector<1x32x32xf32>
    %squeeze3A_205 = vector.shape_cast %slice3A_204 : vector<1x32x32xf32> to vector<32x32xf32>
    %mul3A_206 = vector.broadcast %slice3A_203 : vector<1x1xf32> to vector<32x32xf32>
    %mul3A_207 = arith.mulf %mul3A_206, %squeeze3A_205 : vector<32x32xf32>
    %add3A_208 = arith.addf %broadcast_in_dim3A_202, %mul3A_207 : vector<32x32xf32>
    %slice3A_209 = vector.extract_strided_slice %convert_element_type3A_148 {offsets = [2, 1], sizes = [1, 1], strides = [1, 1]} : vector<5x4xf32> to vector<1x1xf32>
    %slice3A_210 = vector.extract_strided_slice %convert_element_type3A_143 {offsets = [1, 0, 0], sizes = [1, 32, 32], strides = [1, 1, 1]} : vector<4x32x32xf32> to vector<1x32x32xf32>
    %squeeze3A_211 = vector.shape_cast %slice3A_210 : vector<1x32x32xf32> to vector<32x32xf32>
    %mul3A_212 = vector.broadcast %slice3A_209 : vector<1x1xf32> to vector<32x32xf32>
    %mul3A_213 = arith.mulf %mul3A_212, %squeeze3A_211 : vector<32x32xf32>
    %add3A_214 = arith.addf %add3A_208, %mul3A_213 : vector<32x32xf32>
    %slice3A_215 = vector.extract_strided_slice %convert_element_type3A_148 {offsets = [2, 2], sizes = [1, 1], strides = [1, 1]} : vector<5x4xf32> to vector<1x1xf32>
    %slice3A_216 = vector.extract_strided_slice %convert_element_type3A_143 {offsets = [2, 0, 0], sizes = [1, 32, 32], strides = [1, 1, 1]} : vector<4x32x32xf32> to vector<1x32x32xf32>
    %squeeze3A_217 = vector.shape_cast %slice3A_216 : vector<1x32x32xf32> to vector<32x32xf32>
    %mul3A_218 = vector.broadcast %slice3A_215 : vector<1x1xf32> to vector<32x32xf32>
    %mul3A_219 = arith.mulf %mul3A_218, %squeeze3A_217 : vector<32x32xf32>
    %add3A_220 = arith.addf %add3A_214, %mul3A_219 : vector<32x32xf32>
    %slice3A_221 = vector.extract_strided_slice %convert_element_type3A_148 {offsets = [2, 3], sizes = [1, 1], strides = [1, 1]} : vector<5x4xf32> to vector<1x1xf32>
    %slice3A_222 = vector.extract_strided_slice %convert_element_type3A_143 {offsets = [3, 0, 0], sizes = [1, 32, 32], strides = [1, 1, 1]} : vector<4x32x32xf32> to vector<1x32x32xf32>
    %squeeze3A_223 = vector.shape_cast %slice3A_222 : vector<1x32x32xf32> to vector<32x32xf32>
    %mul3A_224 = vector.broadcast %slice3A_221 : vector<1x1xf32> to vector<32x32xf32>
    %mul3A_225 = arith.mulf %mul3A_224, %squeeze3A_223 : vector<32x32xf32>
    %add3A_226 = arith.addf %add3A_220, %mul3A_225 : vector<32x32xf32>
    %broadcast_in_dim3A_227 = arith.constant 0.000000e+00 : f32
    %broadcast_in_dim3A_228 = vector.broadcast %broadcast_in_dim3A_227 : f32 to vector<32x32xf32>
    %slice3A_229 = vector.extract_strided_slice %convert_element_type3A_148 {offsets = [3, 0], sizes = [1, 1], strides = [1, 1]} : vector<5x4xf32> to vector<1x1xf32>
    %slice3A_230 = vector.extract_strided_slice %convert_element_type3A_143 {offsets = [0, 0, 0], sizes = [1, 32, 32], strides = [1, 1, 1]} : vector<4x32x32xf32> to vector<1x32x32xf32>
    %squeeze3A_231 = vector.shape_cast %slice3A_230 : vector<1x32x32xf32> to vector<32x32xf32>
    %mul3A_232 = vector.broadcast %slice3A_229 : vector<1x1xf32> to vector<32x32xf32>
    %mul3A_233 = arith.mulf %mul3A_232, %squeeze3A_231 : vector<32x32xf32>
    %add3A_234 = arith.addf %broadcast_in_dim3A_228, %mul3A_233 : vector<32x32xf32>
    %slice3A_235 = vector.extract_strided_slice %convert_element_type3A_148 {offsets = [3, 1], sizes = [1, 1], strides = [1, 1]} : vector<5x4xf32> to vector<1x1xf32>
    %slice3A_236 = vector.extract_strided_slice %convert_element_type3A_143 {offsets = [1, 0, 0], sizes = [1, 32, 32], strides = [1, 1, 1]} : vector<4x32x32xf32> to vector<1x32x32xf32>
    %squeeze3A_237 = vector.shape_cast %slice3A_236 : vector<1x32x32xf32> to vector<32x32xf32>
    %mul3A_238 = vector.broadcast %slice3A_235 : vector<1x1xf32> to vector<32x32xf32>
    %mul3A_239 = arith.mulf %mul3A_238, %squeeze3A_237 : vector<32x32xf32>
    %add3A_240 = arith.addf %add3A_234, %mul3A_239 : vector<32x32xf32>
    %slice3A_241 = vector.extract_strided_slice %convert_element_type3A_148 {offsets = [3, 2], sizes = [1, 1], strides = [1, 1]} : vector<5x4xf32> to vector<1x1xf32>
    %slice3A_242 = vector.extract_strided_slice %convert_element_type3A_143 {offsets = [2, 0, 0], sizes = [1, 32, 32], strides = [1, 1, 1]} : vector<4x32x32xf32> to vector<1x32x32xf32>
    %squeeze3A_243 = vector.shape_cast %slice3A_242 : vector<1x32x32xf32> to vector<32x32xf32>
    %mul3A_244 = vector.broadcast %slice3A_241 : vector<1x1xf32> to vector<32x32xf32>
    %mul3A_245 = arith.mulf %mul3A_244, %squeeze3A_243 : vector<32x32xf32>
    %add3A_246 = arith.addf %add3A_240, %mul3A_245 : vector<32x32xf32>
    %slice3A_247 = vector.extract_strided_slice %convert_element_type3A_148 {offsets = [3, 3], sizes = [1, 1], strides = [1, 1]} : vector<5x4xf32> to vector<1x1xf32>
    %slice3A_248 = vector.extract_strided_slice %convert_element_type3A_143 {offsets = [3, 0, 0], sizes = [1, 32, 32], strides = [1, 1, 1]} : vector<4x32x32xf32> to vector<1x32x32xf32>
    %squeeze3A_249 = vector.shape_cast %slice3A_248 : vector<1x32x32xf32> to vector<32x32xf32>
    %mul3A_250 = vector.broadcast %slice3A_247 : vector<1x1xf32> to vector<32x32xf32>
    %mul3A_251 = arith.mulf %mul3A_250, %squeeze3A_249 : vector<32x32xf32>
    %add3A_252 = arith.addf %add3A_246, %mul3A_251 : vector<32x32xf32>
    %broadcast_in_dim3A_253 = arith.constant 0.000000e+00 : f32
    %broadcast_in_dim3A_254 = vector.broadcast %broadcast_in_dim3A_253 : f32 to vector<32x32xf32>
    %slice3A_255 = vector.extract_strided_slice %convert_element_type3A_148 {offsets = [4, 0], sizes = [1, 1], strides = [1, 1]} : vector<5x4xf32> to vector<1x1xf32>
    %slice3A_256 = vector.extract_strided_slice %convert_element_type3A_143 {offsets = [0, 0, 0], sizes = [1, 32, 32], strides = [1, 1, 1]} : vector<4x32x32xf32> to vector<1x32x32xf32>
    %squeeze3A_257 = vector.shape_cast %slice3A_256 : vector<1x32x32xf32> to vector<32x32xf32>
    %mul3A_258 = vector.broadcast %slice3A_255 : vector<1x1xf32> to vector<32x32xf32>
    %mul3A_259 = arith.mulf %mul3A_258, %squeeze3A_257 : vector<32x32xf32>
    %add3A_260 = arith.addf %broadcast_in_dim3A_254, %mul3A_259 : vector<32x32xf32>
    %slice3A_261 = vector.extract_strided_slice %convert_element_type3A_148 {offsets = [4, 1], sizes = [1, 1], strides = [1, 1]} : vector<5x4xf32> to vector<1x1xf32>
    %slice3A_262 = vector.extract_strided_slice %convert_element_type3A_143 {offsets = [1, 0, 0], sizes = [1, 32, 32], strides = [1, 1, 1]} : vector<4x32x32xf32> to vector<1x32x32xf32>
    %squeeze3A_263 = vector.shape_cast %slice3A_262 : vector<1x32x32xf32> to vector<32x32xf32>
    %mul3A_264 = vector.broadcast %slice3A_261 : vector<1x1xf32> to vector<32x32xf32>
    %mul3A_265 = arith.mulf %mul3A_264, %squeeze3A_263 : vector<32x32xf32>
    %add3A_266 = arith.addf %add3A_260, %mul3A_265 : vector<32x32xf32>
    %slice3A_267 = vector.extract_strided_slice %convert_element_type3A_148 {offsets = [4, 2], sizes = [1, 1], strides = [1, 1]} : vector<5x4xf32> to vector<1x1xf32>
    %slice3A_268 = vector.extract_strided_slice %convert_element_type3A_143 {offsets = [2, 0, 0], sizes = [1, 32, 32], strides = [1, 1, 1]} : vector<4x32x32xf32> to vector<1x32x32xf32>
    %squeeze3A_269 = vector.shape_cast %slice3A_268 : vector<1x32x32xf32> to vector<32x32xf32>
    %mul3A_270 = vector.broadcast %slice3A_267 : vector<1x1xf32> to vector<32x32xf32>
    %mul3A_271 = arith.mulf %mul3A_270, %squeeze3A_269 : vector<32x32xf32>
    %add3A_272 = arith.addf %add3A_266, %mul3A_271 : vector<32x32xf32>
    %slice3A_273 = vector.extract_strided_slice %convert_element_type3A_148 {offsets = [4, 3], sizes = [1, 1], strides = [1, 1]} : vector<5x4xf32> to vector<1x1xf32>
    %slice3A_274 = vector.extract_strided_slice %convert_element_type3A_143 {offsets = [3, 0, 0], sizes = [1, 32, 32], strides = [1, 1, 1]} : vector<4x32x32xf32> to vector<1x32x32xf32>
    %squeeze3A_275 = vector.shape_cast %slice3A_274 : vector<1x32x32xf32> to vector<32x32xf32>
    %mul3A_276 = vector.broadcast %slice3A_273 : vector<1x1xf32> to vector<32x32xf32>
    %mul3A_277 = arith.mulf %mul3A_276, %squeeze3A_275 : vector<32x32xf32>
    %add3A_278 = arith.addf %add3A_272, %mul3A_277 : vector<32x32xf32>
    %concatenate3A_279 = tpu.concatenate %add3A_174, %add3A_200, %add3A_226, %add3A_252, %add3A_278 in 1 : vector<32x32xf32>, vector<32x32xf32>, vector<32x32xf32>, vector<32x32xf32>, vector<32x32xf32> -> vector<32x160xf32>
    %convert_element_type3A_280 = arith.truncf %concatenate3A_279 : vector<32x160xf32> to vector<32x160xbf16>
    %convert_element_type3A_281 = arith.extf %convert_element_type3A_280 : vector<32x160xbf16> to vector<32x160xf32>
    %swap3A_282 = arith.constant 0 : index
    %swap3A_283 = arith.constant 0 : index
    %swap3A_284 = vector.load %arg10[%swap3A_282, %swap3A_283] : memref<32x160xf32, #tpu.memory_space<vmem>>, vector<32x160xf32>
    tpu.vector_store %arg10[%swap3A_282, %swap3A_283], %convert_element_type3A_281 {strides = array<i32>} : memref<32x160xf32, #tpu.memory_space<vmem>>, vector<32x160xf32>,
    %get3A_285 = arith.constant 0 : index
    %get3A_286 = arith.constant 0 : index
    %get3A_287 = arith.constant 0 : index
    %get3A_288 = vector.load %arg4[%get3A_285, %get3A_286, %get3A_287] : memref<4x32x32xf32, #tpu.memory_space<vmem>>, vector<4x32x32xf32>
    %convert_element_type3A_289 = arith.truncf %get3A_288 : vector<4x32x32xf32> to vector<4x32x32xbf16>
    %convert_element_type3A_290 = arith.extf %convert_element_type3A_289 : vector<4x32x32xbf16> to vector<4x32x32xf32>
    %get3A_291 = arith.constant 0 : index
    %get3A_292 = arith.constant 0 : index
    %get3A_293 = vector.load %arg5[%get3A_291, %get3A_292] : memref<5x4xf32, #tpu.memory_space<vmem>>, vector<5x4xf32>
    %convert_element_type3A_294 = arith.truncf %get3A_293 : vector<5x4xf32> to vector<5x4xbf16>
    %convert_element_type3A_295 = arith.extf %convert_element_type3A_294 : vector<5x4xbf16> to vector<5x4xf32>
    %broadcast_in_dim3A_296 = arith.constant 0.000000e+00 : f32
    %broadcast_in_dim3A_297 = vector.broadcast %broadcast_in_dim3A_296 : f32 to vector<32x32xf32>
    %slice3A_298 = vector.extract_strided_slice %convert_element_type3A_295 {offsets = [0, 0], sizes = [1, 1], strides = [1, 1]} : vector<5x4xf32> to vector<1x1xf32>
    %slice3A_299 = vector.extract_strided_slice %convert_element_type3A_290 {offsets = [0, 0, 0], sizes = [1, 32, 32], strides = [1, 1, 1]} : vector<4x32x32xf32> to vector<1x32x32xf32>
    %squeeze3A_300 = vector.shape_cast %slice3A_299 : vector<1x32x32xf32> to vector<32x32xf32>
    %mul3A_301 = vector.broadcast %slice3A_298 : vector<1x1xf32> to vector<32x32xf32>
    %mul3A_302 = arith.mulf %mul3A_301, %squeeze3A_300 : vector<32x32xf32>
    %add3A_303 = arith.addf %broadcast_in_dim3A_297, %mul3A_302 : vector<32x32xf32>
    %slice3A_304 = vector.extract_strided_slice %convert_element_type3A_295 {offsets = [0, 1], sizes = [1, 1], strides = [1, 1]} : vector<5x4xf32> to vector<1x1xf32>
    %slice3A_305 = vector.extract_strided_slice %convert_element_type3A_290 {offsets = [1, 0, 0], sizes = [1, 32, 32], strides = [1, 1, 1]} : vector<4x32x32xf32> to vector<1x32x32xf32>
    %squeeze3A_306 = vector.shape_cast %slice3A_305 : vector<1x32x32xf32> to vector<32x32xf32>
    %mul3A_307 = vector.broadcast %slice3A_304 : vector<1x1xf32> to vector<32x32xf32>
    %mul3A_308 = arith.mulf %mul3A_307, %squeeze3A_306 : vector<32x32xf32>
    %add3A_309 = arith.addf %add3A_303, %mul3A_308 : vector<32x32xf32>
    %slice3A_310 = vector.extract_strided_slice %convert_element_type3A_295 {offsets = [0, 2], sizes = [1, 1], strides = [1, 1]} : vector<5x4xf32> to vector<1x1xf32>
    %slice3A_311 = vector.extract_strided_slice %convert_element_type3A_290 {offsets = [2, 0, 0], sizes = [1, 32, 32], strides = [1, 1, 1]} : vector<4x32x32xf32> to vector<1x32x32xf32>
    %squeeze3A_312 = vector.shape_cast %slice3A_311 : vector<1x32x32xf32> to vector<32x32xf32>
    %mul3A_313 = vector.broadcast %slice3A_310 : vector<1x1xf32> to vector<32x32xf32>
    %mul3A_314 = arith.mulf %mul3A_313, %squeeze3A_312 : vector<32x32xf32>
    %add3A_315 = arith.addf %add3A_309, %mul3A_314 : vector<32x32xf32>
    %slice3A_316 = vector.extract_strided_slice %convert_element_type3A_295 {offsets = [0, 3], sizes = [1, 1], strides = [1, 1]} : vector<5x4xf32> to vector<1x1xf32>
    %slice3A_317 = vector.extract_strided_slice %convert_element_type3A_290 {offsets = [3, 0, 0], sizes = [1, 32, 32], strides = [1, 1, 1]} : vector<4x32x32xf32> to vector<1x32x32xf32>
    %squeeze3A_318 = vector.shape_cast %slice3A_317 : vector<1x32x32xf32> to vector<32x32xf32>
    %mul3A_319 = vector.broadcast %slice3A_316 : vector<1x1xf32> to vector<32x32xf32>
    %mul3A_320 = arith.mulf %mul3A_319, %squeeze3A_318 : vector<32x32xf32>
    %add3A_321 = arith.addf %add3A_315, %mul3A_320 : vector<32x32xf32>
    %broadcast_in_dim3A_322 = arith.constant 0.000000e+00 : f32
    %broadcast_in_dim3A_323 = vector.broadcast %broadcast_in_dim3A_322 : f32 to vector<32x32xf32>
    %slice3A_324 = vector.extract_strided_slice %convert_element_type3A_295 {offsets = [1, 0], sizes = [1, 1], strides = [1, 1]} : vector<5x4xf32> to vector<1x1xf32>
    %slice3A_325 = vector.extract_strided_slice %convert_element_type3A_290 {offsets = [0, 0, 0], sizes = [1, 32, 32], strides = [1, 1, 1]} : vector<4x32x32xf32> to vector<1x32x32xf32>
    %squeeze3A_326 = vector.shape_cast %slice3A_325 : vector<1x32x32xf32> to vector<32x32xf32>
    %mul3A_327 = vector.broadcast %slice3A_324 : vector<1x1xf32> to vector<32x32xf32>
    %mul3A_328 = arith.mulf %mul3A_327, %squeeze3A_326 : vector<32x32xf32>
    %add3A_329 = arith.addf %broadcast_in_dim3A_323, %mul3A_328 : vector<32x32xf32>
    %slice3A_330 = vector.extract_strided_slice %convert_element_type3A_295 {offsets = [1, 1], sizes = [1, 1], strides = [1, 1]} : vector<5x4xf32> to vector<1x1xf32>
    %slice3A_331 = vector.extract_strided_slice %convert_element_type3A_290 {offsets = [1, 0, 0], sizes = [1, 32, 32], strides = [1, 1, 1]} : vector<4x32x32xf32> to vector<1x32x32xf32>
    %squeeze3A_332 = vector.shape_cast %slice3A_331 : vector<1x32x32xf32> to vector<32x32xf32>
    %mul3A_333 = vector.broadcast %slice3A_330 : vector<1x1xf32> to vector<32x32xf32>
    %mul3A_334 = arith.mulf %mul3A_333, %squeeze3A_332 : vector<32x32xf32>
    %add3A_335 = arith.addf %add3A_329, %mul3A_334 : vector<32x32xf32>
    %slice3A_336 = vector.extract_strided_slice %convert_element_type3A_295 {offsets = [1, 2], sizes = [1, 1], strides = [1, 1]} : vector<5x4xf32> to vector<1x1xf32>
    %slice3A_337 = vector.extract_strided_slice %convert_element_type3A_290 {offsets = [2, 0, 0], sizes = [1, 32, 32], strides = [1, 1, 1]} : vector<4x32x32xf32> to vector<1x32x32xf32>
    %squeeze3A_338 = vector.shape_cast %slice3A_337 : vector<1x32x32xf32> to vector<32x32xf32>
    %mul3A_339 = vector.broadcast %slice3A_336 : vector<1x1xf32> to vector<32x32xf32>
    %mul3A_340 = arith.mulf %mul3A_339, %squeeze3A_338 : vector<32x32xf32>
    %add3A_341 = arith.addf %add3A_335, %mul3A_340 : vector<32x32xf32>
    %slice3A_342 = vector.extract_strided_slice %convert_element_type3A_295 {offsets = [1, 3], sizes = [1, 1], strides = [1, 1]} : vector<5x4xf32> to vector<1x1xf32>
    %slice3A_343 = vector.extract_strided_slice %convert_element_type3A_290 {offsets = [3, 0, 0], sizes = [1, 32, 32], strides = [1, 1, 1]} : vector<4x32x32xf32> to vector<1x32x32xf32>
    %squeeze3A_344 = vector.shape_cast %slice3A_343 : vector<1x32x32xf32> to vector<32x32xf32>
    %mul3A_345 = vector.broadcast %slice3A_342 : vector<1x1xf32> to vector<32x32xf32>
    %mul3A_346 = arith.mulf %mul3A_345, %squeeze3A_344 : vector<32x32xf32>
    %add3A_347 = arith.addf %add3A_341, %mul3A_346 : vector<32x32xf32>
    %broadcast_in_dim3A_348 = arith.constant 0.000000e+00 : f32
    %broadcast_in_dim3A_349 = vector.broadcast %broadcast_in_dim3A_348 : f32 to vector<32x32xf32>
    %slice3A_350 = vector.extract_strided_slice %convert_element_type3A_295 {offsets = [2, 0], sizes = [1, 1], strides = [1, 1]} : vector<5x4xf32> to vector<1x1xf32>
    %slice3A_351 = vector.extract_strided_slice %convert_element_type3A_290 {offsets = [0, 0, 0], sizes = [1, 32, 32], strides = [1, 1, 1]} : vector<4x32x32xf32> to vector<1x32x32xf32>
    %squeeze3A_352 = vector.shape_cast %slice3A_351 : vector<1x32x32xf32> to vector<32x32xf32>
    %mul3A_353 = vector.broadcast %slice3A_350 : vector<1x1xf32> to vector<32x32xf32>
    %mul3A_354 = arith.mulf %mul3A_353, %squeeze3A_352 : vector<32x32xf32>
    %add3A_355 = arith.addf %broadcast_in_dim3A_349, %mul3A_354 : vector<32x32xf32>
    %slice3A_356 = vector.extract_strided_slice %convert_element_type3A_295 {offsets = [2, 1], sizes = [1, 1], strides = [1, 1]} : vector<5x4xf32> to vector<1x1xf32>
    %slice3A_357 = vector.extract_strided_slice %convert_element_type3A_290 {offsets = [1, 0, 0], sizes = [1, 32, 32], strides = [1, 1, 1]} : vector<4x32x32xf32> to vector<1x32x32xf32>
    %squeeze3A_358 = vector.shape_cast %slice3A_357 : vector<1x32x32xf32> to vector<32x32xf32>
    %mul3A_359 = vector.broadcast %slice3A_356 : vector<1x1xf32> to vector<32x32xf32>
    %mul3A_360 = arith.mulf %mul3A_359, %squeeze3A_358 : vector<32x32xf32>
    %add3A_361 = arith.addf %add3A_355, %mul3A_360 : vector<32x32xf32>
    %slice3A_362 = vector.extract_strided_slice %convert_element_type3A_295 {offsets = [2, 2], sizes = [1, 1], strides = [1, 1]} : vector<5x4xf32> to vector<1x1xf32>
    %slice3A_363 = vector.extract_strided_slice %convert_element_type3A_290 {offsets = [2, 0, 0], sizes = [1, 32, 32], strides = [1, 1, 1]} : vector<4x32x32xf32> to vector<1x32x32xf32>
    %squeeze3A_364 = vector.shape_cast %slice3A_363 : vector<1x32x32xf32> to vector<32x32xf32>
    %mul3A_365 = vector.broadcast %slice3A_362 : vector<1x1xf32> to vector<32x32xf32>
    %mul3A_366 = arith.mulf %mul3A_365, %squeeze3A_364 : vector<32x32xf32>
    %add3A_367 = arith.addf %add3A_361, %mul3A_366 : vector<32x32xf32>
    %slice3A_368 = vector.extract_strided_slice %convert_element_type3A_295 {offsets = [2, 3], sizes = [1, 1], strides = [1, 1]} : vector<5x4xf32> to vector<1x1xf32>
    %slice3A_369 = vector.extract_strided_slice %convert_element_type3A_290 {offsets = [3, 0, 0], sizes = [1, 32, 32], strides = [1, 1, 1]} : vector<4x32x32xf32> to vector<1x32x32xf32>
    %squeeze3A_370 = vector.shape_cast %slice3A_369 : vector<1x32x32xf32> to vector<32x32xf32>
    %mul3A_371 = vector.broadcast %slice3A_368 : vector<1x1xf32> to vector<32x32xf32>
    %mul3A_372 = arith.mulf %mul3A_371, %squeeze3A_370 : vector<32x32xf32>
    %add3A_373 = arith.addf %add3A_367, %mul3A_372 : vector<32x32xf32>
    %broadcast_in_dim3A_374 = arith.constant 0.000000e+00 : f32
    %broadcast_in_dim3A_375 = vector.broadcast %broadcast_in_dim3A_374 : f32 to vector<32x32xf32>
    %slice3A_376 = vector.extract_strided_slice %convert_element_type3A_295 {offsets = [3, 0], sizes = [1, 1], strides = [1, 1]} : vector<5x4xf32> to vector<1x1xf32>
    %slice3A_377 = vector.extract_strided_slice %convert_element_type3A_290 {offsets = [0, 0, 0], sizes = [1, 32, 32], strides = [1, 1, 1]} : vector<4x32x32xf32> to vector<1x32x32xf32>
    %squeeze3A_378 = vector.shape_cast %slice3A_377 : vector<1x32x32xf32> to vector<32x32xf32>
    %mul3A_379 = vector.broadcast %slice3A_376 : vector<1x1xf32> to vector<32x32xf32>
    %mul3A_380 = arith.mulf %mul3A_379, %squeeze3A_378 : vector<32x32xf32>
    %add3A_381 = arith.addf %broadcast_in_dim3A_375, %mul3A_380 : vector<32x32xf32>
    %slice3A_382 = vector.extract_strided_slice %convert_element_type3A_295 {offsets = [3, 1], sizes = [1, 1], strides = [1, 1]} : vector<5x4xf32> to vector<1x1xf32>
    %slice3A_383 = vector.extract_strided_slice %convert_element_type3A_290 {offsets = [1, 0, 0], sizes = [1, 32, 32], strides = [1, 1, 1]} : vector<4x32x32xf32> to vector<1x32x32xf32>
    %squeeze3A_384 = vector.shape_cast %slice3A_383 : vector<1x32x32xf32> to vector<32x32xf32>
    %mul3A_385 = vector.broadcast %slice3A_382 : vector<1x1xf32> to vector<32x32xf32>
    %mul3A_386 = arith.mulf %mul3A_385, %squeeze3A_384 : vector<32x32xf32>
    %add3A_387 = arith.addf %add3A_381, %mul3A_386 : vector<32x32xf32>
    %slice3A_388 = vector.extract_strided_slice %convert_element_type3A_295 {offsets = [3, 2], sizes = [1, 1], strides = [1, 1]} : vector<5x4xf32> to vector<1x1xf32>
    %slice3A_389 = vector.extract_strided_slice %convert_element_type3A_290 {offsets = [2, 0, 0], sizes = [1, 32, 32], strides = [1, 1, 1]} : vector<4x32x32xf32> to vector<1x32x32xf32>
    %squeeze3A_390 = vector.shape_cast %slice3A_389 : vector<1x32x32xf32> to vector<32x32xf32>
    %mul3A_391 = vector.broadcast %slice3A_388 : vector<1x1xf32> to vector<32x32xf32>
    %mul3A_392 = arith.mulf %mul3A_391, %squeeze3A_390 : vector<32x32xf32>
    %add3A_393 = arith.addf %add3A_387, %mul3A_392 : vector<32x32xf32>
    %slice3A_394 = vector.extract_strided_slice %convert_element_type3A_295 {offsets = [3, 3], sizes = [1, 1], strides = [1, 1]} : vector<5x4xf32> to vector<1x1xf32>
    %slice3A_395 = vector.extract_strided_slice %convert_element_type3A_290 {offsets = [3, 0, 0], sizes = [1, 32, 32], strides = [1, 1, 1]} : vector<4x32x32xf32> to vector<1x32x32xf32>
    %squeeze3A_396 = vector.shape_cast %slice3A_395 : vector<1x32x32xf32> to vector<32x32xf32>
    %mul3A_397 = vector.broadcast %slice3A_394 : vector<1x1xf32> to vector<32x32xf32>
    %mul3A_398 = arith.mulf %mul3A_397, %squeeze3A_396 : vector<32x32xf32>
    %add3A_399 = arith.addf %add3A_393, %mul3A_398 : vector<32x32xf32>
    %broadcast_in_dim3A_400 = arith.constant 0.000000e+00 : f32
    %broadcast_in_dim3A_401 = vector.broadcast %broadcast_in_dim3A_400 : f32 to vector<32x32xf32>
    %slice3A_402 = vector.extract_strided_slice %convert_element_type3A_295 {offsets = [4, 0], sizes = [1, 1], strides = [1, 1]} : vector<5x4xf32> to vector<1x1xf32>
    %slice3A_403 = vector.extract_strided_slice %convert_element_type3A_290 {offsets = [0, 0, 0], sizes = [1, 32, 32], strides = [1, 1, 1]} : vector<4x32x32xf32> to vector<1x32x32xf32>
    %squeeze3A_404 = vector.shape_cast %slice3A_403 : vector<1x32x32xf32> to vector<32x32xf32>
    %mul3A_405 = vector.broadcast %slice3A_402 : vector<1x1xf32> to vector<32x32xf32>
    %mul3A_406 = arith.mulf %mul3A_405, %squeeze3A_404 : vector<32x32xf32>
    %add3A_407 = arith.addf %broadcast_in_dim3A_401, %mul3A_406 : vector<32x32xf32>
    %slice3A_408 = vector.extract_strided_slice %convert_element_type3A_295 {offsets = [4, 1], sizes = [1, 1], strides = [1, 1]} : vector<5x4xf32> to vector<1x1xf32>
    %slice3A_409 = vector.extract_strided_slice %convert_element_type3A_290 {offsets = [1, 0, 0], sizes = [1, 32, 32], strides = [1, 1, 1]} : vector<4x32x32xf32> to vector<1x32x32xf32>
    %squeeze3A_410 = vector.shape_cast %slice3A_409 : vector<1x32x32xf32> to vector<32x32xf32>
    %mul3A_411 = vector.broadcast %slice3A_408 : vector<1x1xf32> to vector<32x32xf32>
    %mul3A_412 = arith.mulf %mul3A_411, %squeeze3A_410 : vector<32x32xf32>
    %add3A_413 = arith.addf %add3A_407, %mul3A_412 : vector<32x32xf32>
    %slice3A_414 = vector.extract_strided_slice %convert_element_type3A_295 {offsets = [4, 2], sizes = [1, 1], strides = [1, 1]} : vector<5x4xf32> to vector<1x1xf32>
    %slice3A_415 = vector.extract_strided_slice %convert_element_type3A_290 {offsets = [2, 0, 0], sizes = [1, 32, 32], strides = [1, 1, 1]} : vector<4x32x32xf32> to vector<1x32x32xf32>
    %squeeze3A_416 = vector.shape_cast %slice3A_415 : vector<1x32x32xf32> to vector<32x32xf32>
    %mul3A_417 = vector.broadcast %slice3A_414 : vector<1x1xf32> to vector<32x32xf32>
    %mul3A_418 = arith.mulf %mul3A_417, %squeeze3A_416 : vector<32x32xf32>
    %add3A_419 = arith.addf %add3A_413, %mul3A_418 : vector<32x32xf32>
    %slice3A_420 = vector.extract_strided_slice %convert_element_type3A_295 {offsets = [4, 3], sizes = [1, 1], strides = [1, 1]} : vector<5x4xf32> to vector<1x1xf32>
    %slice3A_421 = vector.extract_strided_slice %convert_element_type3A_290 {offsets = [3, 0, 0], sizes = [1, 32, 32], strides = [1, 1, 1]} : vector<4x32x32xf32> to vector<1x32x32xf32>
    %squeeze3A_422 = vector.shape_cast %slice3A_421 : vector<1x32x32xf32> to vector<32x32xf32>
    %mul3A_423 = vector.broadcast %slice3A_420 : vector<1x1xf32> to vector<32x32xf32>
    %mul3A_424 = arith.mulf %mul3A_423, %squeeze3A_422 : vector<32x32xf32>
    %add3A_425 = arith.addf %add3A_419, %mul3A_424 : vector<32x32xf32>
    %concatenate3A_426 = tpu.concatenate %add3A_321, %add3A_347, %add3A_373, %add3A_399, %add3A_425 in 1 : vector<32x32xf32>, vector<32x32xf32>, vector<32x32xf32>, vector<32x32xf32>, vector<32x32xf32> -> vector<32x160xf32>
    %convert_element_type3A_427 = arith.truncf %concatenate3A_426 : vector<32x160xf32> to vector<32x160xbf16>
    %convert_element_type3A_428 = arith.extf %convert_element_type3A_427 : vector<32x160xbf16> to vector<32x160xf32>
    %swap3A_429 = arith.constant 0 : index
    %swap3A_430 = arith.constant 0 : index
    %swap3A_431 = vector.load %arg11[%swap3A_429, %swap3A_430] : memref<32x160xf32, #tpu.memory_space<vmem>>, vector<32x160xf32>
    tpu.vector_store %arg11[%swap3A_429, %swap3A_430], %convert_element_type3A_428 {strides = array<i32>} : memref<32x160xf32, #tpu.memory_space<vmem>>, vector<32x160xf32>,
    %get3A_432 = arith.constant 0 : index
    %get3A_433 = arith.constant 0 : index
    %get3A_434 = arith.constant 0 : index
    %get3A_435 = vector.load %arg6[%get3A_432, %get3A_433, %get3A_434] : memref<4x32x32xf32, #tpu.memory_space<vmem>>, vector<4x32x32xf32>
    %convert_element_type3A_436 = arith.truncf %get3A_435 : vector<4x32x32xf32> to vector<4x32x32xbf16>
    %convert_element_type3A_437 = arith.extf %convert_element_type3A_436 : vector<4x32x32xbf16> to vector<4x32x32xf32>
    %get3A_438 = arith.constant 0 : index
    %get3A_439 = arith.constant 0 : index
    %get3A_440 = vector.load %arg7[%get3A_438, %get3A_439] : memref<5x4xf32, #tpu.memory_space<vmem>>, vector<5x4xf32>
    %convert_element_type3A_441 = arith.truncf %get3A_440 : vector<5x4xf32> to vector<5x4xbf16>
    %convert_element_type3A_442 = arith.extf %convert_element_type3A_441 : vector<5x4xbf16> to vector<5x4xf32>
    %broadcast_in_dim3A_443 = arith.constant 0.000000e+00 : f32
    %broadcast_in_dim3A_444 = vector.broadcast %broadcast_in_dim3A_443 : f32 to vector<32x32xf32>
    %slice3A_445 = vector.extract_strided_slice %convert_element_type3A_442 {offsets = [0, 0], sizes = [1, 1], strides = [1, 1]} : vector<5x4xf32> to vector<1x1xf32>
    %slice3A_446 = vector.extract_strided_slice %convert_element_type3A_437 {offsets = [0, 0, 0], sizes = [1, 32, 32], strides = [1, 1, 1]} : vector<4x32x32xf32> to vector<1x32x32xf32>
    %squeeze3A_447 = vector.shape_cast %slice3A_446 : vector<1x32x32xf32> to vector<32x32xf32>
    %mul3A_448 = vector.broadcast %slice3A_445 : vector<1x1xf32> to vector<32x32xf32>
    %mul3A_449 = arith.mulf %mul3A_448, %squeeze3A_447 : vector<32x32xf32>
    %add3A_450 = arith.addf %broadcast_in_dim3A_444, %mul3A_449 : vector<32x32xf32>
    %slice3A_451 = vector.extract_strided_slice %convert_element_type3A_442 {offsets = [0, 1], sizes = [1, 1], strides = [1, 1]} : vector<5x4xf32> to vector<1x1xf32>
    %slice3A_452 = vector.extract_strided_slice %convert_element_type3A_437 {offsets = [1, 0, 0], sizes = [1, 32, 32], strides = [1, 1, 1]} : vector<4x32x32xf32> to vector<1x32x32xf32>
    %squeeze3A_453 = vector.shape_cast %slice3A_452 : vector<1x32x32xf32> to vector<32x32xf32>
    %mul3A_454 = vector.broadcast %slice3A_451 : vector<1x1xf32> to vector<32x32xf32>
    %mul3A_455 = arith.mulf %mul3A_454, %squeeze3A_453 : vector<32x32xf32>
    %add3A_456 = arith.addf %add3A_450, %mul3A_455 : vector<32x32xf32>
    %slice3A_457 = vector.extract_strided_slice %convert_element_type3A_442 {offsets = [0, 2], sizes = [1, 1], strides = [1, 1]} : vector<5x4xf32> to vector<1x1xf32>
    %slice3A_458 = vector.extract_strided_slice %convert_element_type3A_437 {offsets = [2, 0, 0], sizes = [1, 32, 32], strides = [1, 1, 1]} : vector<4x32x32xf32> to vector<1x32x32xf32>
    %squeeze3A_459 = vector.shape_cast %slice3A_458 : vector<1x32x32xf32> to vector<32x32xf32>
    %mul3A_460 = vector.broadcast %slice3A_457 : vector<1x1xf32> to vector<32x32xf32>
    %mul3A_461 = arith.mulf %mul3A_460, %squeeze3A_459 : vector<32x32xf32>
    %add3A_462 = arith.addf %add3A_456, %mul3A_461 : vector<32x32xf32>
    %slice3A_463 = vector.extract_strided_slice %convert_element_type3A_442 {offsets = [0, 3], sizes = [1, 1], strides = [1, 1]} : vector<5x4xf32> to vector<1x1xf32>
    %slice3A_464 = vector.extract_strided_slice %convert_element_type3A_437 {offsets = [3, 0, 0], sizes = [1, 32, 32], strides = [1, 1, 1]} : vector<4x32x32xf32> to vector<1x32x32xf32>
    %squeeze3A_465 = vector.shape_cast %slice3A_464 : vector<1x32x32xf32> to vector<32x32xf32>
    %mul3A_466 = vector.broadcast %slice3A_463 : vector<1x1xf32> to vector<32x32xf32>
    %mul3A_467 = arith.mulf %mul3A_466, %squeeze3A_465 : vector<32x32xf32>
    %add3A_468 = arith.addf %add3A_462, %mul3A_467 : vector<32x32xf32>
    %broadcast_in_dim3A_469 = arith.constant 0.000000e+00 : f32
    %broadcast_in_dim3A_470 = vector.broadcast %broadcast_in_dim3A_469 : f32 to vector<32x32xf32>
    %slice3A_471 = vector.extract_strided_slice %convert_element_type3A_442 {offsets = [1, 0], sizes = [1, 1], strides = [1, 1]} : vector<5x4xf32> to vector<1x1xf32>
    %slice3A_472 = vector.extract_strided_slice %convert_element_type3A_437 {offsets = [0, 0, 0], sizes = [1, 32, 32], strides = [1, 1, 1]} : vector<4x32x32xf32> to vector<1x32x32xf32>
    %squeeze3A_473 = vector.shape_cast %slice3A_472 : vector<1x32x32xf32> to vector<32x32xf32>
    %mul3A_474 = vector.broadcast %slice3A_471 : vector<1x1xf32> to vector<32x32xf32>
    %mul3A_475 = arith.mulf %mul3A_474, %squeeze3A_473 : vector<32x32xf32>
    %add3A_476 = arith.addf %broadcast_in_dim3A_470, %mul3A_475 : vector<32x32xf32>
    %slice3A_477 = vector.extract_strided_slice %convert_element_type3A_442 {offsets = [1, 1], sizes = [1, 1], strides = [1, 1]} : vector<5x4xf32> to vector<1x1xf32>
    %slice3A_478 = vector.extract_strided_slice %convert_element_type3A_437 {offsets = [1, 0, 0], sizes = [1, 32, 32], strides = [1, 1, 1]} : vector<4x32x32xf32> to vector<1x32x32xf32>
    %squeeze3A_479 = vector.shape_cast %slice3A_478 : vector<1x32x32xf32> to vector<32x32xf32>
    %mul3A_480 = vector.broadcast %slice3A_477 : vector<1x1xf32> to vector<32x32xf32>
    %mul3A_481 = arith.mulf %mul3A_480, %squeeze3A_479 : vector<32x32xf32>
    %add3A_482 = arith.addf %add3A_476, %mul3A_481 : vector<32x32xf32>
    %slice3A_483 = vector.extract_strided_slice %convert_element_type3A_442 {offsets = [1, 2], sizes = [1, 1], strides = [1, 1]} : vector<5x4xf32> to vector<1x1xf32>
    %slice3A_484 = vector.extract_strided_slice %convert_element_type3A_437 {offsets = [2, 0, 0], sizes = [1, 32, 32], strides = [1, 1, 1]} : vector<4x32x32xf32> to vector<1x32x32xf32>
    %squeeze3A_485 = vector.shape_cast %slice3A_484 : vector<1x32x32xf32> to vector<32x32xf32>
    %mul3A_486 = vector.broadcast %slice3A_483 : vector<1x1xf32> to vector<32x32xf32>
    %mul3A_487 = arith.mulf %mul3A_486, %squeeze3A_485 : vector<32x32xf32>
    %add3A_488 = arith.addf %add3A_482, %mul3A_487 : vector<32x32xf32>
    %slice3A_489 = vector.extract_strided_slice %convert_element_type3A_442 {offsets = [1, 3], sizes = [1, 1], strides = [1, 1]} : vector<5x4xf32> to vector<1x1xf32>
    %slice3A_490 = vector.extract_strided_slice %convert_element_type3A_437 {offsets = [3, 0, 0], sizes = [1, 32, 32], strides = [1, 1, 1]} : vector<4x32x32xf32> to vector<1x32x32xf32>
    %squeeze3A_491 = vector.shape_cast %slice3A_490 : vector<1x32x32xf32> to vector<32x32xf32>
    %mul3A_492 = vector.broadcast %slice3A_489 : vector<1x1xf32> to vector<32x32xf32>
    %mul3A_493 = arith.mulf %mul3A_492, %squeeze3A_491 : vector<32x32xf32>
    %add3A_494 = arith.addf %add3A_488, %mul3A_493 : vector<32x32xf32>
    %broadcast_in_dim3A_495 = arith.constant 0.000000e+00 : f32
    %broadcast_in_dim3A_496 = vector.broadcast %broadcast_in_dim3A_495 : f32 to vector<32x32xf32>
    %slice3A_497 = vector.extract_strided_slice %convert_element_type3A_442 {offsets = [2, 0], sizes = [1, 1], strides = [1, 1]} : vector<5x4xf32> to vector<1x1xf32>
    %slice3A_498 = vector.extract_strided_slice %convert_element_type3A_437 {offsets = [0, 0, 0], sizes = [1, 32, 32], strides = [1, 1, 1]} : vector<4x32x32xf32> to vector<1x32x32xf32>
    %squeeze3A_499 = vector.shape_cast %slice3A_498 : vector<1x32x32xf32> to vector<32x32xf32>
    %mul3A_500 = vector.broadcast %slice3A_497 : vector<1x1xf32> to vector<32x32xf32>
    %mul3A_501 = arith.mulf %mul3A_500, %squeeze3A_499 : vector<32x32xf32>
    %add3A_502 = arith.addf %broadcast_in_dim3A_496, %mul3A_501 : vector<32x32xf32>
    %slice3A_503 = vector.extract_strided_slice %convert_element_type3A_442 {offsets = [2, 1], sizes = [1, 1], strides = [1, 1]} : vector<5x4xf32> to vector<1x1xf32>
    %slice3A_504 = vector.extract_strided_slice %convert_element_type3A_437 {offsets = [1, 0, 0], sizes = [1, 32, 32], strides = [1, 1, 1]} : vector<4x32x32xf32> to vector<1x32x32xf32>
    %squeeze3A_505 = vector.shape_cast %slice3A_504 : vector<1x32x32xf32> to vector<32x32xf32>
    %mul3A_506 = vector.broadcast %slice3A_503 : vector<1x1xf32> to vector<32x32xf32>
    %mul3A_507 = arith.mulf %mul3A_506, %squeeze3A_505 : vector<32x32xf32>
    %add3A_508 = arith.addf %add3A_502, %mul3A_507 : vector<32x32xf32>
    %slice3A_509 = vector.extract_strided_slice %convert_element_type3A_442 {offsets = [2, 2], sizes = [1, 1], strides = [1, 1]} : vector<5x4xf32> to vector<1x1xf32>
    %slice3A_510 = vector.extract_strided_slice %convert_element_type3A_437 {offsets = [2, 0, 0], sizes = [1, 32, 32], strides = [1, 1, 1]} : vector<4x32x32xf32> to vector<1x32x32xf32>
    %squeeze3A_511 = vector.shape_cast %slice3A_510 : vector<1x32x32xf32> to vector<32x32xf32>
    %mul3A_512 = vector.broadcast %slice3A_509 : vector<1x1xf32> to vector<32x32xf32>
    %mul3A_513 = arith.mulf %mul3A_512, %squeeze3A_511 : vector<32x32xf32>
    %add3A_514 = arith.addf %add3A_508, %mul3A_513 : vector<32x32xf32>
    %slice3A_515 = vector.extract_strided_slice %convert_element_type3A_442 {offsets = [2, 3], sizes = [1, 1], strides = [1, 1]} : vector<5x4xf32> to vector<1x1xf32>
    %slice3A_516 = vector.extract_strided_slice %convert_element_type3A_437 {offsets = [3, 0, 0], sizes = [1, 32, 32], strides = [1, 1, 1]} : vector<4x32x32xf32> to vector<1x32x32xf32>
    %squeeze3A_517 = vector.shape_cast %slice3A_516 : vector<1x32x32xf32> to vector<32x32xf32>
    %mul3A_518 = vector.broadcast %slice3A_515 : vector<1x1xf32> to vector<32x32xf32>
    %mul3A_519 = arith.mulf %mul3A_518, %squeeze3A_517 : vector<32x32xf32>
    %add3A_520 = arith.addf %add3A_514, %mul3A_519 : vector<32x32xf32>
    %broadcast_in_dim3A_521 = arith.constant 0.000000e+00 : f32
    %broadcast_in_dim3A_522 = vector.broadcast %broadcast_in_dim3A_521 : f32 to vector<32x32xf32>
    %slice3A_523 = vector.extract_strided_slice %convert_element_type3A_442 {offsets = [3, 0], sizes = [1, 1], strides = [1, 1]} : vector<5x4xf32> to vector<1x1xf32>
    %slice3A_524 = vector.extract_strided_slice %convert_element_type3A_437 {offsets = [0, 0, 0], sizes = [1, 32, 32], strides = [1, 1, 1]} : vector<4x32x32xf32> to vector<1x32x32xf32>
    %squeeze3A_525 = vector.shape_cast %slice3A_524 : vector<1x32x32xf32> to vector<32x32xf32>
    %mul3A_526 = vector.broadcast %slice3A_523 : vector<1x1xf32> to vector<32x32xf32>
    %mul3A_527 = arith.mulf %mul3A_526, %squeeze3A_525 : vector<32x32xf32>
    %add3A_528 = arith.addf %broadcast_in_dim3A_522, %mul3A_527 : vector<32x32xf32>
    %slice3A_529 = vector.extract_strided_slice %convert_element_type3A_442 {offsets = [3, 1], sizes = [1, 1], strides = [1, 1]} : vector<5x4xf32> to vector<1x1xf32>
    %slice3A_530 = vector.extract_strided_slice %convert_element_type3A_437 {offsets = [1, 0, 0], sizes = [1, 32, 32], strides = [1, 1, 1]} : vector<4x32x32xf32> to vector<1x32x32xf32>
    %squeeze3A_531 = vector.shape_cast %slice3A_530 : vector<1x32x32xf32> to vector<32x32xf32>
    %mul3A_532 = vector.broadcast %slice3A_529 : vector<1x1xf32> to vector<32x32xf32>
    %mul3A_533 = arith.mulf %mul3A_532, %squeeze3A_531 : vector<32x32xf32>
    %add3A_534 = arith.addf %add3A_528, %mul3A_533 : vector<32x32xf32>
    %slice3A_535 = vector.extract_strided_slice %convert_element_type3A_442 {offsets = [3, 2], sizes = [1, 1], strides = [1, 1]} : vector<5x4xf32> to vector<1x1xf32>
    %slice3A_536 = vector.extract_strided_slice %convert_element_type3A_437 {offsets = [2, 0, 0], sizes = [1, 32, 32], strides = [1, 1, 1]} : vector<4x32x32xf32> to vector<1x32x32xf32>
    %squeeze3A_537 = vector.shape_cast %slice3A_536 : vector<1x32x32xf32> to vector<32x32xf32>
    %mul3A_538 = vector.broadcast %slice3A_535 : vector<1x1xf32> to vector<32x32xf32>
    %mul3A_539 = arith.mulf %mul3A_538, %squeeze3A_537 : vector<32x32xf32>
    %add3A_540 = arith.addf %add3A_534, %mul3A_539 : vector<32x32xf32>
    %slice3A_541 = vector.extract_strided_slice %convert_element_type3A_442 {offsets = [3, 3], sizes = [1, 1], strides = [1, 1]} : vector<5x4xf32> to vector<1x1xf32>
    %slice3A_542 = vector.extract_strided_slice %convert_element_type3A_437 {offsets = [3, 0, 0], sizes = [1, 32, 32], strides = [1, 1, 1]} : vector<4x32x32xf32> to vector<1x32x32xf32>
    %squeeze3A_543 = vector.shape_cast %slice3A_542 : vector<1x32x32xf32> to vector<32x32xf32>
    %mul3A_544 = vector.broadcast %slice3A_541 : vector<1x1xf32> to vector<32x32xf32>
    %mul3A_545 = arith.mulf %mul3A_544, %squeeze3A_543 : vector<32x32xf32>
    %add3A_546 = arith.addf %add3A_540, %mul3A_545 : vector<32x32xf32>
    %broadcast_in_dim3A_547 = arith.constant 0.000000e+00 : f32
    %broadcast_in_dim3A_548 = vector.broadcast %broadcast_in_dim3A_547 : f32 to vector<32x32xf32>
    %slice3A_549 = vector.extract_strided_slice %convert_element_type3A_442 {offsets = [4, 0], sizes = [1, 1], strides = [1, 1]} : vector<5x4xf32> to vector<1x1xf32>
    %slice3A_550 = vector.extract_strided_slice %convert_element_type3A_437 {offsets = [0, 0, 0], sizes = [1, 32, 32], strides = [1, 1, 1]} : vector<4x32x32xf32> to vector<1x32x32xf32>
    %squeeze3A_551 = vector.shape_cast %slice3A_550 : vector<1x32x32xf32> to vector<32x32xf32>
    %mul3A_552 = vector.broadcast %slice3A_549 : vector<1x1xf32> to vector<32x32xf32>
    %mul3A_553 = arith.mulf %mul3A_552, %squeeze3A_551 : vector<32x32xf32>
    %add3A_554 = arith.addf %broadcast_in_dim3A_548, %mul3A_553 : vector<32x32xf32>
    %slice3A_555 = vector.extract_strided_slice %convert_element_type3A_442 {offsets = [4, 1], sizes = [1, 1], strides = [1, 1]} : vector<5x4xf32> to vector<1x1xf32>
    %slice3A_556 = vector.extract_strided_slice %convert_element_type3A_437 {offsets = [1, 0, 0], sizes = [1, 32, 32], strides = [1, 1, 1]} : vector<4x32x32xf32> to vector<1x32x32xf32>
    %squeeze3A_557 = vector.shape_cast %slice3A_556 : vector<1x32x32xf32> to vector<32x32xf32>
    %mul3A_558 = vector.broadcast %slice3A_555 : vector<1x1xf32> to vector<32x32xf32>
    %mul3A_559 = arith.mulf %mul3A_558, %squeeze3A_557 : vector<32x32xf32>
    %add3A_560 = arith.addf %add3A_554, %mul3A_559 : vector<32x32xf32>
    %slice3A_561 = vector.extract_strided_slice %convert_element_type3A_442 {offsets = [4, 2], sizes = [1, 1], strides = [1, 1]} : vector<5x4xf32> to vector<1x1xf32>
    %slice3A_562 = vector.extract_strided_slice %convert_element_type3A_437 {offsets = [2, 0, 0], sizes = [1, 32, 32], strides = [1, 1, 1]} : vector<4x32x32xf32> to vector<1x32x32xf32>
    %squeeze3A_563 = vector.shape_cast %slice3A_562 : vector<1x32x32xf32> to vector<32x32xf32>
    %mul3A_564 = vector.broadcast %slice3A_561 : vector<1x1xf32> to vector<32x32xf32>
    %mul3A_565 = arith.mulf %mul3A_564, %squeeze3A_563 : vector<32x32xf32>
    %add3A_566 = arith.addf %add3A_560, %mul3A_565 : vector<32x32xf32>
    %slice3A_567 = vector.extract_strided_slice %convert_element_type3A_442 {offsets = [4, 3], sizes = [1, 1], strides = [1, 1]} : vector<5x4xf32> to vector<1x1xf32>
    %slice3A_568 = vector.extract_strided_slice %convert_element_type3A_437 {offsets = [3, 0, 0], sizes = [1, 32, 32], strides = [1, 1, 1]} : vector<4x32x32xf32> to vector<1x32x32xf32>
    %squeeze3A_569 = vector.shape_cast %slice3A_568 : vector<1x32x32xf32> to vector<32x32xf32>
    %mul3A_570 = vector.broadcast %slice3A_567 : vector<1x1xf32> to vector<32x32xf32>
    %mul3A_571 = arith.mulf %mul3A_570, %squeeze3A_569 : vector<32x32xf32>
    %add3A_572 = arith.addf %add3A_566, %mul3A_571 : vector<32x32xf32>
    %concatenate3A_573 = tpu.concatenate %add3A_468, %add3A_494, %add3A_520, %add3A_546, %add3A_572 in 1 : vector<32x32xf32>, vector<32x32xf32>, vector<32x32xf32>, vector<32x32xf32>, vector<32x32xf32> -> vector<32x160xf32>
    %convert_element_type3A_574 = arith.truncf %concatenate3A_573 : vector<32x160xf32> to vector<32x160xbf16>
    %convert_element_type3A_575 = arith.extf %convert_element_type3A_574 : vector<32x160xbf16> to vector<32x160xf32>
    %swap3A_576 = arith.constant 0 : index
    %swap3A_577 = arith.constant 0 : index
    %swap3A_578 = vector.load %arg12[%swap3A_576, %swap3A_577] : memref<32x160xf32, #tpu.memory_space<vmem>>, vector<32x160xf32>
    tpu.vector_store %arg12[%swap3A_576, %swap3A_577], %convert_element_type3A_575 {strides = array<i32>} : memref<32x160xf32, #tpu.memory_space<vmem>>, vector<32x160xf32>,
    %get3A_579 = arith.constant 0 : index
    %get3A_580 = arith.constant 0 : index
    %get3A_581 = vector.load %arg8[%get3A_579, %get3A_580] : memref<256x128xf32, #tpu.memory_space<vmem>>, vector<128x128xf32>
    %convert_element_type3A_582 = arith.truncf %get3A_581 : vector<128x128xf32> to vector<128x128xbf16>
    %convert_element_type3A_583 = arith.extf %convert_element_type3A_582 : vector<128x128xbf16> to vector<128x128xf32>
    %get3A_584 = arith.constant 128 : index
    %get3A_585 = arith.constant 0 : index
    %get3A_586 = vector.load %arg8[%get3A_584, %get3A_585] : memref<256x128xf32, #tpu.memory_space<vmem>>, vector<128x128xf32>
    %convert_element_type3A_587 = arith.truncf %get3A_586 : vector<128x128xf32> to vector<128x128xbf16>
    %convert_element_type3A_588 = arith.extf %convert_element_type3A_587 : vector<128x128xbf16> to vector<128x128xf32>
    %add3A_589 = arith.addf %convert_element_type3A_583, %convert_element_type3A_588 : vector<128x128xf32>
    %swap3A_590 = arith.constant 0 : index
    %swap3A_591 = arith.constant 0 : index
    %swap3A_592 = vector.load %arg13[%swap3A_590, %swap3A_591] : memref<128x128xf32, #tpu.memory_space<vmem>>, vector<128x128xf32>
    tpu.vector_store %arg13[%swap3A_590, %swap3A_591], %add3A_589 {strides = array<i32>} : memref<128x128xf32, #tpu.memory_space<vmem>>, vector<128x128xf32>,
    return
  }
}

module attributes {stable_mosaic.version = 14 : i64} {
  func.func @_layer0_body(%arg0: i32, %arg1: memref<1000x128xf32, #tpu.memory_space<vmem>>, %arg2: memref<128x160xf32, #tpu.memory_space<vmem>>, %arg3: memref<128x32xf32, #tpu.memory_space<vmem>>, %arg4: memref<1x32xf32, #tpu.memory_space<vmem>>, %arg5: memref<1000x160xf32, #tpu.memory_space<vmem>>, %arg6: memref<1000x32xf32, #tpu.memory_space<vmem>>) attributes {dimension_semantics = [#tpu.dimension_semantics<arbitrary>], iteration_bounds = array<i64: 10>, scalar_prefetch = 0 : i64, scratch_operands = 0 : i64, tpu.core_type = #tpu.core_type<tc>, window_params = [{transform_indices = @transform_0, window_bounds = array<i64: 1000, 128>}, {pipeline_mode = #tpu.pipeline_mode<synchronous>, transform_indices = @transform_1, window_bounds = array<i64: 128, 160>}, {pipeline_mode = #tpu.pipeline_mode<synchronous>, transform_indices = @transform_2, window_bounds = array<i64: 128, 32>}, {pipeline_mode = #tpu.pipeline_mode<synchronous>, transform_indices = @transform_3, window_bounds = array<i64: 1, 32>}, {transform_indices = @transform_4, window_bounds = array<i64: 1000, 160>}, {transform_indices = @transform_5, window_bounds = array<i64: 1000, 32>}]} {
    %get3A = arith.constant 0 : index
    %get3A_0 = arith.constant 0 : index
    %get3A_1 = vector.load %arg1[%get3A, %get3A_0] : memref<1000x128xf32, #tpu.memory_space<vmem>>, vector<1000x128xf32>
    %convert_element_type3A = arith.truncf %get3A_1 : vector<1000x128xf32> to vector<1000x128xbf16>
    %convert_element_type3A_2 = arith.extf %convert_element_type3A : vector<1000x128xbf16> to vector<1000x128xf32>
    %get3A_3 = arith.constant 0 : index
    %get3A_4 = arith.constant 0 : index
    %get3A_5 = vector.load %arg2[%get3A_3, %get3A_4] : memref<128x160xf32, #tpu.memory_space<vmem>>, vector<128x160xf32>
    %dot_general3A = arith.constant dense<0.000000e+00> : vector<1000x160xf32>
    %dot_general3A_6 = tpu.matmul %convert_element_type3A_2, %get3A_5, %dot_general3A {dimension_numbers = #tpu.dot_dimension_numbers<[1], [0], [0], [1], [0, 0, 1, 1], [], []>, precision = #tpu.contract_precision<fp32>, transpose_lhs_hint = false} : vector<1000x128xf32>, vector<128x160xf32>, vector<1000x160xf32> -> vector<1000x160xf32>
    %swap3A = arith.constant 0 : index
    %swap3A_7 = arith.constant 0 : index
    %swap3A_8 = vector.load %arg5[%swap3A, %swap3A_7] : memref<1000x160xf32, #tpu.memory_space<vmem>>, vector<1000x160xf32>
    tpu.vector_store %arg5[%swap3A, %swap3A_7], %dot_general3A_6 {strides = array<i32>} : memref<1000x160xf32, #tpu.memory_space<vmem>>, vector<1000x160xf32>,
    %get3A_9 = arith.constant 0 : index
    %get3A_10 = arith.constant 0 : index
    %get3A_11 = vector.load %arg3[%get3A_9, %get3A_10] : memref<128x32xf32, #tpu.memory_space<vmem>>, vector<128x32xf32>
    %convert_element_type3A_12 = arith.truncf %get3A_11 : vector<128x32xf32> to vector<128x32xbf16>
    %convert_element_type3A_13 = arith.extf %convert_element_type3A_12 : vector<128x32xbf16> to vector<128x32xf32>
    %dot_general3A_14 = arith.constant dense<0.000000e+00> : vector<1000x32xf32>
    %dot_general3A_15 = tpu.matmul %convert_element_type3A_2, %convert_element_type3A_13, %dot_general3A_14 {dimension_numbers = #tpu.dot_dimension_numbers<[1], [0], [0], [1], [0, 0, 1, 1], [], []>, precision = #tpu.contract_precision<fp32>, transpose_lhs_hint = false} : vector<1000x128xf32>, vector<128x32xf32>, vector<1000x32xf32> -> vector<1000x32xf32>
    %get3A_16 = arith.constant 0 : index
    %get3A_17 = arith.constant 0 : index
    %get3A_18 = vector.load %arg4[%get3A_16, %get3A_17] : memref<1x32xf32, #tpu.memory_space<vmem>>, vector<1x32xf32>
    %add3A = vector.broadcast %get3A_18 : vector<1x32xf32> to vector<1000x32xf32>
    %add3A_19 = arith.addf %dot_general3A_15, %add3A : vector<1000x32xf32>
    %swap3A_20 = arith.constant 0 : index
    %swap3A_21 = arith.constant 0 : index
    %swap3A_22 = vector.load %arg6[%swap3A_20, %swap3A_21] : memref<1000x32xf32, #tpu.memory_space<vmem>>, vector<1000x32xf32>
    tpu.vector_store %arg6[%swap3A_20, %swap3A_21], %add3A_19 {strides = array<i32>} : memref<1000x32xf32, #tpu.memory_space<vmem>>, vector<1000x32xf32>,
    return
  }
  func.func @transform_0(%arg0: i32) -> (i32, i32) {
    %c0_i32 = arith.constant 0 : i32
    %c0_i32_0 = arith.constant 0 : i32
    return %arg0, %c0_i32 : i32, i32
  }
  func.func @transform_1(%arg0: i32) -> (i32, i32) {
    %c0_i32 = arith.constant 0 : i32
    %c0_i32_0 = arith.constant 0 : i32
    %c0_i32_1 = arith.constant 0 : i32
    return %c0_i32, %c0_i32_0 : i32, i32
  }
  func.func @transform_2(%arg0: i32) -> (i32, i32) {
    %c0_i32 = arith.constant 0 : i32
    %c0_i32_0 = arith.constant 0 : i32
    %c0_i32_1 = arith.constant 0 : i32
    return %c0_i32, %c0_i32_0 : i32, i32
  }
  func.func @transform_3(%arg0: i32) -> (i32, i32) {
    %c0_i32 = arith.constant 0 : i32
    %c0_i32_0 = arith.constant 0 : i32
    %c0_i32_1 = arith.constant 0 : i32
    return %c0_i32, %c0_i32_0 : i32, i32
  }
  func.func @transform_4(%arg0: i32) -> (i32, i32) {
    %c0_i32 = arith.constant 0 : i32
    %c0_i32_0 = arith.constant 0 : i32
    return %arg0, %c0_i32 : i32, i32
  }
  func.func @transform_5(%arg0: i32) -> (i32, i32) {
    %c0_i32 = arith.constant 0 : i32
    %c0_i32_0 = arith.constant 0 : i32
    return %arg0, %c0_i32 : i32, i32
  }
}

module attributes {stable_mosaic.version = 14 : i64} {
  func.func @_inv_body(%arg0: i32, %arg1: memref<1000x80xf32, #tpu.memory_space<vmem>>, %arg2: memref<1000x80xf32, #tpu.memory_space<vmem>>, %arg3: memref<1000x160xf32, #tpu.memory_space<vmem>>) attributes {dimension_semantics = [#tpu.dimension_semantics<arbitrary>], iteration_bounds = array<i64: 10>, scalar_prefetch = 0 : i64, scratch_operands = 0 : i64, tpu.core_type = #tpu.core_type<tc>, window_params = [{transform_indices = @transform_0, window_bounds = array<i64: 1000, 80>}, {transform_indices = @transform_1, window_bounds = array<i64: 1000, 80>}, {transform_indices = @transform_2, window_bounds = array<i64: 1000, 160>}]} {
    %get3A = arith.constant 0 : index
    %get3A_0 = arith.constant 0 : index
    %get3A_1 = vector.load %arg1[%get3A, %get3A_0] : memref<1000x80xf32, #tpu.memory_space<vmem>>, vector<1000x80xf32>
    %get3A_2 = arith.constant 0 : index
    %get3A_3 = arith.constant 0 : index
    %get3A_4 = vector.load %arg2[%get3A_2, %get3A_3] : memref<1000x80xf32, #tpu.memory_space<vmem>>, vector<1000x80xf32>
    %add3A = arith.addf %get3A_1, %get3A_4 : vector<1000x80xf32>
    %slice3A = vector.extract_strided_slice %add3A {offsets = [0, 0], sizes = [1000, 1], strides = [1, 1]} : vector<1000x80xf32> to vector<1000x1xf32>
    %max3A = arith.constant 1.000000e+00 : f32
    %max3A_5 = vector.broadcast %max3A : f32 to vector<1000x1xf32>
    %max3A_6 = arith.maximumf %slice3A, %max3A_5 : vector<1000x1xf32>
    %div3A = arith.constant 1.000000e+00 : f32
    %div3A_7 = vector.broadcast %div3A : f32 to vector<1000x1xf32>
    %div3A_8 = arith.divf %div3A_7, %max3A_6 : vector<1000x1xf32>
    %broadcast_in_dim3A = vector.shape_cast %div3A_8 : vector<1000x1xf32> to vector<1000x1xf32>
    %broadcast_in_dim3A_9 = vector.broadcast %broadcast_in_dim3A : vector<1000x1xf32> to vector<1000x32xf32>
    %slice3A_10 = vector.extract_strided_slice %add3A {offsets = [0, 16], sizes = [1000, 1], strides = [1, 1]} : vector<1000x80xf32> to vector<1000x1xf32>
    %max3A_11 = arith.constant 1.000000e+00 : f32
    %max3A_12 = vector.broadcast %max3A_11 : f32 to vector<1000x1xf32>
    %max3A_13 = arith.maximumf %slice3A_10, %max3A_12 : vector<1000x1xf32>
    %div3A_14 = arith.constant 1.000000e+00 : f32
    %div3A_15 = vector.broadcast %div3A_14 : f32 to vector<1000x1xf32>
    %div3A_16 = arith.divf %div3A_15, %max3A_13 : vector<1000x1xf32>
    %broadcast_in_dim3A_17 = vector.shape_cast %div3A_16 : vector<1000x1xf32> to vector<1000x1xf32>
    %broadcast_in_dim3A_18 = vector.broadcast %broadcast_in_dim3A_17 : vector<1000x1xf32> to vector<1000x32xf32>
    %slice3A_19 = vector.extract_strided_slice %add3A {offsets = [0, 32], sizes = [1000, 1], strides = [1, 1]} : vector<1000x80xf32> to vector<1000x1xf32>
    %max3A_20 = arith.constant 1.000000e+00 : f32
    %max3A_21 = vector.broadcast %max3A_20 : f32 to vector<1000x1xf32>
    %max3A_22 = arith.maximumf %slice3A_19, %max3A_21 : vector<1000x1xf32>
    %div3A_23 = arith.constant 1.000000e+00 : f32
    %div3A_24 = vector.broadcast %div3A_23 : f32 to vector<1000x1xf32>
    %div3A_25 = arith.divf %div3A_24, %max3A_22 : vector<1000x1xf32>
    %broadcast_in_dim3A_26 = vector.shape_cast %div3A_25 : vector<1000x1xf32> to vector<1000x1xf32>
    %broadcast_in_dim3A_27 = vector.broadcast %broadcast_in_dim3A_26 : vector<1000x1xf32> to vector<1000x32xf32>
    %slice3A_28 = vector.extract_strided_slice %add3A {offsets = [0, 48], sizes = [1000, 1], strides = [1, 1]} : vector<1000x80xf32> to vector<1000x1xf32>
    %max3A_29 = arith.constant 1.000000e+00 : f32
    %max3A_30 = vector.broadcast %max3A_29 : f32 to vector<1000x1xf32>
    %max3A_31 = arith.maximumf %slice3A_28, %max3A_30 : vector<1000x1xf32>
    %div3A_32 = arith.constant 1.000000e+00 : f32
    %div3A_33 = vector.broadcast %div3A_32 : f32 to vector<1000x1xf32>
    %div3A_34 = arith.divf %div3A_33, %max3A_31 : vector<1000x1xf32>
    %broadcast_in_dim3A_35 = vector.shape_cast %div3A_34 : vector<1000x1xf32> to vector<1000x1xf32>
    %broadcast_in_dim3A_36 = vector.broadcast %broadcast_in_dim3A_35 : vector<1000x1xf32> to vector<1000x32xf32>
    %slice3A_37 = vector.extract_strided_slice %add3A {offsets = [0, 64], sizes = [1000, 1], strides = [1, 1]} : vector<1000x80xf32> to vector<1000x1xf32>
    %max3A_38 = arith.constant 1.000000e+00 : f32
    %max3A_39 = vector.broadcast %max3A_38 : f32 to vector<1000x1xf32>
    %max3A_40 = arith.maximumf %slice3A_37, %max3A_39 : vector<1000x1xf32>
    %div3A_41 = arith.constant 1.000000e+00 : f32
    %div3A_42 = vector.broadcast %div3A_41 : f32 to vector<1000x1xf32>
    %div3A_43 = arith.divf %div3A_42, %max3A_40 : vector<1000x1xf32>
    %broadcast_in_dim3A_44 = vector.shape_cast %div3A_43 : vector<1000x1xf32> to vector<1000x1xf32>
    %broadcast_in_dim3A_45 = vector.broadcast %broadcast_in_dim3A_44 : vector<1000x1xf32> to vector<1000x32xf32>
    %concatenate3A = tpu.concatenate %broadcast_in_dim3A_9, %broadcast_in_dim3A_18, %broadcast_in_dim3A_27, %broadcast_in_dim3A_36, %broadcast_in_dim3A_45 in 1 : vector<1000x32xf32>, vector<1000x32xf32>, vector<1000x32xf32>, vector<1000x32xf32>, vector<1000x32xf32> -> vector<1000x160xf32>
    %swap3A = arith.constant 0 : index
    %swap3A_46 = arith.constant 0 : index
    %swap3A_47 = vector.load %arg3[%swap3A, %swap3A_46] : memref<1000x160xf32, #tpu.memory_space<vmem>>, vector<1000x160xf32>
    tpu.vector_store %arg3[%swap3A, %swap3A_46], %concatenate3A {strides = array<i32>} : memref<1000x160xf32, #tpu.memory_space<vmem>>, vector<1000x160xf32>,
    return
  }
  func.func @transform_0(%arg0: i32) -> (i32, i32) {
    %c0_i32 = arith.constant 0 : i32
    %c0_i32_0 = arith.constant 0 : i32
    return %arg0, %c0_i32 : i32, i32
  }
  func.func @transform_1(%arg0: i32) -> (i32, i32) {
    %c0_i32 = arith.constant 0 : i32
    %c0_i32_0 = arith.constant 0 : i32
    return %arg0, %c0_i32 : i32, i32
  }
  func.func @transform_2(%arg0: i32) -> (i32, i32) {
    %c0_i32 = arith.constant 0 : i32
    %c0_i32_0 = arith.constant 0 : i32
    return %arg0, %c0_i32 : i32, i32
  }
}

module attributes {stable_mosaic.version = 14 : i64} {
  func.func @_combine_body(%arg0: i32, %arg1: memref<1000x160xf32, #tpu.memory_space<vmem>>, %arg2: memref<1000x160xf32, #tpu.memory_space<vmem>>, %arg3: memref<1000x160xf32, #tpu.memory_space<vmem>>, %arg4: memref<1000x32xf32, #tpu.memory_space<vmem>>, %arg5: memref<32x160xf32, #tpu.memory_space<vmem>>, %arg6: memref<32x32xf32, #tpu.memory_space<vmem>>, %arg7: memref<1x32xf32, #tpu.memory_space<vmem>>, %arg8: memref<1000x32xf32, #tpu.memory_space<vmem>>, %arg9: memref<1000x160xf32, #tpu.memory_space<vmem>>, %arg10: memref<1000x32xf32, #tpu.memory_space<vmem>>) attributes {dimension_semantics = [#tpu.dimension_semantics<arbitrary>], iteration_bounds = array<i64: 10>, scalar_prefetch = 0 : i64, scratch_operands = 0 : i64, tpu.core_type = #tpu.core_type<tc>, window_params = [{transform_indices = @transform_0, window_bounds = array<i64: 1000, 160>}, {transform_indices = @transform_1, window_bounds = array<i64: 1000, 160>}, {transform_indices = @transform_2, window_bounds = array<i64: 1000, 160>}, {transform_indices = @transform_3, window_bounds = array<i64: 1000, 32>}, {pipeline_mode = #tpu.pipeline_mode<synchronous>, transform_indices = @transform_4, window_bounds = array<i64: 32, 160>}, {pipeline_mode = #tpu.pipeline_mode<synchronous>, transform_indices = @transform_5, window_bounds = array<i64: 32, 32>}, {pipeline_mode = #tpu.pipeline_mode<synchronous>, transform_indices = @transform_6, window_bounds = array<i64: 1, 32>}, {transform_indices = @transform_7, window_bounds = array<i64: 1000, 32>}, {transform_indices = @transform_8, window_bounds = array<i64: 1000, 160>}, {transform_indices = @transform_9, window_bounds = array<i64: 1000, 32>}]} {
    %get3A = arith.constant 0 : index
    %get3A_0 = arith.constant 0 : index
    %get3A_1 = vector.load %arg1[%get3A, %get3A_0] : memref<1000x160xf32, #tpu.memory_space<vmem>>, vector<1000x160xf32>
    %get3A_2 = arith.constant 0 : index
    %get3A_3 = arith.constant 0 : index
    %get3A_4 = vector.load %arg2[%get3A_2, %get3A_3] : memref<1000x160xf32, #tpu.memory_space<vmem>>, vector<1000x160xf32>
    %add3A = arith.addf %get3A_1, %get3A_4 : vector<1000x160xf32>
    %get3A_5 = arith.constant 0 : index
    %get3A_6 = arith.constant 0 : index
    %get3A_7 = vector.load %arg3[%get3A_5, %get3A_6] : memref<1000x160xf32, #tpu.memory_space<vmem>>, vector<1000x160xf32>
    %mul3A = arith.mulf %add3A, %get3A_7 : vector<1000x160xf32>
    %get3A_8 = arith.constant 0 : index
    %get3A_9 = arith.constant 0 : index
    %get3A_10 = vector.load %arg4[%get3A_8, %get3A_9] : memref<1000x32xf32, #tpu.memory_space<vmem>>, vector<1000x32xf32>
    %slice3A = vector.extract_strided_slice %mul3A {offsets = [0, 0], sizes = [1000, 32], strides = [1, 1]} : vector<1000x160xf32> to vector<1000x32xf32>
    %add3A_11 = arith.addf %get3A_10, %slice3A : vector<1000x32xf32>
    %slice3A_12 = vector.extract_strided_slice %mul3A {offsets = [0, 32], sizes = [1000, 32], strides = [1, 1]} : vector<1000x160xf32> to vector<1000x32xf32>
    %add3A_13 = arith.addf %add3A_11, %slice3A_12 : vector<1000x32xf32>
    %slice3A_14 = vector.extract_strided_slice %mul3A {offsets = [0, 64], sizes = [1000, 32], strides = [1, 1]} : vector<1000x160xf32> to vector<1000x32xf32>
    %add3A_15 = arith.addf %add3A_13, %slice3A_14 : vector<1000x32xf32>
    %slice3A_16 = vector.extract_strided_slice %mul3A {offsets = [0, 96], sizes = [1000, 32], strides = [1, 1]} : vector<1000x160xf32> to vector<1000x32xf32>
    %add3A_17 = arith.addf %add3A_15, %slice3A_16 : vector<1000x32xf32>
    %slice3A_18 = vector.extract_strided_slice %mul3A {offsets = [0, 128], sizes = [1000, 32], strides = [1, 1]} : vector<1000x160xf32> to vector<1000x32xf32>
    %add3A_19 = arith.addf %add3A_17, %slice3A_18 : vector<1000x32xf32>
    %tanh3A = math.tanh %add3A_19 : vector<1000x32xf32>
    %swap3A = arith.constant 0 : index
    %swap3A_20 = arith.constant 0 : index
    %swap3A_21 = vector.load %arg8[%swap3A, %swap3A_20] : memref<1000x32xf32, #tpu.memory_space<vmem>>, vector<1000x32xf32>
    tpu.vector_store %arg8[%swap3A, %swap3A_20], %tanh3A {strides = array<i32>} : memref<1000x32xf32, #tpu.memory_space<vmem>>, vector<1000x32xf32>,
    %convert_element_type3A = arith.truncf %tanh3A : vector<1000x32xf32> to vector<1000x32xbf16>
    %convert_element_type3A_22 = arith.extf %convert_element_type3A : vector<1000x32xbf16> to vector<1000x32xf32>
    %get3A_23 = arith.constant 0 : index
    %get3A_24 = arith.constant 0 : index
    %get3A_25 = vector.load %arg5[%get3A_23, %get3A_24] : memref<32x160xf32, #tpu.memory_space<vmem>>, vector<32x160xf32>
    %dot_general3A = arith.constant dense<0.000000e+00> : vector<1000x160xf32>
    %dot_general3A_26 = tpu.matmul %convert_element_type3A_22, %get3A_25, %dot_general3A {dimension_numbers = #tpu.dot_dimension_numbers<[1], [0], [0], [1], [0, 0, 1, 1], [], []>, precision = #tpu.contract_precision<fp32>, transpose_lhs_hint = false} : vector<1000x32xf32>, vector<32x160xf32>, vector<1000x160xf32> -> vector<1000x160xf32>
    %swap3A_27 = arith.constant 0 : index
    %swap3A_28 = arith.constant 0 : index
    %swap3A_29 = vector.load %arg9[%swap3A_27, %swap3A_28] : memref<1000x160xf32, #tpu.memory_space<vmem>>, vector<1000x160xf32>
    tpu.vector_store %arg9[%swap3A_27, %swap3A_28], %dot_general3A_26 {strides = array<i32>} : memref<1000x160xf32, #tpu.memory_space<vmem>>, vector<1000x160xf32>,
    %get3A_30 = arith.constant 0 : index
    %get3A_31 = arith.constant 0 : index
    %get3A_32 = vector.load %arg6[%get3A_30, %get3A_31] : memref<32x32xf32, #tpu.memory_space<vmem>>, vector<32x32xf32>
    %convert_element_type3A_33 = arith.truncf %get3A_32 : vector<32x32xf32> to vector<32x32xbf16>
    %convert_element_type3A_34 = arith.extf %convert_element_type3A_33 : vector<32x32xbf16> to vector<32x32xf32>
    %dot_general3A_35 = arith.constant dense<0.000000e+00> : vector<1000x32xf32>
    %dot_general3A_36 = tpu.matmul %convert_element_type3A_22, %convert_element_type3A_34, %dot_general3A_35 {dimension_numbers = #tpu.dot_dimension_numbers<[1], [0], [0], [1], [0, 0, 1, 1], [], []>, precision = #tpu.contract_precision<fp32>, transpose_lhs_hint = false} : vector<1000x32xf32>, vector<32x32xf32>, vector<1000x32xf32> -> vector<1000x32xf32>
    %get3A_37 = arith.constant 0 : index
    %get3A_38 = arith.constant 0 : index
    %get3A_39 = vector.load %arg7[%get3A_37, %get3A_38] : memref<1x32xf32, #tpu.memory_space<vmem>>, vector<1x32xf32>
    %add3A_40 = vector.broadcast %get3A_39 : vector<1x32xf32> to vector<1000x32xf32>
    %add3A_41 = arith.addf %dot_general3A_36, %add3A_40 : vector<1000x32xf32>
    %swap3A_42 = arith.constant 0 : index
    %swap3A_43 = arith.constant 0 : index
    %swap3A_44 = vector.load %arg10[%swap3A_42, %swap3A_43] : memref<1000x32xf32, #tpu.memory_space<vmem>>, vector<1000x32xf32>
    tpu.vector_store %arg10[%swap3A_42, %swap3A_43], %add3A_41 {strides = array<i32>} : memref<1000x32xf32, #tpu.memory_space<vmem>>, vector<1000x32xf32>,
    return
  }
  func.func @transform_0(%arg0: i32) -> (i32, i32) {
    %c0_i32 = arith.constant 0 : i32
    %c0_i32_0 = arith.constant 0 : i32
    return %arg0, %c0_i32 : i32, i32
  }
  func.func @transform_1(%arg0: i32) -> (i32, i32) {
    %c0_i32 = arith.constant 0 : i32
    %c0_i32_0 = arith.constant 0 : i32
    return %arg0, %c0_i32 : i32, i32
  }
  func.func @transform_2(%arg0: i32) -> (i32, i32) {
    %c0_i32 = arith.constant 0 : i32
    %c0_i32_0 = arith.constant 0 : i32
    return %arg0, %c0_i32 : i32, i32
  }
  func.func @transform_3(%arg0: i32) -> (i32, i32) {
    %c0_i32 = arith.constant 0 : i32
    %c0_i32_0 = arith.constant 0 : i32
    return %arg0, %c0_i32 : i32, i32
  }
  func.func @transform_4(%arg0: i32) -> (i32, i32) {
    %c0_i32 = arith.constant 0 : i32
    %c0_i32_0 = arith.constant 0 : i32
    %c0_i32_1 = arith.constant 0 : i32
    return %c0_i32, %c0_i32_0 : i32, i32
  }
  func.func @transform_5(%arg0: i32) -> (i32, i32) {
    %c0_i32 = arith.constant 0 : i32
    %c0_i32_0 = arith.constant 0 : i32
    %c0_i32_1 = arith.constant 0 : i32
    return %c0_i32, %c0_i32_0 : i32, i32
  }
  func.func @transform_6(%arg0: i32) -> (i32, i32) {
    %c0_i32 = arith.constant 0 : i32
    %c0_i32_0 = arith.constant 0 : i32
    %c0_i32_1 = arith.constant 0 : i32
    return %c0_i32, %c0_i32_0 : i32, i32
  }
  func.func @transform_7(%arg0: i32) -> (i32, i32) {
    %c0_i32 = arith.constant 0 : i32
    %c0_i32_0 = arith.constant 0 : i32
    return %arg0, %c0_i32 : i32, i32
  }
  func.func @transform_8(%arg0: i32) -> (i32, i32) {
    %c0_i32 = arith.constant 0 : i32
    %c0_i32_0 = arith.constant 0 : i32
    return %arg0, %c0_i32 : i32, i32
  }
  func.func @transform_9(%arg0: i32) -> (i32, i32) {
    %c0_i32 = arith.constant 0 : i32
    %c0_i32_0 = arith.constant 0 : i32
    return %arg0, %c0_i32 : i32, i32
  }
}

module attributes {stable_mosaic.version = 14 : i64} {
  func.func @_norm_body(%arg0: i32, %arg1: memref<1000x160xf32, #tpu.memory_space<vmem>>, %arg2: memref<1000x160xf32, #tpu.memory_space<vmem>>, %arg3: memref<1000x160xf32, #tpu.memory_space<vmem>>, %arg4: memref<1000x32xf32, #tpu.memory_space<vmem>>, %arg5: memref<1000x32xf32, #tpu.memory_space<vmem>>) attributes {dimension_semantics = [#tpu.dimension_semantics<arbitrary>], iteration_bounds = array<i64: 10>, scalar_prefetch = 0 : i64, scratch_operands = 0 : i64, tpu.core_type = #tpu.core_type<tc>, window_params = [{transform_indices = @transform_0, window_bounds = array<i64: 1000, 160>}, {transform_indices = @transform_1, window_bounds = array<i64: 1000, 160>}, {transform_indices = @transform_2, window_bounds = array<i64: 1000, 160>}, {transform_indices = @transform_3, window_bounds = array<i64: 1000, 32>}, {transform_indices = @transform_4, window_bounds = array<i64: 1000, 32>}]} {
    %get3A = arith.constant 0 : index
    %get3A_0 = arith.constant 0 : index
    %get3A_1 = vector.load %arg1[%get3A, %get3A_0] : memref<1000x160xf32, #tpu.memory_space<vmem>>, vector<1000x160xf32>
    %get3A_2 = arith.constant 0 : index
    %get3A_3 = arith.constant 0 : index
    %get3A_4 = vector.load %arg2[%get3A_2, %get3A_3] : memref<1000x160xf32, #tpu.memory_space<vmem>>, vector<1000x160xf32>
    %add3A = arith.addf %get3A_1, %get3A_4 : vector<1000x160xf32>
    %get3A_5 = arith.constant 0 : index
    %get3A_6 = arith.constant 0 : index
    %get3A_7 = vector.load %arg3[%get3A_5, %get3A_6] : memref<1000x160xf32, #tpu.memory_space<vmem>>, vector<1000x160xf32>
    %mul3A = arith.mulf %add3A, %get3A_7 : vector<1000x160xf32>
    %get3A_8 = arith.constant 0 : index
    %get3A_9 = arith.constant 0 : index
    %get3A_10 = vector.load %arg4[%get3A_8, %get3A_9] : memref<1000x32xf32, #tpu.memory_space<vmem>>, vector<1000x32xf32>
    %slice3A = vector.extract_strided_slice %mul3A {offsets = [0, 0], sizes = [1000, 32], strides = [1, 1]} : vector<1000x160xf32> to vector<1000x32xf32>
    %add3A_11 = arith.addf %get3A_10, %slice3A : vector<1000x32xf32>
    %slice3A_12 = vector.extract_strided_slice %mul3A {offsets = [0, 32], sizes = [1000, 32], strides = [1, 1]} : vector<1000x160xf32> to vector<1000x32xf32>
    %add3A_13 = arith.addf %add3A_11, %slice3A_12 : vector<1000x32xf32>
    %slice3A_14 = vector.extract_strided_slice %mul3A {offsets = [0, 64], sizes = [1000, 32], strides = [1, 1]} : vector<1000x160xf32> to vector<1000x32xf32>
    %add3A_15 = arith.addf %add3A_13, %slice3A_14 : vector<1000x32xf32>
    %slice3A_16 = vector.extract_strided_slice %mul3A {offsets = [0, 96], sizes = [1000, 32], strides = [1, 1]} : vector<1000x160xf32> to vector<1000x32xf32>
    %add3A_17 = arith.addf %add3A_15, %slice3A_16 : vector<1000x32xf32>
    %slice3A_18 = vector.extract_strided_slice %mul3A {offsets = [0, 128], sizes = [1000, 32], strides = [1, 1]} : vector<1000x160xf32> to vector<1000x32xf32>
    %add3A_19 = arith.addf %add3A_17, %slice3A_18 : vector<1000x32xf32>
    %tanh3A = math.tanh %add3A_19 : vector<1000x32xf32>
    %swap3A = arith.constant 0 : index
    %swap3A_20 = arith.constant 0 : index
    %swap3A_21 = vector.load %arg5[%swap3A, %swap3A_20] : memref<1000x32xf32, #tpu.memory_space<vmem>>, vector<1000x32xf32>
    tpu.vector_store %arg5[%swap3A, %swap3A_20], %tanh3A {strides = array<i32>} : memref<1000x32xf32, #tpu.memory_space<vmem>>, vector<1000x32xf32>,
    return
  }
  func.func @transform_0(%arg0: i32) -> (i32, i32) {
    %c0_i32 = arith.constant 0 : i32
    %c0_i32_0 = arith.constant 0 : i32
    return %arg0, %c0_i32 : i32, i32
  }
  func.func @transform_1(%arg0: i32) -> (i32, i32) {
    %c0_i32 = arith.constant 0 : i32
    %c0_i32_0 = arith.constant 0 : i32
    return %arg0, %c0_i32 : i32, i32
  }
  func.func @transform_2(%arg0: i32) -> (i32, i32) {
    %c0_i32 = arith.constant 0 : i32
    %c0_i32_0 = arith.constant 0 : i32
    return %arg0, %c0_i32 : i32, i32
  }
  func.func @transform_3(%arg0: i32) -> (i32, i32) {
    %c0_i32 = arith.constant 0 : i32
    %c0_i32_0 = arith.constant 0 : i32
    return %arg0, %c0_i32 : i32, i32
  }
  func.func @transform_4(%arg0: i32) -> (i32, i32) {
    %c0_i32 = arith.constant 0 : i32
    %c0_i32_0 = arith.constant 0 : i32
    return %arg0, %c0_i32 : i32, i32
  }
}

module attributes {stable_mosaic.version = 14 : i64} {
  func.func @_final_body(%arg0: i32, %arg1: memref<1000x32xf32, #tpu.memory_space<vmem>>, %arg2: memref<1000x32xf32, #tpu.memory_space<vmem>>, %arg3: memref<1000x32xf32, #tpu.memory_space<vmem>>, %arg4: memref<1000x32xf32, #tpu.memory_space<vmem>>, %arg5: memref<128x128xf32, #tpu.memory_space<vmem>>, %arg6: memref<1x128xf32, #tpu.memory_space<vmem>>, %arg7: memref<1x128xf32, #tpu.memory_space<vmem>>, %arg8: memref<1x1xf32, #tpu.memory_space<vmem>>, %arg9: memref<1000x1xf32, #tpu.memory_space<vmem>>) attributes {dimension_semantics = [#tpu.dimension_semantics<arbitrary>], iteration_bounds = array<i64: 5>, scalar_prefetch = 0 : i64, scratch_operands = 0 : i64, tpu.core_type = #tpu.core_type<tc>, window_params = [{transform_indices = @transform_0, window_bounds = array<i64: 1000, 32>}, {transform_indices = @transform_1, window_bounds = array<i64: 1000, 32>}, {transform_indices = @transform_2, window_bounds = array<i64: 1000, 32>}, {transform_indices = @transform_3, window_bounds = array<i64: 1000, 32>}, {pipeline_mode = #tpu.pipeline_mode<synchronous>, transform_indices = @transform_4, window_bounds = array<i64: 128, 128>}, {pipeline_mode = #tpu.pipeline_mode<synchronous>, transform_indices = @transform_5, window_bounds = array<i64: 1, 128>}, {pipeline_mode = #tpu.pipeline_mode<synchronous>, transform_indices = @transform_6, window_bounds = array<i64: 1, 128>}, {pipeline_mode = #tpu.pipeline_mode<synchronous>, transform_indices = @transform_7, window_bounds = array<i64: 1, 1>}, {transform_indices = @transform_8, window_bounds = array<i64: 1000, 1>}]} {
    %get3A = arith.constant 0 : index
    %get3A_0 = arith.constant 0 : index
    %get3A_1 = vector.load %arg1[%get3A, %get3A_0] : memref<1000x32xf32, #tpu.memory_space<vmem>>, vector<1000x32xf32>
    %get3A_2 = arith.constant 0 : index
    %get3A_3 = arith.constant 0 : index
    %get3A_4 = vector.load %arg2[%get3A_2, %get3A_3] : memref<1000x32xf32, #tpu.memory_space<vmem>>, vector<1000x32xf32>
    %get3A_5 = arith.constant 0 : index
    %get3A_6 = arith.constant 0 : index
    %get3A_7 = vector.load %arg3[%get3A_5, %get3A_6] : memref<1000x32xf32, #tpu.memory_space<vmem>>, vector<1000x32xf32>
    %get3A_8 = arith.constant 0 : index
    %get3A_9 = arith.constant 0 : index
    %get3A_10 = vector.load %arg4[%get3A_8, %get3A_9] : memref<1000x32xf32, #tpu.memory_space<vmem>>, vector<1000x32xf32>
    %concatenate3A = tpu.concatenate %get3A_1, %get3A_4, %get3A_7, %get3A_10 in 1 : vector<1000x32xf32>, vector<1000x32xf32>, vector<1000x32xf32>, vector<1000x32xf32> -> vector<1000x128xf32>
    %convert_element_type3A = arith.truncf %concatenate3A : vector<1000x128xf32> to vector<1000x128xbf16>
    %convert_element_type3A_11 = arith.extf %convert_element_type3A : vector<1000x128xbf16> to vector<1000x128xf32>
    %get3A_12 = arith.constant 0 : index
    %get3A_13 = arith.constant 0 : index
    %get3A_14 = vector.load %arg5[%get3A_12, %get3A_13] : memref<128x128xf32, #tpu.memory_space<vmem>>, vector<128x128xf32>
    %dot_general3A = arith.constant dense<0.000000e+00> : vector<1000x128xf32>
    %dot_general3A_15 = tpu.matmul %convert_element_type3A_11, %get3A_14, %dot_general3A {dimension_numbers = #tpu.dot_dimension_numbers<[1], [0], [0], [1], [0, 0, 1, 1], [], []>, precision = #tpu.contract_precision<fp32>, transpose_lhs_hint = false} : vector<1000x128xf32>, vector<128x128xf32>, vector<1000x128xf32> -> vector<1000x128xf32>
    %get3A_16 = arith.constant 0 : index
    %get3A_17 = arith.constant 0 : index
    %get3A_18 = vector.load %arg6[%get3A_16, %get3A_17] : memref<1x128xf32, #tpu.memory_space<vmem>>, vector<1x128xf32>
    %add3A = vector.broadcast %get3A_18 : vector<1x128xf32> to vector<1000x128xf32>
    %add3A_19 = arith.addf %dot_general3A_15, %add3A : vector<1000x128xf32>
    %max3A = arith.constant 0.000000e+00 : f32
    %max3A_20 = vector.broadcast %max3A : f32 to vector<1000x128xf32>
    %max3A_21 = arith.maximumf %add3A_19, %max3A_20 : vector<1000x128xf32>
    %convert_element_type3A_22 = arith.truncf %max3A_21 : vector<1000x128xf32> to vector<1000x128xbf16>
    %convert_element_type3A_23 = arith.extf %convert_element_type3A_22 : vector<1000x128xbf16> to vector<1000x128xf32>
    %get3A_24 = arith.constant 0 : index
    %get3A_25 = arith.constant 0 : index
    %get3A_26 = vector.load %arg7[%get3A_24, %get3A_25] : memref<1x128xf32, #tpu.memory_space<vmem>>, vector<1x128xf32>
    %convert_element_type3A_27 = arith.truncf %get3A_26 : vector<1x128xf32> to vector<1x128xbf16>
    %convert_element_type3A_28 = arith.extf %convert_element_type3A_27 : vector<1x128xbf16> to vector<1x128xf32>
    %mul3A = vector.broadcast %convert_element_type3A_28 : vector<1x128xf32> to vector<1000x128xf32>
    %mul3A_29 = arith.mulf %convert_element_type3A_23, %mul3A : vector<1000x128xf32>
    %reduce_sum3A = arith.constant dense<0.000000e+00> : vector<1000xf32>
    %reduce_sum3A_30 = vector.multi_reduction <add>, %mul3A_29, %reduce_sum3A [1] : vector<1000x128xf32> to vector<1000xf32>
    %broadcast_in_dim3A = vector.shape_cast %reduce_sum3A_30 : vector<1000xf32> to vector<1000x1xf32>
    %get3A_31 = arith.constant 0 : index
    %get3A_32 = arith.constant 0 : index
    %get3A_33 = vector.load %arg8[%get3A_31, %get3A_32] : memref<1x1xf32, #tpu.memory_space<vmem>>, vector<1x1xf32>
    %add3A_34 = vector.broadcast %get3A_33 : vector<1x1xf32> to vector<1000x1xf32>
    %add3A_35 = arith.addf %broadcast_in_dim3A, %add3A_34 : vector<1000x1xf32>
    %swap3A = arith.constant 0 : index
    %swap3A_36 = arith.constant 0 : index
    %swap3A_37 = vector.load %arg9[%swap3A, %swap3A_36] : memref<1000x1xf32, #tpu.memory_space<vmem>>, vector<1000x1xf32>
    tpu.vector_store %arg9[%swap3A, %swap3A_36], %add3A_35 {strides = array<i32>} : memref<1000x1xf32, #tpu.memory_space<vmem>>, vector<1000x1xf32>,
    return
  }
  func.func @transform_0(%arg0: i32) -> (i32, i32) {
    %c0_i32 = arith.constant 0 : i32
    %c0_i32_0 = arith.constant 0 : i32
    return %arg0, %c0_i32 : i32, i32
  }
  func.func @transform_1(%arg0: i32) -> (i32, i32) {
    %c0_i32 = arith.constant 0 : i32
    %c0_i32_0 = arith.constant 0 : i32
    return %arg0, %c0_i32 : i32, i32
  }
  func.func @transform_2(%arg0: i32) -> (i32, i32) {
    %c0_i32 = arith.constant 0 : i32
    %c0_i32_0 = arith.constant 0 : i32
    return %arg0, %c0_i32 : i32, i32
  }
  func.func @transform_3(%arg0: i32) -> (i32, i32) {
    %c0_i32 = arith.constant 0 : i32
    %c0_i32_0 = arith.constant 0 : i32
    return %arg0, %c0_i32 : i32, i32
  }
  func.func @transform_4(%arg0: i32) -> (i32, i32) {
    %c0_i32 = arith.constant 0 : i32
    %c0_i32_0 = arith.constant 0 : i32
    %c0_i32_1 = arith.constant 0 : i32
    return %c0_i32, %c0_i32_0 : i32, i32
  }
  func.func @transform_5(%arg0: i32) -> (i32, i32) {
    %c0_i32 = arith.constant 0 : i32
    %c0_i32_0 = arith.constant 0 : i32
    %c0_i32_1 = arith.constant 0 : i32
    return %c0_i32, %c0_i32_0 : i32, i32
  }
  func.func @transform_6(%arg0: i32) -> (i32, i32) {
    %c0_i32 = arith.constant 0 : i32
    %c0_i32_0 = arith.constant 0 : i32
    %c0_i32_1 = arith.constant 0 : i32
    return %c0_i32, %c0_i32_0 : i32, i32
  }
  func.func @transform_7(%arg0: i32) -> (i32, i32) {
    %c0_i32 = arith.constant 0 : i32
    %c0_i32_0 = arith.constant 0 : i32
    %c0_i32_1 = arith.constant 0 : i32
    return %c0_i32, %c0_i32_0 : i32, i32
  }
  func.func @transform_8(%arg0: i32) -> (i32, i32) {
    %c0_i32 = arith.constant 0 : i32
    %c0_i32_0 = arith.constant 0 : i32
    return %arg0, %c0_i32 : i32, i32
  }
}

</mosaic_0001>

<sc_bundles>
// kernel: kernel.15.cloned.1.call-start
scs
__scs_entry_jumppad:
0x0: {  	(pc) =	sbr.rel $0x88, $3  }
0x1: {  	(tag) =	ssettag $0x0;
	lr =	simm.s32 $0x1  }
0x2: {  	[smem:$0x3F8A] =	sst lr;
	_ =	strace $0xD0000000  }
0x3: {  	_ = 	snop  }
0x4: {  	_ = 	snop  }
0x5: {  	_ = 	snop  }
0x6: {  	_ = 	snop  }
0x7: {  	_ = 	snop  }
__scs_overlays_trampoline_lowered:
0x8: {  	[smem:$0x3F99] =	sst s0  }
0x9: {  	[smem:$0x3F9A] =	sst s1  }
0xa: {  	[smem:$0x3F9B] =	sst s2  }
0xb: {  	[smem:$0x3F9C] =	sst s3  }
0xc: {  	[smem:$0x3F9D] =	sst s4  }
0xd: {  	[smem:$0x3F9E] =	sst s5  }
0xe: {  	[smem:$0x3F9F] =	sst s6  }
0xf: {  	[smem:$0x3FA0] =	sst s7  }
0x10: {  	[smem:$0x3FA1] =	sst s8  }
0x11: {  	[smem:$0x3FA2] =	sst s9;
	s0 =	simm.s32 @!p0 $0x0  }
0x12: {  	s1 =	sld [smem:$0x3F88];
	s0 =	simm.s32 @p0 $0x1  }
0x13: {  	[smem:$0x3FA3] =	sst s0;
	s0 =	simm.s32 @!p1 $0x0  }
0x14: {  	s2 =	sld [smem:$0x3F87];
	s0 =	simm.s32 @p1 $0x1  }
0x15: {  	[smem:$0x3FA4] =	sst s0;
	s0 =	simm.s32 @!p2 $0x0  }
0x16: {  	s3 =	sld [smem:$0x3FDB];
	s0 =	simm.s32 @p2 $0x1  }
0x17: {  	s4 =	simm.s32 $0x1BF5;
	[smem:$0x3FA6] =	sst s0  }
0x18: {  	s0 =	sld [smem:$0x3F89];
	_ =	swait.ge [sflag:s4], $0x0  }
0x19: {  	s7 =	sld [smem:$0x3F8A]  }
0x1a: {  	s8 =	sadd.s32 $0xFFFFE003, lr  }
0x1b: {  	s9 =	sadd.s32 $0xFFFFFEF7, lr;
	s5 =	simm.s32 $0xFFFFFFFF;
	p2 =	slt.u32 s8, $0xFFFFF086  }
0x1c: {  	p1 =	slt.u32 s9, $0xF7A;
	s5 =	simm.s32 @!p2 $0x0  }
0x1d: {  	s5 =	simm.s32 @p1 $0x1;
	p0 =	seq.s32 s7, s2  }
0x1e: {  	s7 =	smul.u32 @!p0 $0xF7A, s2;
	p2 =	seq.s32 @!p0 s5, $0x0  }
0x1f: {  	s9 =	smul.u32 $0xF7A, s1;
	s8 =	simm.s32 @!p0 $0x1BF5;
	p2 =	por !p2, p0  }
0x20: {  	[sflag:s8] =	ssyncset.s32 @!p0 $0xFFFFF086;
	s6 =	sadd.s32 @!p0 s3, s7;
	s7 =	simm.s32 @!p0 $0x108  }
0x21: {  	s3 =	sadd.s32 s3, s9;
	s6 =	sadd.s32 @!p0 $0x88, s6;
	s7 =	simm.s32 @p2 $0x1082  }
0x22: {  	[simem:s7], [sflag:s8] =	dma.local @!p0 [hbm:s6], $0xF7A  }
0x23: {  	s9 =	sor.u32 $0xD0000000, s2;
	s6 =	simm.s32 $0x108;
	_ =	swait.ge @!p0 [sflag:s8], $0x0  }
0x24: {  	s3 =	sadd.s32 $0x88, s3;
	s6 =	simm.s32 @!p1 $0x1082;
	[sflag:s4] =	ssyncset.s32 $0xFFFFF086  }
0x25: {  	[simem:s6], [sflag:s4] =	dma.local [hbm:s3], $0xF7A  }
0x26: {  	[smem:$0x3F8A] =	sst s1;
	(tag) =	ssettag s2;
	_ =	strace s9  }
0x27: {  	s1 =	sld [smem:$0x3F9A]  }
0x28: {  	s2 =	sld [smem:$0x3F9B]  }
0x29: {  	s4 =	sld [smem:$0x3F9D]  }
0x2a: {  	p0 =	seq.s32 s5, $0x0;
	s5 =	sld [smem:$0x3F9E]  }
0x2b: {  	s6 =	sld [smem:$0x3F9F]  }
0x2c: {  	s7 =	sld [smem:$0x3FA0]  }
0x2d: {  	s3 =	simm.s32 $0x108;
	s8 =	sld [smem:$0x3FA1]  }
0x2e: {  	s3 =	simm.s32 @!p0 $0x1082;
	s9 =	sld [smem:$0x3FA2]  }
0x2f: {  	lr =	sadd.s32 s0, s3;
	s0 =	sld [smem:$0x3F99]  }
0x30: {  	s3 =	sld [smem:$0x3F9C]  }
0x31: {  	[smem:$0x3FA5] =	sst s10  }
0x32: {  	s10 =	sld [smem:$0x3FA3];
	_ =	sdelay $0x3  }
0x33: {  	p0 =	seq.s32 s10, $0x1;
	s10 =	sld [smem:$0x3FA5];
	_ =	sdelay $0x3  }
0x34: {  	[smem:$0x3FA5] =	sst s10  }
0x35: {  	s10 =	sld [smem:$0x3FA4];
	_ =	sdelay $0x3  }
0x36: {  	p1 =	seq.s32 s10, $0x1;
	s10 =	sld [smem:$0x3FA5];
	_ =	sdelay $0x3  }
0x37: {  	[smem:$0x3FA5] =	sst s10  }
0x38: {  	s10 =	sld [smem:$0x3FA6]  }
0x39: {  	_ = 	snop;
	(pc) =	sbr.ind lr, $3  }
0x3a: {  	_ = 	snop  }
0x3b: {  	_ = 	snop  }
0x3c: {  	p2 =	seq.s32 s10, $0x1;
	s10 =	sld [smem:$0x3FA5]  }
0x3d: {  	_ =	shalt  }
0x3e: {  	_ =	shalt  }
0x3f: {  	_ =	shalt  }
0x40: {  	_ =	shalt  }
0x41: {  	_ =	shalt  }
0x42: {  	_ =	shalt  }
0x43: {  	_ =	shalt  }
0x44: {  	_ =	shalt  }
0x45: {  	_ =	shalt  }
0x46: {  	_ =	shalt  }
0x47: {  	_ =	shalt  }
0x48: {  	_ =	shalt  }
0x49: {  	_ =	shalt  }
0x4a: {  	_ =	shalt  }
0x4b: {  	_ =	shalt  }
0x4c: {  	_ =	shalt  }
0x4d: {  	_ =	shalt  }
0x4e: {  	_ =	shalt  }
0x4f: {  	_ =	shalt  }
0x50: {  	_ =	shalt  }
0x51: {  	_ =	shalt  }
0x52: {  	_ =	shalt  }
0x53: {  	_ =	shalt  }
0x54: {  	_ =	shalt  }
0x55: {  	_ =	shalt  }
0x56: {  	_ =	shalt  }
0x57: {  	_ =	shalt  }
0x58: {  	_ =	shalt  }
0x59: {  	_ =	shalt  }
0x5a: {  	_ =	shalt  }
0x5b: {  	_ =	shalt  }
0x5c: {  	_ =	shalt  }
0x5d: {  	_ =	shalt  }
0x5e: {  	_ =	shalt  }
0x5f: {  	_ =	shalt  }
0x60: {  	_ =	shalt  }
0x61: {  	_ =	shalt  }
0x62: {  	_ =	shalt  }
0x63: {  	_ =	shalt  }
0x64: {  	_ =	shalt  }
0x65: {  	_ =	shalt  }
0x66: {  	_ =	shalt  }
0x67: {  	_ =	shalt  }
0x68: {  	_ =	shalt  }
0x69: {  	_ =	shalt  }
0x6a: {  	_ =	shalt  }
0x6b: {  	_ =	shalt  }
0x6c: {  	_ =	shalt  }
0x6d: {  	_ =	shalt  }
0x6e: {  	_ =	shalt  }
0x6f: {  	_ =	shalt  }
0x70: {  	_ =	shalt  }
0x71: {  	_ =	shalt  }
0x72: {  	_ =	shalt  }
0x73: {  	_ =	shalt  }
0x74: {  	_ =	shalt  }
0x75: {  	_ =	shalt  }
0x76: {  	_ =	shalt  }
0x77: {  	_ =	shalt  }
0x78: {  	_ =	shalt  }
0x79: {  	_ =	shalt  }
0x7a: {  	_ =	shalt  }
0x7b: {  	_ =	shalt  }
0x7c: {  	_ =	shalt  }
0x7d: {  	_ =	shalt  }
0x7e: {  	_ =	shalt  }
0x7f: {  	_ =	shalt  }
0x80: {  	_ =	shalt  }
0x81: {  	_ =	shalt  }
0x82: {  	_ =	shalt  }
0x83: {  	_ =	shalt  }
0x84: {  	_ =	shalt  }
0x85: {  	_ =	shalt  }
0x86: {  	_ =	shalt  }
0x87: {  	_ =	shalt  }
.Lfunc_end0:
.L_simem_size_0:
called_computation_lowered:
.L_overlay_start_0:
0x88: {  	s2 =	sld [smem:$0x3FD9]  }
0x89: {  	s3 =	sld [smem:$0x3FFE];
	_ =	sdelay $0x1  }
0x8a: {  	s1 =	srdreg.scid  }
0x8b: {  	s0 =	sand.u32 $0x1, s1  }
0x8c: {  	s17 =	sshll.u32 s0, $0xA;
	s2 =	sadd.s32 s3, s2  }
0x8d: {  	s2 =	sadd.s32 s2, s17  }
0x8e: {  	[smem:$0x3FB1] =	sst s2  }
0x8f: {  	_ = 	snop  }
0x90: {  	s2 =	sld [smem:$0x3FC7]  }
0x91: {  	s18 =	sld [smem:$0x3FD0];
	(tm) =	ssettm $0x1  }
0x92: {  	s4 =	sld [smem:$0x3FFB];
	_ =	sdelay $0x3  }
0x93: {  	_ =	strace s4  }
0x94: {  	s4 =	sld [smem:$0x3FFC];
	_ =	sdelay $0x3  }
0x95: {  	_ =	strace s4  }
0x96: {  	s4 =	sld [smem:$0x3FFD];
	_ =	sdelay $0x3  }
0x97: {  	_ =	strace s4  }
0x98: {  	_ =	strace $0x8FFFFFFF  }
0x99: {  	s19 =	sld [smem:$0x3FDB];
	_ =	sdelay $0x1  }
0x9a: {  	s5 =	simm.s32 $_scs_section_size  }
0x9b: {  	s6 =	simm.s32 $_size__tile_overlayer_lowered;
	s7 =	simm.s32 $_tile_overlayer_lowered  }
0x9c: {  	s22 =	simm.s32 $0x1BFF;
	s21 =	sshll.u32 s7, $0x1;
	s4 =	sadd.s32 s5, s19  }
0x9d: {  	s8 =	simm.s32 $0x0;
	s20 =	sshll.u32 s6, $0x1;
	s6 =	sadd.s32 s21, s4  }
0x9e: {  	[timem:s8], [sflag:s22] =	dma.local [hbm:s6], s20  }
0x9f: {  	_ =	swait.ge [sflag:s22], s20  }
0xa0: {  	s5 =	ssub.s32 $0x0, s20;
	[sflag:s22] =	ssyncset.done $0x0  }
0xa1: {  	[sflag:s22] =	ssyncadd.s32 s5;
	_ =	sdelay $0x1  }
0xa2: {  	s23 =	simm.s32 $0x1B8B  }
0xa3: {  	_ =	swait.ge [sflag:s23], $0x1  }
0xa4: {  	[sflag:s23] =	ssyncset.done $0x0  }
0xa5: {  	s25 =	simm.s32 $0x1B8E;
	s24 =	sld [smem:$0x3FFE];
	[sflag:s23] =	ssyncadd.s32 $0xFFFFFFFF  }
0xa6: {  	s26 =	simm.s32 $execute0_lowered;
	[smem:$0x3FD2] =	sst s25  }
0xa7: {  	s6 =	sshll.u32 s26, $0x1;
	_ =	strace $0x80000046;
	[dreg:$0x1] =	wrdreg $0xFFFFFFFF  }
0xa8: {  	s28 =	simm.s32 $_size_execute0_lowered;
	s4 =	sadd.s32 s4, s6;
	[dreg:$0x0] =	wrdreg $0x0  }
0xa9: {  	s6 =	sshll.u32 s28, $0x1;
	[dreg:$0x2] =	wrdreg s4  }
0xaa: {  	[dreg:$0x3] =	wrdreg s6  }
0xab: {  	[dreg:$0x4] =	wrdreg $0xC0  }
0xac: {  	_ =	task [dreg:s8], $0x5FFFF  }
0xad: {  	[dreg:$0x1] =	wrdreg $0xFFFFFFFF  }
0xae: {  	[dreg:$0x0] =	wrdreg $0x60  }
0xaf: {  	[dreg:$0x2] =	wrdreg s24  }
0xb0: {  	[dreg:$0x3] =	wrdreg s2  }
0xb1: {  	[dreg:$0x4] =	wrdreg s18  }
0xb2: {  	[dreg:$0x5] =	wrdreg $0xC8500  }
0xb3: {  	[dreg:$0x6] =	wrdreg $0x9  }
0xb4: {  	_ =	task.clear_ibuf [dreg:s8], $0x7FFFF;
	_ =	strace $0x90000046  }
0xb5: {  	s29 =	simm.s32 $0x9;
	_ =	strace $0x80000048  }
0xb6: {  	_ =	swait.ge [sflag:s29], $0x1  }
0xb7: {  	[sflag:s29] =	ssyncadd.s32 $0xFFFFFFFF  }
0xb8: {  	_ =	strace $0x90000048  }
0xb9: {  	_ =	sfence  }
0xba: {  	s30 =	sld [smem:$0x0];
	_ =	sdelay $0x2  }
0xbb: {  	s31 =	sshll.u32 s1, $0xD;
	s1 =	sshrl.u32 s1, $0x2  }
0xbc: {  	s3 =	sand.u32 $0x4000, s31;
	s1 =	sadd.s32 s1, s30  }
0xbd: {  	s0 =	sor.u32 s3, s0;
	s1 =	sshll.u32 s1, $0x11  }
0xbe: {  	s0 =	sor.u32 s1, s0  }
0xbf: {  	s0 =	sadd.s32 $0x8F2B, s0  }
0xc0: {  	[sflag:s0] =	ssyncadd.remote.s32 $0x1  }
0xc1: {  	_ =	sfence.sel $0xFFFF  }
0xc2: {  	[dreg:$0x0] =	wrdreg $0xFFFFFFFF;
	(pc) =	sbr.abs _section_cstart, $3  }
0xc3: {  	[dreg:$0x1] =	wrdreg $0xFFFFFFFF  }
0xc4: {  	_ =	task.clear_ibuf [dreg:s8], $0x2FFFF;
	_ =	strace $0x9FFFFFFF  }
0xc5: {  	(tm) =	ssettm $0x7FFFFFFF  }
tec
execute0_lowered:
.L_overlay_start_1:
0x0: {  	(tag) =	ssettag $0x1  }
0x1: {  	s6 =	rddreg [dreg:$0x0]  }
0x2: {  	s8 =	rddreg [dreg:$0x1]  }
0x3: {  	s2 =	rddreg [dreg:$0x2]  }
0x4: {  	s3 =	rddreg [dreg:$0x3];
	s4 =	srdreg.scid  }
0x5: {  	s0 =	rddreg [dreg:$0x4];
	s1 =	stileid.u32  }
0x6: {  	s14 =	simm.s32 $0x2710;
	s15 =	simm.s32 $0x4E20;
	s16 =	simm.s32 $0xC350  }
0x7: {  	s19 =	simm.s32 $0x50;
	s20 =	simm.s32 $0x7530;
	s21 =	simm.s32 $0x9C40  }
0x8: {  	s22 =	simm.s32 $0x0;
	s7 =	sand.u32 $0x1, s4;
	s4 =	simm.s32 $0x0  }
0x9: {  	s9 =	smul.u32 $0xC380, s1;
	s17 =	sshll.u32 s1, $0x6;
	s5 =	sshll.u32 s7, $0x4  }
0xa: {  	[smem:$0x7FF] =	sst s4;
	s10 =	smul.u32 $0xC3800, s7;
	s7 =	ssub.s32 $0x2, s7  }
0xb: {  	s17 =	sor.u32 $0x1C01, s17;
	s5 =	sor.u32 s1, s5;
	_ =	strace $0x80000047  }
0xc: {  	s13 =	sshrl.u32 s7, $0x1;
	s18 =	sadd.s32 s9, s3;
	s11 =	smul.u32 $0x4E2, s5  }
0xd: {  	s5 =	sadd.s32 $0x1C600, s6;
	s10 =	sadd.s32 s9, s10;
	s13 =	ssub.s32 s7, s13  }
0xe: {  	s18 =	sshrl.u32 s18, $0x3;
	s10 =	sshrl.u32 s10, $0x3;
	s12 =	sadd.s32 s11, s6  }
0xf: {  	s10 =	sadd.s32 s10, s6;
	s8 =	sadd.s32 s8, s11;
	s6 =	sadd.s32 $0x12800, s12  }
0x10: {  	s7 =	sadd.s32 $0x8A00, s12;
	s9 =	sadd.s32 $0x1E000, s10;
	s10 =	sadd.s32 $0x4EE00, s12  }
0x11: {  	s11 =	sadd.s32 $0x58C00, s12;
	s12 =	smax.u32 s13, $0x1;
	s13 =	simm.s32 $0x1  }
.LBB2_1:
0x12: {  	[tilespmem:s4], [sflag:$0x1] =	stream.linear.gather [hbm4b:s6+s4], $0x2710, $0x38;
	[tilespmem:$0x18BD0] =	vst v63  }
0x13: {  	_ =	swait.ge [sflag:s13], $0x2710  }
0x14: {  	[sflag:s13] =	ssyncset.done $0x0  }
0x15: {  	[sflag:s13] =	ssyncadd.s32 $0xFFFFD8F0  }
0x16: {  	[tilespmem:s14], [sflag:$0x1] =	stream.linear.gather [hbm4b:s7+s4], $0x2710, $0x38;
	[tilespmem:$0x18BD0] =	vst v63  }
0x17: {  	_ =	swait.ge [sflag:s13], $0x2710  }
0x18: {  	[sflag:s13] =	ssyncset.done $0x0  }
0x19: {  	[sflag:s13] =	ssyncadd.s32 $0xFFFFD8F0  }
0x1a: {  	[tilespmem:s15], [sflag:$0x1] =	stream.linear.gather [hbm4b:s8+s4], $0x2710, $0x38;
	[tilespmem:$0x18BD0] =	vst v63  }
0x1b: {  	_ =	swait.ge [sflag:s13], $0x2710  }
0x1c: {  	[sflag:s13] =	ssyncset.done $0x0  }
0x1d: {  	[sflag:s13] =	ssyncadd.s32 $0xFFFFD8F0  }
0x1e: {  	[tilespmem:s16], [sflag:$0x1] =	stream.linear.gather [hbm4b:s2+s4], $0x500, $0x38;
	[tilespmem:$0x18BD0] =	vst v63  }
0x1f: {  	_ =	swait.ge [sflag:s13], $0x500  }
0x20: {  	[sflag:s13] =	ssyncset.done $0x0  }
0x21: {  	[sflag:s13] =	ssyncadd.s32 $0xFFFFFB00  }
0x22: {  	[spmem:s18], [sflag:s17] =	dma.local [hbm:s5], $0x1870  }
0x23: {  	_ =	swait.ge [sflag:s13], $0x1870  }
0x24: {  	[sflag:s13] =	ssyncset.done $0x0  }
0x25: {  	s23 =	simm.s32 $0x0;
	[sflag:s13] =	ssyncadd.s32 $0xFFFFE790  }
0x26: {  	v1 =	vld [tilespmem:s23+$0x2750]  }
0x27: {  	v2 =	vld [tilespmem:s23+$0x0]  }
0x28: {  	v0 =	vld [tilespmem:s23+$0x4E60]  }
0x29: {  	v4 =	vld [tilespmem:s23+$0x2710]  }
0x2a: {  	v5 =	vld [tilespmem:s23+$0x10]  }
0x2b: {  	v6 =	vld [tilespmem:s23+$0x2720]  }
0x2c: {  	v10 =	vld [tilespmem:s23+$0x20]  }
0x2d: {  	v14 =	vld [tilespmem:s23+$0x2730];
	v1 =	vmul.u32 $0x5, v1  }
0x2e: {  	v15 =	vld [tilespmem:s23+$0x30]  }
0x2f: {  	v16 =	vld [tilespmem:s23+$0x2740];
	v1 =	vadd.s32 v0, v1  }
0x30: {  	[tilespmem:s23+$0x9C80] =	vst v1;
	v1 =	vld [tilespmem:s23+$0x40]  }
0x31: {  	v13 =	vld [tilespmem:s23+$0x4E20]  }
0x32: {  	v12 =	vld [tilespmem:s23+$0x4E30];
	v3 =	vmul.u32 $0x5, v2;
	v7 =	vmul.u32 $0x5, v4  }
0x33: {  	v11 =	vld [tilespmem:s23+$0x4E40];
	v8 =	vmul.u32 $0x5, v5;
	v9 =	vmul.u32 $0x5, v6;
	v5 =	vmul.u32 $0x5, v10  }
0x34: {  	s24 =	simm.s32 $0x50;
	s25 =	simm.s32 $0x280;
	v10 =	vmul.u32 $0x5, v14;
	v2 =	vmul.u32 $0x5, v15;
	v4 =	vld [tilespmem:s23+$0x4E50];
	v6 =	vmul.u32 $0x5, v16  }
.LBB2_2:
0x35: {  	p0 =	sne.s32 s25, $0x9B00;
	v14 =	vld [tilespmem:s24+$0x2750];
	v1 =	vmul.u32 $0x5, v1  }
0x36: {  	v15 =	vld [tilespmem:s24+$0x0];
	v3 =	vadd.s32 v3, v13;
	v7 =	vadd.s32 v13, v7  }
0x37: {  	[tilespmem:s23+$0x7530] =	vst v3;
	v3 =	vadd.s32 v8, v12;
	v8 =	vadd.s32 v12, v9;
	v12 =	vadd.s32 v1, v0;
	v0 =	vld [tilespmem:s24+$0x4E60]  }
0x38: {  	v1 =	vld [tilespmem:s24+$0x2710];
	[tilespmem:s23+$0x9C40] =	vst v7;
	v5 =	vadd.s32 v5, v11;
	v7 =	vadd.s32 v11, v10  }
0x39: {  	v9 =	vld [tilespmem:s24+$0x10];
	[tilespmem:s23+$0x7540] =	vst v3;
	v2 =	vadd.s32 v2, v4;
	v4 =	vadd.s32 v4, v6  }
0x3a: {  	v6 =	vld [tilespmem:s24+$0x2720];
	v10 =	vmul.u32 $0x5, v14;
	[tilespmem:s23+$0x9C50] =	vst v8  }
0x3b: {  	v3 =	vmul.u32 $0x5, v15;
	v11 =	vld [tilespmem:s24+$0x20];
	[tilespmem:s23+$0x7550] =	vst v5  }
0x3c: {  	v14 =	vld [tilespmem:s24+$0x2730];
	v5 =	vadd.s32 v0, v10;
	[tilespmem:s23+$0x9C60] =	vst v7  }
0x3d: {  	v7 =	vmul.u32 $0x5, v1;
	v15 =	vld [tilespmem:s24+$0x30];
	[tilespmem:s24+$0x9C80] =	vst v5  }
0x3e: {  	v8 =	vmul.u32 $0x5, v9;
	v16 =	vld [tilespmem:s24+$0x2740];
	[tilespmem:s23+$0x7560] =	vst v2  }
.Ltmp0:
0x3f: {  	v9 =	vmul.u32 $0x5, v6;
	v1 =	vld [tilespmem:s24+$0x40];
	[tilespmem:s23+$0x9C70] =	vst v4;
	(pc) =	sbr.rel @p0 .LBB2_2-.Ltmp0, $4  }
0x40: {  	v13 =	vld [tilespmem:s24+$0x4E20];
	v5 =	vmul.u32 $0x5, v11;
	[tilespmem:s23+$0x7570] =	vst v12;
	s23 =	smov.u32 s24  }
0x41: {  	v12 =	vld [tilespmem:s23+$0x4E30];
	v10 =	vmul.u32 $0x5, v14  }
0x42: {  	v11 =	vld [tilespmem:s23+$0x4E40];
	v2 =	vmul.u32 $0x5, v15  }
0x43: {  	s24 =	sshra.s32 s25, $0x2;
	s25 =	sadd.s32 $0x140, s25;
	v4 =	vld [tilespmem:s23+$0x4E50];
	v6 =	vmul.u32 $0x5, v16  }
0x44: {  	v14 =	vld [tilespmem:s24+$0x2750]  }
0x45: {  	v15 =	vld [tilespmem:s24+$0x0];
	v3 =	vadd.s32 v3, v13  }
0x46: {  	v16 =	vld [tilespmem:s24+$0x4E60];
	v35 =	vadd.s32 v13, v7;
	[tilespmem:s23+$0x7530] =	vst v3  }
0x47: {  	v37 =	vadd.s32 v8, v12;
	v36 =	vld [tilespmem:s24+$0x2710];
	[tilespmem:s23+$0x9C40] =	vst v35  }
0x48: {  	v39 =	vadd.s32 v12, v9;
	v38 =	vld [tilespmem:s24+$0x10];
	[tilespmem:s23+$0x7540] =	vst v37  }
0x49: {  	v41 =	vadd.s32 v5, v11;
	v40 =	vld [tilespmem:s24+$0x2720];
	[tilespmem:s23+$0x9C50] =	vst v39;
	v44 =	vmul.u32 $0x5, v14  }
0x4a: {  	v43 =	vadd.s32 v11, v10;
	v42 =	vld [tilespmem:s24+$0x20];
	[tilespmem:s23+$0x7550] =	vst v41  }
0x4b: {  	v45 =	vld [tilespmem:s24+$0x2730];
	[tilespmem:s23+$0x9C60] =	vst v43;
	v46 =	vadd.s32 v16, v44  }
0x4c: {  	v2 =	vadd.s32 v2, v4;
	v47 =	vld [tilespmem:s24+$0x30];
	[tilespmem:s24+$0x9C80] =	vst v46  }
0x4d: {  	v1 =	vmul.u32 $0x5, v1;
	v49 =	vadd.s32 v4, v6;
	v48 =	vld [tilespmem:s24+$0x2740];
	[tilespmem:s23+$0x7560] =	vst v2  }
0x4e: {  	v50 =	vld [tilespmem:s24+$0x40];
	[tilespmem:s23+$0x9C70] =	vst v49  }
0x4f: {  	v0 =	vadd.s32 v1, v0;
	v51 =	vld [tilespmem:s24+$0x4E20]  }
0x50: {  	[tilespmem:s23+$0x7570] =	vst v0  }
0x51: {  	v0 =	vld [tilespmem:s24+$0x4E30]  }
0x52: {  	v52 =	vmul.u32 $0x5, v15  }
0x53: {  	v53 =	vmul.u32 $0x5, v36;
	v54 =	vld [tilespmem:s24+$0x4E40]  }
0x54: {  	v8 =	vmul.u32 $0x5, v38;
	v2 =	vadd.s32 v52, v51  }
0x55: {  	v9 =	vmul.u32 $0x5, v40;
	v55 =	vld [tilespmem:s24+$0x4E50];
	v1 =	vadd.s32 v51, v53;
	[tilespmem:s24+$0x7530] =	vst v2  }
0x56: {  	v56 =	vmul.u32 $0x5, v42;
	v57 =	vadd.s32 v8, v0;
	[tilespmem:s24+$0x9C40] =	vst v1  }
0x57: {  	v58 =	vmul.u32 $0x5, v45;
	v0 =	vadd.s32 v0, v9;
	[tilespmem:s24+$0x7540] =	vst v57  }
0x58: {  	v59 =	vmul.u32 $0x5, v47;
	v2 =	vadd.s32 v56, v54;
	[tilespmem:s24+$0x9C50] =	vst v0  }
0x59: {  	v61 =	vmul.u32 $0x5, v50;
	v1 =	vadd.s32 v54, v58;
	[tilespmem:s24+$0x7550] =	vst v2  }
0x5a: {  	v60 =	vmul.u32 $0x5, v48;
	v62 =	vadd.s32 v59, v55;
	[tilespmem:s24+$0x9C60] =	vst v1  }
0x5b: {  	v63 =	vadd.s32 v61, v16;
	[tilespmem:s24+$0x7560] =	vst v62  }
0x5c: {  	v0 =	vadd.s32 v55, v60;
	[tilespmem:s24+$0x7570] =	vst v63  }
0x5d: {  	[tilespmem:s24+$0x9C70] =	vst v0  }
0x5e: {  	s31 =	simm.s32 $0x9C40;
	[bflag:$0x0] =	sbarrier.arrive $0xFFFF  }
0x5f: {  	[spmem:s3] =	stream.indirect.scatter.add.f32 [tilespmem:s16], [sflag:$0x1], $0x10, s31, s19, $0xb8;
	[tilespmem:$0x18BD0] =	vst v63  }
0x60: {  	s23 =	simm.s32 $0x140;
	_ =	swait.ge [sflag:s13], $0x500  }
.LBB2_4:
0x61: {  	s24 =	sshra.s32 s23, $0x2;
	[sflag:s13] =	ssyncset.done $0x0;
	p0 =	sne.s32 s23, $0x9B00  }
.Ltmp1:
0x62: {  	s24 =	sadd.s32 $0x9C40, s24;
	[sflag:s13] =	ssyncadd.s32 $0xFFFFFB00;
	(pc) =	sbr.rel @p0 .LBB2_4-.Ltmp1, $3  }
0x63: {  	[spmem:s3] =	stream.indirect.scatter.add.f32 [tilespmem:s16], [sflag:$0x1], $0x10, s24, s19, $0xb8;
	[tilespmem:$0x18BD0] =	vst v63  }
0x64: {  	s23 =	sadd.s32 $0x140, s23;
	_ =	sdelay $0x1  }
0x65: {  	_ =	swait.ge [sflag:s13], $0x500  }
0x66: {  	[sflag:s13] =	ssyncset.done $0x0  }
0x67: {  	[sflag:s13] =	ssyncadd.s32 $0xFFFFFB00  }
0x68: {  	[bflag:$0x0] =	sbarrier.arrive $0xFFFF  }
0x69: {  	[hbm:s9], [sflag:s17] =	dma.local [spmem:s18], $0x1870  }
0x6a: {  	_ =	swait.ge [sflag:s13], $0x1870  }
0x6b: {  	[sflag:s13] =	ssyncset.done $0x0  }
0x6c: {  	[sflag:s13] =	ssyncadd.s32 $0xFFFFE790  }
0x6d: {  	[hbm4b:s10+s4] =	stream.linear.scatter [tilespmem:s20], [sflag:$0x1], $0x2710, $0x38;
	[tilespmem:$0x18BD0] =	vst v63  }
0x6e: {  	s22 =	sadd.s32 $0x1, s22;
	_ =	swait.ge [sflag:s13], $0x2710  }
0x6f: {  	p0 =	sne.s32 s22, s12;
	[sflag:s13] =	ssyncset.done $0x0  }
.Ltmp2:
0x70: {  	[sflag:s13] =	ssyncadd.s32 $0xFFFFD8F0;
	(pc) =	sbr.rel @p0 .LBB2_1-.Ltmp2, $4  }
0x71: {  	[hbm4b:s11+s4] =	stream.linear.scatter [tilespmem:s21], [sflag:$0x1], $0x2710, $0x38;
	[tilespmem:$0x18BD0] =	vst v63  }
0x72: {  	_ =	swait.ge [sflag:s13], $0x2710  }
0x73: {  	[sflag:s13] =	ssyncset.done $0x0  }
0x74: {  	[sflag:s13] =	ssyncadd.s32 $0xFFFFD8F0  }
0x75: {  	_ =	sfence.sel $0x180000  }
0x76: {  	[bflag:$0x0] =	sbarrier.arrive $0xFFFF  }
0x77: {  	p0 =	sne.s32 s1, $0x0;
	_ =	strace $0x90000047  }
0x78: {  	s0 =	sadd.s32 @!p0 $0x100000, s0;
	[bflag:$0x2] =	sbarrier.arrive $0xFFFF  }
0x79: {  	[sflag:s0] =	ssyncadd.tile.s32 @!p0 $0x1;
	_ =	shalt  }
.Lfunc_end2:
_tile_overlayer_lowered:
.L_overlay_start_2:
0x7a: {  	(tag) =	ssettag $0x2  }
0x7b: {  	s0 =	rddreg [dreg:$0x0];
	s2 =	stileid.u32  }
0x7c: {  	s1 =	rddreg [dreg:$0x1];
	p0 =	sne.s32 s2, $0x0  }
0x7d: {  	s3 =	rddreg [dreg:$0x2];
	[bflag:$0x3] =	sbarrier.arrive $0xFFFF;
	s2 =	simm.s32 @!p0 $0x1C01  }
0x7e: {  	[timem:s3], [sflag:s2] =	dma.local @!p0 [hbm:s0], s1  }
0x7f: {  	s0 =	simm.s32 @!p0 $0x1  }
0x80: {  	_ =	swait.ge @!p0 [sflag:s0], s1  }
0x81: {  	s1 =	ssub.s32 @!p0 $0x0, s1;
	[sflag:s0] =	ssyncset.done @!p0 $0x0  }
0x82: {  	[sflag:s0] =	ssyncadd.s32 @!p0 s1  }
0x83: {  	[bflag:$0x3] =	sbarrier.arrive $0xFFFF  }
0x84: {  	_ =	shalt  }

// kernel: kernel.18.cloned.1.call-start
scs
__scs_entry_jumppad:
0x0: {  	(pc) =	sbr.rel $0x88, $3  }
0x1: {  	(tag) =	ssettag $0x0;
	lr =	simm.s32 $0x1  }
0x2: {  	[smem:$0x3F8A] =	sst lr;
	_ =	strace $0xD0000000  }
0x3: {  	_ = 	snop  }
0x4: {  	_ = 	snop  }
0x5: {  	_ = 	snop  }
0x6: {  	_ = 	snop  }
0x7: {  	_ = 	snop  }
__scs_overlays_trampoline_lowered:
0x8: {  	[smem:$0x3F99] =	sst s0  }
0x9: {  	[smem:$0x3F9A] =	sst s1  }
0xa: {  	[smem:$0x3F9B] =	sst s2  }
0xb: {  	[smem:$0x3F9C] =	sst s3  }
0xc: {  	[smem:$0x3F9D] =	sst s4  }
0xd: {  	[smem:$0x3F9E] =	sst s5  }
0xe: {  	[smem:$0x3F9F] =	sst s6  }
0xf: {  	[smem:$0x3FA0] =	sst s7  }
0x10: {  	[smem:$0x3FA1] =	sst s8  }
0x11: {  	[smem:$0x3FA2] =	sst s9;
	s0 =	simm.s32 @!p0 $0x0  }
0x12: {  	s1 =	sld [smem:$0x3F88];
	s0 =	simm.s32 @p0 $0x1  }
0x13: {  	[smem:$0x3FA3] =	sst s0;
	s0 =	simm.s32 @!p1 $0x0  }
0x14: {  	s2 =	sld [smem:$0x3F87];
	s0 =	simm.s32 @p1 $0x1  }
0x15: {  	[smem:$0x3FA4] =	sst s0;
	s0 =	simm.s32 @!p2 $0x0  }
0x16: {  	s3 =	sld [smem:$0x3FDB];
	s0 =	simm.s32 @p2 $0x1  }
0x17: {  	s4 =	simm.s32 $0x1BF5;
	[smem:$0x3FA6] =	sst s0  }
0x18: {  	s0 =	sld [smem:$0x3F89];
	_ =	swait.ge [sflag:s4], $0x0  }
0x19: {  	s7 =	sld [smem:$0x3F8A]  }
0x1a: {  	s8 =	sadd.s32 $0xFFFFE003, lr  }
0x1b: {  	s9 =	sadd.s32 $0xFFFFFEF7, lr;
	s5 =	simm.s32 $0xFFFFFFFF;
	p2 =	slt.u32 s8, $0xFFFFF086  }
0x1c: {  	p1 =	slt.u32 s9, $0xF7A;
	s5 =	simm.s32 @!p2 $0x0  }
0x1d: {  	s5 =	simm.s32 @p1 $0x1;
	p0 =	seq.s32 s7, s2  }
0x1e: {  	s7 =	smul.u32 @!p0 $0xF7A, s2;
	p2 =	seq.s32 @!p0 s5, $0x0  }
0x1f: {  	s9 =	smul.u32 $0xF7A, s1;
	s8 =	simm.s32 @!p0 $0x1BF5;
	p2 =	por !p2, p0  }
0x20: {  	[sflag:s8] =	ssyncset.s32 @!p0 $0xFFFFF086;
	s6 =	sadd.s32 @!p0 s3, s7;
	s7 =	simm.s32 @!p0 $0x108  }
0x21: {  	s3 =	sadd.s32 s3, s9;
	s6 =	sadd.s32 @!p0 $0x88, s6;
	s7 =	simm.s32 @p2 $0x1082  }
0x22: {  	[simem:s7], [sflag:s8] =	dma.local @!p0 [hbm:s6], $0xF7A  }
0x23: {  	s9 =	sor.u32 $0xD0000000, s2;
	s6 =	simm.s32 $0x108;
	_ =	swait.ge @!p0 [sflag:s8], $0x0  }
0x24: {  	s3 =	sadd.s32 $0x88, s3;
	s6 =	simm.s32 @!p1 $0x1082;
	[sflag:s4] =	ssyncset.s32 $0xFFFFF086  }
0x25: {  	[simem:s6], [sflag:s4] =	dma.local [hbm:s3], $0xF7A  }
0x26: {  	[smem:$0x3F8A] =	sst s1;
	(tag) =	ssettag s2;
	_ =	strace s9  }
0x27: {  	s1 =	sld [smem:$0x3F9A]  }
0x28: {  	s2 =	sld [smem:$0x3F9B]  }
0x29: {  	s4 =	sld [smem:$0x3F9D]  }
0x2a: {  	p0 =	seq.s32 s5, $0x0;
	s5 =	sld [smem:$0x3F9E]  }
0x2b: {  	s6 =	sld [smem:$0x3F9F]  }
0x2c: {  	s7 =	sld [smem:$0x3FA0]  }
0x2d: {  	s3 =	simm.s32 $0x108;
	s8 =	sld [smem:$0x3FA1]  }
0x2e: {  	s3 =	simm.s32 @!p0 $0x1082;
	s9 =	sld [smem:$0x3FA2]  }
0x2f: {  	lr =	sadd.s32 s0, s3;
	s0 =	sld [smem:$0x3F99]  }
0x30: {  	s3 =	sld [smem:$0x3F9C]  }
0x31: {  	[smem:$0x3FA5] =	sst s10  }
0x32: {  	s10 =	sld [smem:$0x3FA3];
	_ =	sdelay $0x3  }
0x33: {  	p0 =	seq.s32 s10, $0x1;
	s10 =	sld [smem:$0x3FA5];
	_ =	sdelay $0x3  }
0x34: {  	[smem:$0x3FA5] =	sst s10  }
0x35: {  	s10 =	sld [smem:$0x3FA4];
	_ =	sdelay $0x3  }
0x36: {  	p1 =	seq.s32 s10, $0x1;
	s10 =	sld [smem:$0x3FA5];
	_ =	sdelay $0x3  }
0x37: {  	[smem:$0x3FA5] =	sst s10  }
0x38: {  	s10 =	sld [smem:$0x3FA6]  }
0x39: {  	_ = 	snop;
	(pc) =	sbr.ind lr, $3  }
0x3a: {  	_ = 	snop  }
0x3b: {  	_ = 	snop  }
0x3c: {  	p2 =	seq.s32 s10, $0x1;
	s10 =	sld [smem:$0x3FA5]  }
0x3d: {  	_ =	shalt  }
0x3e: {  	_ =	shalt  }
0x3f: {  	_ =	shalt  }
0x40: {  	_ =	shalt  }
0x41: {  	_ =	shalt  }
0x42: {  	_ =	shalt  }
0x43: {  	_ =	shalt  }
0x44: {  	_ =	shalt  }
0x45: {  	_ =	shalt  }
0x46: {  	_ =	shalt  }
0x47: {  	_ =	shalt  }
0x48: {  	_ =	shalt  }
0x49: {  	_ =	shalt  }
0x4a: {  	_ =	shalt  }
0x4b: {  	_ =	shalt  }
0x4c: {  	_ =	shalt  }
0x4d: {  	_ =	shalt  }
0x4e: {  	_ =	shalt  }
0x4f: {  	_ =	shalt  }
0x50: {  	_ =	shalt  }
0x51: {  	_ =	shalt  }
0x52: {  	_ =	shalt  }
0x53: {  	_ =	shalt  }
0x54: {  	_ =	shalt  }
0x55: {  	_ =	shalt  }
0x56: {  	_ =	shalt  }
0x57: {  	_ =	shalt  }
0x58: {  	_ =	shalt  }
0x59: {  	_ =	shalt  }
0x5a: {  	_ =	shalt  }
0x5b: {  	_ =	shalt  }
0x5c: {  	_ =	shalt  }
0x5d: {  	_ =	shalt  }
0x5e: {  	_ =	shalt  }
0x5f: {  	_ =	shalt  }
0x60: {  	_ =	shalt  }
0x61: {  	_ =	shalt  }
0x62: {  	_ =	shalt  }
0x63: {  	_ =	shalt  }
0x64: {  	_ =	shalt  }
0x65: {  	_ =	shalt  }
0x66: {  	_ =	shalt  }
0x67: {  	_ =	shalt  }
0x68: {  	_ =	shalt  }
0x69: {  	_ =	shalt  }
0x6a: {  	_ =	shalt  }
0x6b: {  	_ =	shalt  }
0x6c: {  	_ =	shalt  }
0x6d: {  	_ =	shalt  }
0x6e: {  	_ =	shalt  }
0x6f: {  	_ =	shalt  }
0x70: {  	_ =	shalt  }
0x71: {  	_ =	shalt  }
0x72: {  	_ =	shalt  }
0x73: {  	_ =	shalt  }
0x74: {  	_ =	shalt  }
0x75: {  	_ =	shalt  }
0x76: {  	_ =	shalt  }
0x77: {  	_ =	shalt  }
0x78: {  	_ =	shalt  }
0x79: {  	_ =	shalt  }
0x7a: {  	_ =	shalt  }
0x7b: {  	_ =	shalt  }
0x7c: {  	_ =	shalt  }
0x7d: {  	_ =	shalt  }
0x7e: {  	_ =	shalt  }
0x7f: {  	_ =	shalt  }
0x80: {  	_ =	shalt  }
0x81: {  	_ =	shalt  }
0x82: {  	_ =	shalt  }
0x83: {  	_ =	shalt  }
0x84: {  	_ =	shalt  }
0x85: {  	_ =	shalt  }
0x86: {  	_ =	shalt  }
0x87: {  	_ =	shalt  }
.Lfunc_end0:
.L_simem_size_0:
called_computation.1_lowered:
.L_overlay_start_0:
0x88: {  	s2 =	sld [smem:$0x3FD9]  }
0x89: {  	s3 =	sld [smem:$0x3FFE];
	_ =	sdelay $0x1  }
0x8a: {  	s1 =	srdreg.scid  }
0x8b: {  	s0 =	sand.u32 $0x1, s1  }
0x8c: {  	s16 =	sshll.u32 s0, $0xA;
	s2 =	sadd.s32 s3, s2  }
0x8d: {  	s2 =	sadd.s32 s2, s16  }
0x8e: {  	[smem:$0x3FB1] =	sst s2  }
0x8f: {  	_ = 	snop  }
0x90: {  	(tm) =	ssettm $0x1  }
0x91: {  	s17 =	sld [smem:$0x3FFB];
	_ =	sdelay $0x3  }
0x92: {  	_ =	strace s17  }
0x93: {  	s2 =	sld [smem:$0x3FFC];
	_ =	sdelay $0x3  }
0x94: {  	_ =	strace s2  }
0x95: {  	s2 =	sld [smem:$0x3FFD];
	_ =	sdelay $0x3  }
0x96: {  	_ =	strace s2  }
0x97: {  	_ =	strace $0x8FFFFFFF  }
0x98: {  	s18 =	sld [smem:$0x3FDB];
	_ =	sdelay $0x1  }
0x99: {  	s19 =	simm.s32 $_scs_section_size  }
0x9a: {  	s4 =	simm.s32 $_size__tile_overlayer_lowered;
	s5 =	simm.s32 $_tile_overlayer_lowered  }
0x9b: {  	s22 =	simm.s32 $0x1BFF;
	s21 =	sshll.u32 s5, $0x1;
	s2 =	sadd.s32 s19, s18  }
0x9c: {  	s6 =	simm.s32 $0x0;
	s20 =	sshll.u32 s4, $0x1;
	s4 =	sadd.s32 s21, s2  }
0x9d: {  	[timem:s6], [sflag:s22] =	dma.local [hbm:s4], s20  }
0x9e: {  	_ =	swait.ge [sflag:s22], s20  }
0x9f: {  	s3 =	ssub.s32 $0x0, s20;
	[sflag:s22] =	ssyncset.done $0x0  }
0xa0: {  	[sflag:s22] =	ssyncadd.s32 s3;
	_ =	sdelay $0x1  }
0xa1: {  	s23 =	simm.s32 $0x1B8B  }
0xa2: {  	_ =	swait.ge [sflag:s23], $0x1  }
0xa3: {  	[sflag:s23] =	ssyncset.done $0x0  }
0xa4: {  	s25 =	simm.s32 $0x1B8E;
	s24 =	sld [smem:$0x3FFE];
	[sflag:s23] =	ssyncadd.s32 $0xFFFFFFFF  }
0xa5: {  	s26 =	simm.s32 $execute0_lowered;
	[smem:$0x3FD2] =	sst s25  }
0xa6: {  	s4 =	sshll.u32 s26, $0x1;
	_ =	strace $0x80000049;
	[dreg:$0x1] =	wrdreg $0xFFFFFFFF  }
0xa7: {  	s28 =	simm.s32 $_size_execute0_lowered;
	s2 =	sadd.s32 s2, s4;
	[dreg:$0x0] =	wrdreg $0x0  }
0xa8: {  	s4 =	sshll.u32 s28, $0x1;
	[dreg:$0x2] =	wrdreg s2  }
0xa9: {  	[dreg:$0x3] =	wrdreg s4  }
0xaa: {  	[dreg:$0x4] =	wrdreg $0xC0  }
0xab: {  	_ =	task [dreg:s6], $0x5FFFF  }
0xac: {  	[dreg:$0x1] =	wrdreg $0xFFFFFFFF  }
0xad: {  	[dreg:$0x0] =	wrdreg $0x60  }
0xae: {  	[dreg:$0x2] =	wrdreg s24  }
0xaf: {  	[dreg:$0x3] =	wrdreg $0x58200  }
0xb0: {  	[dreg:$0x4] =	wrdreg $0x9  }
0xb1: {  	_ =	task.clear_ibuf [dreg:s6], $0x5FFFF;
	_ =	strace $0x90000049  }
0xb2: {  	s29 =	simm.s32 $0x9;
	_ =	strace $0x8000004B  }
0xb3: {  	_ =	swait.ge [sflag:s29], $0x1  }
0xb4: {  	[sflag:s29] =	ssyncadd.s32 $0xFFFFFFFF  }
0xb5: {  	_ =	strace $0x9000004B  }
0xb6: {  	_ =	sfence  }
0xb7: {  	s30 =	sld [smem:$0x0];
	_ =	sdelay $0x2  }
0xb8: {  	s31 =	sshll.u32 s1, $0xD;
	s1 =	sshrl.u32 s1, $0x2  }
0xb9: {  	s3 =	sand.u32 $0x4000, s31;
	s1 =	sadd.s32 s1, s30  }
0xba: {  	s0 =	sor.u32 s3, s0;
	s1 =	sshll.u32 s1, $0x11  }
0xbb: {  	s0 =	sor.u32 s1, s0  }
0xbc: {  	s0 =	sadd.s32 $0x8F2B, s0  }
0xbd: {  	[sflag:s0] =	ssyncadd.remote.s32 $0x1  }
0xbe: {  	_ =	sfence.sel $0xFFFF  }
0xbf: {  	[dreg:$0x0] =	wrdreg $0xFFFFFFFF;
	(pc) =	sbr.abs _section_cstart, $3  }
0xc0: {  	[dreg:$0x1] =	wrdreg $0xFFFFFFFF  }
0xc1: {  	_ =	task.clear_ibuf [dreg:s6], $0x2FFFF;
	_ =	strace $0x9FFFFFFF  }
0xc2: {  	(tm) =	ssettm $0x7FFFFFFF  }
0xc3: {  	_ =	shalt  }
tec
execute0_lowered:
.L_overlay_start_1:
0x0: {  	(tag) =	ssettag $0x1  }
0x1: {  	s0 =	srdreg.scid;
	s9 =	rddreg [dreg:$0x0]  }
0x2: {  	s2 =	rddreg [dreg:$0x1];
	s1 =	stileid.u32;
	s3 =	simm.s32 $0x0  }
0x3: {  	s13 =	simm.s32 $0xECC00;
	s14 =	simm.s32 $0x50;
	s15 =	simm.s32 $0x4E20  }
0x4: {  	s16 =	simm.s32 $0x1;
	s6 =	sand.u32 $0x1, s0;
	s0 =	rddreg [dreg:$0x2]  }
0x5: {  	s17 =	simm.s32 $0x0;
	[smem:$0x7FF] =	sst s3;
	s10 =	smul.u32 $0x18700, s1  }
0x6: {  	s31 =	sshll.u32 s1, $0x6;
	s4 =	sshll.u32 s6, $0x4;
	_ =	strace $0x8000004A  }
0x7: {  	s7 =	ssub.s32 $0x2, s6;
	p0 =	seq.s32 s6, $0x1;
	s6 =	sor.u32 $0x1C02, s31  }
0x8: {  	s4 =	sor.u32 s1, s4;
	s11 =	sshrl.u32 s7, $0x1;
	s12 =	sadd.s32 s10, s2  }
0x9: {  	s13 =	simm.s32 @!p0 $0xBBE00;
	s10 =	sshrl.u32 s10, $0x3;
	s5 =	smul.u32 $0x4E2, s4  }
0xa: {  	s4 =	sadd.s32 $0x8B000, s9;
	s11 =	ssub.s32 s7, s11;
	s13 =	sadd.s32 s13, s9  }
0xb: {  	s10 =	sadd.s32 s13, s10;
	s13 =	simm.s32 $0x2710;
	s8 =	sadd.s32 s5, s9  }
0xc: {  	s5 =	sadd.s32 $0x8A00, s9;
	s9 =	smax.u32 s11, $0x1;
	s11 =	sshrl.u32 s12, $0x3  }
0xd: {  	s12 =	simm.s32 $0x2;
	s7 =	sadd.s32 $0x4EE00, s8;
	s8 =	sadd.s32 $0x58C00, s8  }
.LBB2_1:
0xe: {  	[spmem:s11], [sflag:s6] =	dma.local [hbm:s5], $0x30E0  }
0xf: {  	_ =	swait.ge [sflag:s12], $0x30E0  }
0x10: {  	[sflag:s12] =	ssyncset.done $0x0  }
0x11: {  	[sflag:s12] =	ssyncadd.s32 $0xFFFFCF20  }
0x12: {  	[tilespmem:s3], [sflag:$0x2] =	stream.linear.gather [hbm4b:s7+s3], $0x2710, $0x38;
	[tilespmem:$0x1DF20] =	vst v63  }
0x13: {  	_ =	swait.ge [sflag:s12], $0x2710  }
0x14: {  	[sflag:s12] =	ssyncset.done $0x0  }
0x15: {  	[sflag:s12] =	ssyncadd.s32 $0xFFFFD8F0  }
0x16: {  	[tilespmem:s13], [sflag:$0x2] =	stream.linear.gather [hbm4b:s8+s3], $0x2710, $0x38;
	[tilespmem:$0x1DF20] =	vst v63  }
0x17: {  	_ =	swait.ge [sflag:s12], $0x2710  }
0x18: {  	[sflag:s12] =	ssyncset.done $0x0  }
0x19: {  	[sflag:s12] =	ssyncadd.s32 $0xFFFFD8F0  }
0x1a: {  	s18 =	simm.s32 $0x0;
	[bflag:$0x0] =	sbarrier.arrive $0xFFFF  }
0x1b: {  	[tilespmem:s15], [sflag:$0x1] =	stream.indirect.gather [hbm4b:s4+s14], $0x20, s18, s14, $0xb8;
	[tilespmem:$0x1DF20] =	vst v63  }
0x1c: {  	_ =	swait.ge [sflag:s16], $0xA00  }
0x1d: {  	[sflag:s16] =	ssyncset.done $0x0  }
0x1e: {  	s31 =	simm.s32 $0x2710;
	[sflag:s16] =	ssyncadd.s32 $0xFFFFF600  }
0x1f: {  	[spmem:s2] =	stream.indirect.scatter.add.f32 [tilespmem:s15], [sflag:$0x2], $0x20, s31, s14, $0xb8;
	[tilespmem:$0x1DF20] =	vst v63  }
0x20: {  	_ =	swait.ge [sflag:s12], $0xA00  }
0x21: {  	s19 =	simm.s32 $0x280;
	s18 =	simm.s32 $0x140;
	[sflag:s12] =	ssyncset.done $0x0  }
.LBB2_2:
0x22: {  	s20 =	sshra.s32 s18, $0x2  }
0x23: {  	[sflag:s12] =	ssyncadd.s32 $0xFFFFF600;
	s18 =	smov.u32 s19;
	s21 =	sadd.s32 $0x140, s19  }
0x24: {  	[tilespmem:s15], [sflag:$0x1] =	stream.indirect.gather [hbm4b:s4+s14], $0x20, s20, s14, $0xb8;
	[tilespmem:$0x1DF20] =	vst v63  }
0x25: {  	p0 =	sne.s32 s19, $0x9B00;
	_ =	swait.ge [sflag:s16], $0xA00  }
.Ltmp0:
0x26: {  	[sflag:s16] =	ssyncset.done $0x0;
	(pc) =	sbr.rel @p0 .LBB2_2-.Ltmp0, $4  }
0x27: {  	s19 =	sadd.s32 $0x2710, s20;
	[sflag:s16] =	ssyncadd.s32 $0xFFFFF600  }
0x28: {  	[spmem:s2] =	stream.indirect.scatter.add.f32 [tilespmem:s15], [sflag:$0x2], $0x20, s19, s14, $0xb8;
	[tilespmem:$0x1DF20] =	vst v63  }
0x29: {  	_ =	swait.ge [sflag:s12], $0xA00  }
0x2a: {  	s19 =	smov.u32 s21;
	[sflag:s12] =	ssyncset.done $0x0  }
0x2b: {  	s18 =	sshra.s32 s18, $0x2;
	[sflag:s12] =	ssyncadd.s32 $0xFFFFF600  }
0x2c: {  	[tilespmem:s15], [sflag:$0x1] =	stream.indirect.gather [hbm4b:s4+s14], $0x20, s18, s14, $0xb8;
	[tilespmem:$0x1DF20] =	vst v63  }
0x2d: {  	_ =	swait.ge [sflag:s16], $0xA00  }
0x2e: {  	[sflag:s16] =	ssyncset.done $0x0  }
0x2f: {  	s18 =	sadd.s32 $0x2710, s18;
	[sflag:s16] =	ssyncadd.s32 $0xFFFFF600  }
0x30: {  	[spmem:s2] =	stream.indirect.scatter.add.f32 [tilespmem:s15], [sflag:$0x2], $0x20, s18, s14, $0xb8;
	[tilespmem:$0x1DF20] =	vst v63  }
0x31: {  	_ =	swait.ge [sflag:s12], $0xA00  }
0x32: {  	s17 =	sadd.s32 $0x1, s17;
	[sflag:s12] =	ssyncset.done $0x0  }
0x33: {  	p0 =	sne.s32 s17, s9;
	[sflag:s12] =	ssyncadd.s32 $0xFFFFF600  }
.Ltmp1:
0x34: {  	[bflag:$0x0] =	sbarrier.arrive $0xFFFF;
	(pc) =	sbr.rel @p0 .LBB2_1-.Ltmp1, $4  }
0x35: {  	[hbm:s10], [sflag:s6] =	dma.local [spmem:s11], $0x30E0  }
0x36: {  	_ =	swait.ge [sflag:s12], $0x30E0  }
0x37: {  	[sflag:s12] =	ssyncset.done $0x0  }
0x38: {  	[sflag:s12] =	ssyncadd.s32 $0xFFFFCF20  }
0x39: {  	_ =	sfence.sel $0x180000  }
0x3a: {  	[bflag:$0x0] =	sbarrier.arrive $0xFFFF  }
0x3b: {  	p0 =	sne.s32 s1, $0x0;
	_ =	strace $0x9000004A  }
0x3c: {  	s0 =	sadd.s32 @!p0 $0x100000, s0;
	[bflag:$0x2] =	sbarrier.arrive $0xFFFF  }
0x3d: {  	[sflag:s0] =	ssyncadd.tile.s32 @!p0 $0x1;
	_ =	shalt  }
.Lfunc_end2:
_tile_overlayer_lowered:
.L_overlay_start_2:
0x3e: {  	(tag) =	ssettag $0x2  }
0x3f: {  	s0 =	rddreg [dreg:$0x0];
	s2 =	stileid.u32  }
0x40: {  	s1 =	rddreg [dreg:$0x1];
	p0 =	sne.s32 s2, $0x0  }
0x41: {  	s3 =	rddreg [dreg:$0x2];
	[bflag:$0x3] =	sbarrier.arrive $0xFFFF;
	s2 =	simm.s32 @!p0 $0x1C02  }
0x42: {  	[timem:s3], [sflag:s2] =	dma.local @!p0 [hbm:s0], s1  }
0x43: {  	s0 =	simm.s32 @!p0 $0x2  }
0x44: {  	_ =	swait.ge @!p0 [sflag:s0], s1  }
0x45: {  	s1 =	ssub.s32 @!p0 $0x0, s1;
	[sflag:s0] =	ssyncset.done @!p0 $0x0  }
0x46: {  	[sflag:s0] =	ssyncadd.s32 @!p0 s1  }
0x47: {  	[bflag:$0x3] =	sbarrier.arrive $0xFFFF  }
0x48: {  	_ =	shalt  }

// kernel: kernel.21.cloned.1.call-start
scs
__scs_entry_jumppad:
0x0: {  	(pc) =	sbr.rel $0x88, $3  }
0x1: {  	(tag) =	ssettag $0x0;
	lr =	simm.s32 $0x1  }
0x2: {  	[smem:$0x3F8A] =	sst lr;
	_ =	strace $0xD0000000  }
0x3: {  	_ = 	snop  }
0x4: {  	_ = 	snop  }
0x5: {  	_ = 	snop  }
0x6: {  	_ = 	snop  }
0x7: {  	_ = 	snop  }
__scs_overlays_trampoline_lowered:
0x8: {  	[smem:$0x3F99] =	sst s0  }
0x9: {  	[smem:$0x3F9A] =	sst s1  }
0xa: {  	[smem:$0x3F9B] =	sst s2  }
0xb: {  	[smem:$0x3F9C] =	sst s3  }
0xc: {  	[smem:$0x3F9D] =	sst s4  }
0xd: {  	[smem:$0x3F9E] =	sst s5  }
0xe: {  	[smem:$0x3F9F] =	sst s6  }
0xf: {  	[smem:$0x3FA0] =	sst s7  }
0x10: {  	[smem:$0x3FA1] =	sst s8  }
0x11: {  	[smem:$0x3FA2] =	sst s9;
	s0 =	simm.s32 @!p0 $0x0  }
0x12: {  	s1 =	sld [smem:$0x3F88];
	s0 =	simm.s32 @p0 $0x1  }
0x13: {  	[smem:$0x3FA3] =	sst s0;
	s0 =	simm.s32 @!p1 $0x0  }
0x14: {  	s2 =	sld [smem:$0x3F87];
	s0 =	simm.s32 @p1 $0x1  }
0x15: {  	[smem:$0x3FA4] =	sst s0;
	s0 =	simm.s32 @!p2 $0x0  }
0x16: {  	s3 =	sld [smem:$0x3FDB];
	s0 =	simm.s32 @p2 $0x1  }
0x17: {  	s4 =	simm.s32 $0x1BF5;
	[smem:$0x3FA6] =	sst s0  }
0x18: {  	s0 =	sld [smem:$0x3F89];
	_ =	swait.ge [sflag:s4], $0x0  }
0x19: {  	s7 =	sld [smem:$0x3F8A]  }
0x1a: {  	s8 =	sadd.s32 $0xFFFFE003, lr  }
0x1b: {  	s9 =	sadd.s32 $0xFFFFFEF7, lr;
	s5 =	simm.s32 $0xFFFFFFFF;
	p2 =	slt.u32 s8, $0xFFFFF086  }
0x1c: {  	p1 =	slt.u32 s9, $0xF7A;
	s5 =	simm.s32 @!p2 $0x0  }
0x1d: {  	s5 =	simm.s32 @p1 $0x1;
	p0 =	seq.s32 s7, s2  }
0x1e: {  	s7 =	smul.u32 @!p0 $0xF7A, s2;
	p2 =	seq.s32 @!p0 s5, $0x0  }
0x1f: {  	s9 =	smul.u32 $0xF7A, s1;
	s8 =	simm.s32 @!p0 $0x1BF5;
	p2 =	por !p2, p0  }
0x20: {  	[sflag:s8] =	ssyncset.s32 @!p0 $0xFFFFF086;
	s6 =	sadd.s32 @!p0 s3, s7;
	s7 =	simm.s32 @!p0 $0x108  }
0x21: {  	s3 =	sadd.s32 s3, s9;
	s6 =	sadd.s32 @!p0 $0x88, s6;
	s7 =	simm.s32 @p2 $0x1082  }
0x22: {  	[simem:s7], [sflag:s8] =	dma.local @!p0 [hbm:s6], $0xF7A  }
0x23: {  	s9 =	sor.u32 $0xD0000000, s2;
	s6 =	simm.s32 $0x108;
	_ =	swait.ge @!p0 [sflag:s8], $0x0  }
0x24: {  	s3 =	sadd.s32 $0x88, s3;
	s6 =	simm.s32 @!p1 $0x1082;
	[sflag:s4] =	ssyncset.s32 $0xFFFFF086  }
0x25: {  	[simem:s6], [sflag:s4] =	dma.local [hbm:s3], $0xF7A  }
0x26: {  	[smem:$0x3F8A] =	sst s1;
	(tag) =	ssettag s2;
	_ =	strace s9  }
0x27: {  	s1 =	sld [smem:$0x3F9A]  }
0x28: {  	s2 =	sld [smem:$0x3F9B]  }
0x29: {  	s4 =	sld [smem:$0x3F9D]  }
0x2a: {  	p0 =	seq.s32 s5, $0x0;
	s5 =	sld [smem:$0x3F9E]  }
0x2b: {  	s6 =	sld [smem:$0x3F9F]  }
0x2c: {  	s7 =	sld [smem:$0x3FA0]  }
0x2d: {  	s3 =	simm.s32 $0x108;
	s8 =	sld [smem:$0x3FA1]  }
0x2e: {  	s3 =	simm.s32 @!p0 $0x1082;
	s9 =	sld [smem:$0x3FA2]  }
0x2f: {  	lr =	sadd.s32 s0, s3;
	s0 =	sld [smem:$0x3F99]  }
0x30: {  	s3 =	sld [smem:$0x3F9C]  }
0x31: {  	[smem:$0x3FA5] =	sst s10  }
0x32: {  	s10 =	sld [smem:$0x3FA3];
	_ =	sdelay $0x3  }
0x33: {  	p0 =	seq.s32 s10, $0x1;
	s10 =	sld [smem:$0x3FA5];
	_ =	sdelay $0x3  }
0x34: {  	[smem:$0x3FA5] =	sst s10  }
0x35: {  	s10 =	sld [smem:$0x3FA4];
	_ =	sdelay $0x3  }
0x36: {  	p1 =	seq.s32 s10, $0x1;
	s10 =	sld [smem:$0x3FA5];
	_ =	sdelay $0x3  }
0x37: {  	[smem:$0x3FA5] =	sst s10  }
0x38: {  	s10 =	sld [smem:$0x3FA6]  }
0x39: {  	_ = 	snop;
	(pc) =	sbr.ind lr, $3  }
0x3a: {  	_ = 	snop  }
0x3b: {  	_ = 	snop  }
0x3c: {  	p2 =	seq.s32 s10, $0x1;
	s10 =	sld [smem:$0x3FA5]  }
0x3d: {  	_ =	shalt  }
0x3e: {  	_ =	shalt  }
0x3f: {  	_ =	shalt  }
0x40: {  	_ =	shalt  }
0x41: {  	_ =	shalt  }
0x42: {  	_ =	shalt  }
0x43: {  	_ =	shalt  }
0x44: {  	_ =	shalt  }
0x45: {  	_ =	shalt  }
0x46: {  	_ =	shalt  }
0x47: {  	_ =	shalt  }
0x48: {  	_ =	shalt  }
0x49: {  	_ =	shalt  }
0x4a: {  	_ =	shalt  }
0x4b: {  	_ =	shalt  }
0x4c: {  	_ =	shalt  }
0x4d: {  	_ =	shalt  }
0x4e: {  	_ =	shalt  }
0x4f: {  	_ =	shalt  }
0x50: {  	_ =	shalt  }
0x51: {  	_ =	shalt  }
0x52: {  	_ =	shalt  }
0x53: {  	_ =	shalt  }
0x54: {  	_ =	shalt  }
0x55: {  	_ =	shalt  }
0x56: {  	_ =	shalt  }
0x57: {  	_ =	shalt  }
0x58: {  	_ =	shalt  }
0x59: {  	_ =	shalt  }
0x5a: {  	_ =	shalt  }
0x5b: {  	_ =	shalt  }
0x5c: {  	_ =	shalt  }
0x5d: {  	_ =	shalt  }
0x5e: {  	_ =	shalt  }
0x5f: {  	_ =	shalt  }
0x60: {  	_ =	shalt  }
0x61: {  	_ =	shalt  }
0x62: {  	_ =	shalt  }
0x63: {  	_ =	shalt  }
0x64: {  	_ =	shalt  }
0x65: {  	_ =	shalt  }
0x66: {  	_ =	shalt  }
0x67: {  	_ =	shalt  }
0x68: {  	_ =	shalt  }
0x69: {  	_ =	shalt  }
0x6a: {  	_ =	shalt  }
0x6b: {  	_ =	shalt  }
0x6c: {  	_ =	shalt  }
0x6d: {  	_ =	shalt  }
0x6e: {  	_ =	shalt  }
0x6f: {  	_ =	shalt  }
0x70: {  	_ =	shalt  }
0x71: {  	_ =	shalt  }
0x72: {  	_ =	shalt  }
0x73: {  	_ =	shalt  }
0x74: {  	_ =	shalt  }
0x75: {  	_ =	shalt  }
0x76: {  	_ =	shalt  }
0x77: {  	_ =	shalt  }
0x78: {  	_ =	shalt  }
0x79: {  	_ =	shalt  }
0x7a: {  	_ =	shalt  }
0x7b: {  	_ =	shalt  }
0x7c: {  	_ =	shalt  }
0x7d: {  	_ =	shalt  }
0x7e: {  	_ =	shalt  }
0x7f: {  	_ =	shalt  }
0x80: {  	_ =	shalt  }
0x81: {  	_ =	shalt  }
0x82: {  	_ =	shalt  }
0x83: {  	_ =	shalt  }
0x84: {  	_ =	shalt  }
0x85: {  	_ =	shalt  }
0x86: {  	_ =	shalt  }
0x87: {  	_ =	shalt  }
.Lfunc_end0:
.L_simem_size_0:
called_computation.2_lowered:
.L_overlay_start_0:
0x88: {  	s2 =	sld [smem:$0x3FD9]  }
0x89: {  	s3 =	sld [smem:$0x3FFE];
	_ =	sdelay $0x1  }
0x8a: {  	s1 =	srdreg.scid  }
0x8b: {  	s0 =	sand.u32 $0x1, s1  }
0x8c: {  	s16 =	sshll.u32 s0, $0xA;
	s2 =	sadd.s32 s3, s2  }
0x8d: {  	s2 =	sadd.s32 s2, s16  }
0x8e: {  	[smem:$0x3FB1] =	sst s2  }
0x8f: {  	_ = 	snop  }
0x90: {  	(tm) =	ssettm $0x1  }
0x91: {  	s17 =	sld [smem:$0x3FFB];
	_ =	sdelay $0x3  }
0x92: {  	_ =	strace s17  }
0x93: {  	s2 =	sld [smem:$0x3FFC];
	_ =	sdelay $0x3  }
0x94: {  	_ =	strace s2  }
0x95: {  	s2 =	sld [smem:$0x3FFD];
	_ =	sdelay $0x3  }
0x96: {  	_ =	strace s2  }
0x97: {  	_ =	strace $0x8FFFFFFF  }
0x98: {  	s18 =	sld [smem:$0x3FDB];
	_ =	sdelay $0x1  }
0x99: {  	s19 =	simm.s32 $_scs_section_size  }
0x9a: {  	s4 =	simm.s32 $_size__tile_overlayer_lowered;
	s5 =	simm.s32 $_tile_overlayer_lowered  }
0x9b: {  	s22 =	simm.s32 $0x1BFF;
	s21 =	sshll.u32 s5, $0x1;
	s2 =	sadd.s32 s19, s18  }
0x9c: {  	s6 =	simm.s32 $0x0;
	s20 =	sshll.u32 s4, $0x1;
	s4 =	sadd.s32 s21, s2  }
0x9d: {  	[timem:s6], [sflag:s22] =	dma.local [hbm:s4], s20  }
0x9e: {  	_ =	swait.ge [sflag:s22], s20  }
0x9f: {  	s3 =	ssub.s32 $0x0, s20;
	[sflag:s22] =	ssyncset.done $0x0  }
0xa0: {  	[sflag:s22] =	ssyncadd.s32 s3;
	_ =	sdelay $0x1  }
0xa1: {  	s23 =	simm.s32 $0x1B8B  }
0xa2: {  	_ =	swait.ge [sflag:s23], $0x1  }
0xa3: {  	[sflag:s23] =	ssyncset.done $0x0  }
0xa4: {  	s25 =	simm.s32 $0x1B8E;
	s24 =	sld [smem:$0x3FFE];
	[sflag:s23] =	ssyncadd.s32 $0xFFFFFFFF  }
0xa5: {  	s26 =	simm.s32 $execute0_lowered;
	[smem:$0x3FD2] =	sst s25  }
0xa6: {  	s4 =	sshll.u32 s26, $0x1;
	_ =	strace $0x8000004C;
	[dreg:$0x1] =	wrdreg $0xFFFFFFFF  }
0xa7: {  	s28 =	simm.s32 $_size_execute0_lowered;
	s2 =	sadd.s32 s2, s4;
	[dreg:$0x0] =	wrdreg $0x0  }
0xa8: {  	s4 =	sshll.u32 s28, $0x1;
	[dreg:$0x2] =	wrdreg s2  }
0xa9: {  	[dreg:$0x3] =	wrdreg s4  }
0xaa: {  	[dreg:$0x4] =	wrdreg $0xC0  }
0xab: {  	_ =	task [dreg:s6], $0x5FFFF  }
0xac: {  	[dreg:$0x1] =	wrdreg $0xFFFFFFFF  }
0xad: {  	[dreg:$0x0] =	wrdreg $0x60  }
0xae: {  	[dreg:$0x2] =	wrdreg s24  }
0xaf: {  	[dreg:$0x3] =	wrdreg $0x58200  }
0xb0: {  	[dreg:$0x4] =	wrdreg $0x9  }
0xb1: {  	_ =	task.clear_ibuf [dreg:s6], $0x5FFFF;
	_ =	strace $0x9000004C  }
0xb2: {  	s29 =	simm.s32 $0x9;
	_ =	strace $0x8000004E  }
0xb3: {  	_ =	swait.ge [sflag:s29], $0x1  }
0xb4: {  	[sflag:s29] =	ssyncadd.s32 $0xFFFFFFFF  }
0xb5: {  	_ =	strace $0x9000004E  }
0xb6: {  	_ =	sfence  }
0xb7: {  	s30 =	sld [smem:$0x0];
	_ =	sdelay $0x2  }
0xb8: {  	s31 =	sshll.u32 s1, $0xD;
	s1 =	sshrl.u32 s1, $0x2  }
0xb9: {  	s3 =	sand.u32 $0x4000, s31;
	s1 =	sadd.s32 s1, s30  }
0xba: {  	s0 =	sor.u32 s3, s0;
	s1 =	sshll.u32 s1, $0x11  }
0xbb: {  	s0 =	sor.u32 s1, s0  }
0xbc: {  	s0 =	sadd.s32 $0x8F2B, s0  }
0xbd: {  	[sflag:s0] =	ssyncadd.remote.s32 $0x1  }
0xbe: {  	_ =	sfence.sel $0xFFFF  }
0xbf: {  	[dreg:$0x0] =	wrdreg $0xFFFFFFFF;
	(pc) =	sbr.abs _section_cstart, $3  }
0xc0: {  	[dreg:$0x1] =	wrdreg $0xFFFFFFFF  }
0xc1: {  	_ =	task.clear_ibuf [dreg:s6], $0x2FFFF;
	_ =	strace $0x9FFFFFFF  }
0xc2: {  	(tm) =	ssettm $0x7FFFFFFF  }
0xc3: {  	_ =	shalt  }
tec
execute0_lowered:
.L_overlay_start_1:
0x0: {  	(tag) =	ssettag $0x1  }
0x1: {  	s0 =	srdreg.scid;
	s9 =	rddreg [dreg:$0x0]  }
0x2: {  	s2 =	rddreg [dreg:$0x1];
	s1 =	stileid.u32;
	s3 =	simm.s32 $0x0  }
0x3: {  	s13 =	simm.s32 $0x94800;
	s14 =	simm.s32 $0x50;
	s15 =	simm.s32 $0x4E20  }
0x4: {  	s16 =	simm.s32 $0x1;
	s6 =	sand.u32 $0x1, s0;
	s0 =	rddreg [dreg:$0x2]  }
0x5: {  	s17 =	simm.s32 $0x0;
	[smem:$0x7FF] =	sst s3;
	s10 =	smul.u32 $0x18700, s1  }
0x6: {  	s31 =	sshll.u32 s1, $0x6;
	s4 =	sshll.u32 s6, $0x4;
	_ =	strace $0x8000004D  }
0x7: {  	s7 =	ssub.s32 $0x2, s6;
	p0 =	seq.s32 s6, $0x1;
	s6 =	sor.u32 $0x1C02, s31  }
0x8: {  	s4 =	sor.u32 s1, s4;
	s11 =	sshrl.u32 s7, $0x1;
	s12 =	sadd.s32 s10, s2  }
0x9: {  	s13 =	simm.s32 @!p0 $0x63A00;
	s10 =	sshrl.u32 s10, $0x3;
	s5 =	smul.u32 $0x4E2, s4  }
0xa: {  	s4 =	sadd.s32 $0x16BC00, s9;
	s11 =	ssub.s32 s7, s11;
	s13 =	sadd.s32 s13, s9  }
0xb: {  	s10 =	sadd.s32 s13, s10;
	s13 =	simm.s32 $0x2710;
	s8 =	sadd.s32 s5, s9  }
0xc: {  	s5 =	sadd.s32 $0x8A00, s9;
	s9 =	smax.u32 s11, $0x1;
	s11 =	sshrl.u32 s12, $0x3  }
0xd: {  	s12 =	simm.s32 $0x2;
	s7 =	sadd.s32 $0x4EE00, s8;
	s8 =	sadd.s32 $0x58C00, s8  }
.LBB2_1:
0xe: {  	[spmem:s11], [sflag:s6] =	dma.local [hbm:s5], $0x30E0  }
0xf: {  	_ =	swait.ge [sflag:s12], $0x30E0  }
0x10: {  	[sflag:s12] =	ssyncset.done $0x0  }
0x11: {  	[sflag:s12] =	ssyncadd.s32 $0xFFFFCF20  }
0x12: {  	[tilespmem:s3], [sflag:$0x2] =	stream.linear.gather [hbm4b:s7+s3], $0x2710, $0x38;
	[tilespmem:$0x1DF20] =	vst v63  }
0x13: {  	_ =	swait.ge [sflag:s12], $0x2710  }
0x14: {  	[sflag:s12] =	ssyncset.done $0x0  }
0x15: {  	[sflag:s12] =	ssyncadd.s32 $0xFFFFD8F0  }
0x16: {  	[tilespmem:s13], [sflag:$0x2] =	stream.linear.gather [hbm4b:s8+s3], $0x2710, $0x38;
	[tilespmem:$0x1DF20] =	vst v63  }
0x17: {  	_ =	swait.ge [sflag:s12], $0x2710  }
0x18: {  	[sflag:s12] =	ssyncset.done $0x0  }
0x19: {  	[sflag:s12] =	ssyncadd.s32 $0xFFFFD8F0  }
0x1a: {  	s18 =	simm.s32 $0x0;
	[bflag:$0x0] =	sbarrier.arrive $0xFFFF  }
0x1b: {  	[tilespmem:s15], [sflag:$0x1] =	stream.indirect.gather [hbm4b:s4+s14], $0x20, s18, s14, $0xb8;
	[tilespmem:$0x1DF20] =	vst v63  }
0x1c: {  	_ =	swait.ge [sflag:s16], $0xA00  }
0x1d: {  	[sflag:s16] =	ssyncset.done $0x0  }
0x1e: {  	s31 =	simm.s32 $0x2710;
	[sflag:s16] =	ssyncadd.s32 $0xFFFFF600  }
0x1f: {  	[spmem:s2] =	stream.indirect.scatter.add.f32 [tilespmem:s15], [sflag:$0x2], $0x20, s31, s14, $0xb8;
	[tilespmem:$0x1DF20] =	vst v63  }
0x20: {  	_ =	swait.ge [sflag:s12], $0xA00  }
0x21: {  	s19 =	simm.s32 $0x280;
	s18 =	simm.s32 $0x140;
	[sflag:s12] =	ssyncset.done $0x0  }
.LBB2_2:
0x22: {  	s20 =	sshra.s32 s18, $0x2  }
0x23: {  	[sflag:s12] =	ssyncadd.s32 $0xFFFFF600;
	s18 =	smov.u32 s19;
	s21 =	sadd.s32 $0x140, s19  }
0x24: {  	[tilespmem:s15], [sflag:$0x1] =	stream.indirect.gather [hbm4b:s4+s14], $0x20, s20, s14, $0xb8;
	[tilespmem:$0x1DF20] =	vst v63  }
0x25: {  	p0 =	sne.s32 s19, $0x9B00;
	_ =	swait.ge [sflag:s16], $0xA00  }
.Ltmp0:
0x26: {  	[sflag:s16] =	ssyncset.done $0x0;
	(pc) =	sbr.rel @p0 .LBB2_2-.Ltmp0, $4  }
0x27: {  	s19 =	sadd.s32 $0x2710, s20;
	[sflag:s16] =	ssyncadd.s32 $0xFFFFF600  }
0x28: {  	[spmem:s2] =	stream.indirect.scatter.add.f32 [tilespmem:s15], [sflag:$0x2], $0x20, s19, s14, $0xb8;
	[tilespmem:$0x1DF20] =	vst v63  }
0x29: {  	_ =	swait.ge [sflag:s12], $0xA00  }
0x2a: {  	s19 =	smov.u32 s21;
	[sflag:s12] =	ssyncset.done $0x0  }
0x2b: {  	s18 =	sshra.s32 s18, $0x2;
	[sflag:s12] =	ssyncadd.s32 $0xFFFFF600  }
0x2c: {  	[tilespmem:s15], [sflag:$0x1] =	stream.indirect.gather [hbm4b:s4+s14], $0x20, s18, s14, $0xb8;
	[tilespmem:$0x1DF20] =	vst v63  }
0x2d: {  	_ =	swait.ge [sflag:s16], $0xA00  }
0x2e: {  	[sflag:s16] =	ssyncset.done $0x0  }
0x2f: {  	s18 =	sadd.s32 $0x2710, s18;
	[sflag:s16] =	ssyncadd.s32 $0xFFFFF600  }
0x30: {  	[spmem:s2] =	stream.indirect.scatter.add.f32 [tilespmem:s15], [sflag:$0x2], $0x20, s18, s14, $0xb8;
	[tilespmem:$0x1DF20] =	vst v63  }
0x31: {  	_ =	swait.ge [sflag:s12], $0xA00  }
0x32: {  	s17 =	sadd.s32 $0x1, s17;
	[sflag:s12] =	ssyncset.done $0x0  }
0x33: {  	p0 =	sne.s32 s17, s9;
	[sflag:s12] =	ssyncadd.s32 $0xFFFFF600  }
.Ltmp1:
0x34: {  	[bflag:$0x0] =	sbarrier.arrive $0xFFFF;
	(pc) =	sbr.rel @p0 .LBB2_1-.Ltmp1, $4  }
0x35: {  	[hbm:s10], [sflag:s6] =	dma.local [spmem:s11], $0x30E0  }
0x36: {  	_ =	swait.ge [sflag:s12], $0x30E0  }
0x37: {  	[sflag:s12] =	ssyncset.done $0x0  }
0x38: {  	[sflag:s12] =	ssyncadd.s32 $0xFFFFCF20  }
0x39: {  	_ =	sfence.sel $0x180000  }
0x3a: {  	[bflag:$0x0] =	sbarrier.arrive $0xFFFF  }
0x3b: {  	p0 =	sne.s32 s1, $0x0;
	_ =	strace $0x9000004D  }
0x3c: {  	s0 =	sadd.s32 @!p0 $0x100000, s0;
	[bflag:$0x2] =	sbarrier.arrive $0xFFFF  }
0x3d: {  	[sflag:s0] =	ssyncadd.tile.s32 @!p0 $0x1;
	_ =	shalt  }
.Lfunc_end2:
_tile_overlayer_lowered:
.L_overlay_start_2:
0x3e: {  	(tag) =	ssettag $0x2  }
0x3f: {  	s0 =	rddreg [dreg:$0x0];
	s2 =	stileid.u32  }
0x40: {  	s1 =	rddreg [dreg:$0x1];
	p0 =	sne.s32 s2, $0x0  }
0x41: {  	s3 =	rddreg [dreg:$0x2];
	[bflag:$0x3] =	sbarrier.arrive $0xFFFF;
	s2 =	simm.s32 @!p0 $0x1C02  }
0x42: {  	[timem:s3], [sflag:s2] =	dma.local @!p0 [hbm:s0], s1  }
0x43: {  	s0 =	simm.s32 @!p0 $0x2  }
0x44: {  	_ =	swait.ge @!p0 [sflag:s0], s1  }
0x45: {  	s1 =	ssub.s32 @!p0 $0x0, s1;
	[sflag:s0] =	ssyncset.done @!p0 $0x0  }
0x46: {  	[sflag:s0] =	ssyncadd.s32 @!p0 s1  }
0x47: {  	[bflag:$0x3] =	sbarrier.arrive $0xFFFF  }
0x48: {  	_ =	shalt  }

// kernel: kernel.24.cloned.1.call-start
scs
__scs_entry_jumppad:
0x0: {  	(pc) =	sbr.rel $0x88, $3  }
0x1: {  	(tag) =	ssettag $0x0;
	lr =	simm.s32 $0x1  }
0x2: {  	[smem:$0x3F8A] =	sst lr;
	_ =	strace $0xD0000000  }
0x3: {  	_ = 	snop  }
0x4: {  	_ = 	snop  }
0x5: {  	_ = 	snop  }
0x6: {  	_ = 	snop  }
0x7: {  	_ = 	snop  }
__scs_overlays_trampoline_lowered:
0x8: {  	[smem:$0x3F99] =	sst s0  }
0x9: {  	[smem:$0x3F9A] =	sst s1  }
0xa: {  	[smem:$0x3F9B] =	sst s2  }
0xb: {  	[smem:$0x3F9C] =	sst s3  }
0xc: {  	[smem:$0x3F9D] =	sst s4  }
0xd: {  	[smem:$0x3F9E] =	sst s5  }
0xe: {  	[smem:$0x3F9F] =	sst s6  }
0xf: {  	[smem:$0x3FA0] =	sst s7  }
0x10: {  	[smem:$0x3FA1] =	sst s8  }
0x11: {  	[smem:$0x3FA2] =	sst s9;
	s0 =	simm.s32 @!p0 $0x0  }
0x12: {  	s1 =	sld [smem:$0x3F88];
	s0 =	simm.s32 @p0 $0x1  }
0x13: {  	[smem:$0x3FA3] =	sst s0;
	s0 =	simm.s32 @!p1 $0x0  }
0x14: {  	s2 =	sld [smem:$0x3F87];
	s0 =	simm.s32 @p1 $0x1  }
0x15: {  	[smem:$0x3FA4] =	sst s0;
	s0 =	simm.s32 @!p2 $0x0  }
0x16: {  	s3 =	sld [smem:$0x3FDB];
	s0 =	simm.s32 @p2 $0x1  }
0x17: {  	s4 =	simm.s32 $0x1BF5;
	[smem:$0x3FA6] =	sst s0  }
0x18: {  	s0 =	sld [smem:$0x3F89];
	_ =	swait.ge [sflag:s4], $0x0  }
0x19: {  	s7 =	sld [smem:$0x3F8A]  }
0x1a: {  	s8 =	sadd.s32 $0xFFFFE003, lr  }
0x1b: {  	s9 =	sadd.s32 $0xFFFFFEF7, lr;
	s5 =	simm.s32 $0xFFFFFFFF;
	p2 =	slt.u32 s8, $0xFFFFF086  }
0x1c: {  	p1 =	slt.u32 s9, $0xF7A;
	s5 =	simm.s32 @!p2 $0x0  }
0x1d: {  	s5 =	simm.s32 @p1 $0x1;
	p0 =	seq.s32 s7, s2  }
0x1e: {  	s7 =	smul.u32 @!p0 $0xF7A, s2;
	p2 =	seq.s32 @!p0 s5, $0x0  }
0x1f: {  	s9 =	smul.u32 $0xF7A, s1;
	s8 =	simm.s32 @!p0 $0x1BF5;
	p2 =	por !p2, p0  }
0x20: {  	[sflag:s8] =	ssyncset.s32 @!p0 $0xFFFFF086;
	s6 =	sadd.s32 @!p0 s3, s7;
	s7 =	simm.s32 @!p0 $0x108  }
0x21: {  	s3 =	sadd.s32 s3, s9;
	s6 =	sadd.s32 @!p0 $0x88, s6;
	s7 =	simm.s32 @p2 $0x1082  }
0x22: {  	[simem:s7], [sflag:s8] =	dma.local @!p0 [hbm:s6], $0xF7A  }
0x23: {  	s9 =	sor.u32 $0xD0000000, s2;
	s6 =	simm.s32 $0x108;
	_ =	swait.ge @!p0 [sflag:s8], $0x0  }
0x24: {  	s3 =	sadd.s32 $0x88, s3;
	s6 =	simm.s32 @!p1 $0x1082;
	[sflag:s4] =	ssyncset.s32 $0xFFFFF086  }
0x25: {  	[simem:s6], [sflag:s4] =	dma.local [hbm:s3], $0xF7A  }
0x26: {  	[smem:$0x3F8A] =	sst s1;
	(tag) =	ssettag s2;
	_ =	strace s9  }
0x27: {  	s1 =	sld [smem:$0x3F9A]  }
0x28: {  	s2 =	sld [smem:$0x3F9B]  }
0x29: {  	s4 =	sld [smem:$0x3F9D]  }
0x2a: {  	p0 =	seq.s32 s5, $0x0;
	s5 =	sld [smem:$0x3F9E]  }
0x2b: {  	s6 =	sld [smem:$0x3F9F]  }
0x2c: {  	s7 =	sld [smem:$0x3FA0]  }
0x2d: {  	s3 =	simm.s32 $0x108;
	s8 =	sld [smem:$0x3FA1]  }
0x2e: {  	s3 =	simm.s32 @!p0 $0x1082;
	s9 =	sld [smem:$0x3FA2]  }
0x2f: {  	lr =	sadd.s32 s0, s3;
	s0 =	sld [smem:$0x3F99]  }
0x30: {  	s3 =	sld [smem:$0x3F9C]  }
0x31: {  	[smem:$0x3FA5] =	sst s10  }
0x32: {  	s10 =	sld [smem:$0x3FA3];
	_ =	sdelay $0x3  }
0x33: {  	p0 =	seq.s32 s10, $0x1;
	s10 =	sld [smem:$0x3FA5];
	_ =	sdelay $0x3  }
0x34: {  	[smem:$0x3FA5] =	sst s10  }
0x35: {  	s10 =	sld [smem:$0x3FA4];
	_ =	sdelay $0x3  }
0x36: {  	p1 =	seq.s32 s10, $0x1;
	s10 =	sld [smem:$0x3FA5];
	_ =	sdelay $0x3  }
0x37: {  	[smem:$0x3FA5] =	sst s10  }
0x38: {  	s10 =	sld [smem:$0x3FA6]  }
0x39: {  	_ = 	snop;
	(pc) =	sbr.ind lr, $3  }
0x3a: {  	_ = 	snop  }
0x3b: {  	_ = 	snop  }
0x3c: {  	p2 =	seq.s32 s10, $0x1;
	s10 =	sld [smem:$0x3FA5]  }
0x3d: {  	_ =	shalt  }
0x3e: {  	_ =	shalt  }
0x3f: {  	_ =	shalt  }
0x40: {  	_ =	shalt  }
0x41: {  	_ =	shalt  }
0x42: {  	_ =	shalt  }
0x43: {  	_ =	shalt  }
0x44: {  	_ =	shalt  }
0x45: {  	_ =	shalt  }
0x46: {  	_ =	shalt  }
0x47: {  	_ =	shalt  }
0x48: {  	_ =	shalt  }
0x49: {  	_ =	shalt  }
0x4a: {  	_ =	shalt  }
0x4b: {  	_ =	shalt  }
0x4c: {  	_ =	shalt  }
0x4d: {  	_ =	shalt  }
0x4e: {  	_ =	shalt  }
0x4f: {  	_ =	shalt  }
0x50: {  	_ =	shalt  }
0x51: {  	_ =	shalt  }
0x52: {  	_ =	shalt  }
0x53: {  	_ =	shalt  }
0x54: {  	_ =	shalt  }
0x55: {  	_ =	shalt  }
0x56: {  	_ =	shalt  }
0x57: {  	_ =	shalt  }
0x58: {  	_ =	shalt  }
0x59: {  	_ =	shalt  }
0x5a: {  	_ =	shalt  }
0x5b: {  	_ =	shalt  }
0x5c: {  	_ =	shalt  }
0x5d: {  	_ =	shalt  }
0x5e: {  	_ =	shalt  }
0x5f: {  	_ =	shalt  }
0x60: {  	_ =	shalt  }
0x61: {  	_ =	shalt  }
0x62: {  	_ =	shalt  }
0x63: {  	_ =	shalt  }
0x64: {  	_ =	shalt  }
0x65: {  	_ =	shalt  }
0x66: {  	_ =	shalt  }
0x67: {  	_ =	shalt  }
0x68: {  	_ =	shalt  }
0x69: {  	_ =	shalt  }
0x6a: {  	_ =	shalt  }
0x6b: {  	_ =	shalt  }
0x6c: {  	_ =	shalt  }
0x6d: {  	_ =	shalt  }
0x6e: {  	_ =	shalt  }
0x6f: {  	_ =	shalt  }
0x70: {  	_ =	shalt  }
0x71: {  	_ =	shalt  }
0x72: {  	_ =	shalt  }
0x73: {  	_ =	shalt  }
0x74: {  	_ =	shalt  }
0x75: {  	_ =	shalt  }
0x76: {  	_ =	shalt  }
0x77: {  	_ =	shalt  }
0x78: {  	_ =	shalt  }
0x79: {  	_ =	shalt  }
0x7a: {  	_ =	shalt  }
0x7b: {  	_ =	shalt  }
0x7c: {  	_ =	shalt  }
0x7d: {  	_ =	shalt  }
0x7e: {  	_ =	shalt  }
0x7f: {  	_ =	shalt  }
0x80: {  	_ =	shalt  }
0x81: {  	_ =	shalt  }
0x82: {  	_ =	shalt  }
0x83: {  	_ =	shalt  }
0x84: {  	_ =	shalt  }
0x85: {  	_ =	shalt  }
0x86: {  	_ =	shalt  }
0x87: {  	_ =	shalt  }
.Lfunc_end0:
.L_simem_size_0:
called_computation.3_lowered:
.L_overlay_start_0:
0x88: {  	s2 =	sld [smem:$0x3FD9]  }
0x89: {  	s3 =	sld [smem:$0x3FFE];
	_ =	sdelay $0x1  }
0x8a: {  	s1 =	srdreg.scid  }
0x8b: {  	s0 =	sand.u32 $0x1, s1  }
0x8c: {  	s16 =	sshll.u32 s0, $0xA;
	s2 =	sadd.s32 s3, s2  }
0x8d: {  	s2 =	sadd.s32 s2, s16  }
0x8e: {  	[smem:$0x3FB1] =	sst s2  }
0x8f: {  	_ = 	snop  }
0x90: {  	(tm) =	ssettm $0x1  }
0x91: {  	s17 =	sld [smem:$0x3FFB];
	_ =	sdelay $0x3  }
0x92: {  	_ =	strace s17  }
0x93: {  	s2 =	sld [smem:$0x3FFC];
	_ =	sdelay $0x3  }
0x94: {  	_ =	strace s2  }
0x95: {  	s2 =	sld [smem:$0x3FFD];
	_ =	sdelay $0x3  }
0x96: {  	_ =	strace s2  }
0x97: {  	_ =	strace $0x8FFFFFFF  }
0x98: {  	s18 =	sld [smem:$0x3FDB];
	_ =	sdelay $0x1  }
0x99: {  	s19 =	simm.s32 $_scs_section_size  }
0x9a: {  	s4 =	simm.s32 $_size__tile_overlayer_lowered;
	s5 =	simm.s32 $_tile_overlayer_lowered  }
0x9b: {  	s22 =	simm.s32 $0x1BFF;
	s21 =	sshll.u32 s5, $0x1;
	s2 =	sadd.s32 s19, s18  }
0x9c: {  	s6 =	simm.s32 $0x0;
	s20 =	sshll.u32 s4, $0x1;
	s4 =	sadd.s32 s21, s2  }
0x9d: {  	[timem:s6], [sflag:s22] =	dma.local [hbm:s4], s20  }
0x9e: {  	_ =	swait.ge [sflag:s22], s20  }
0x9f: {  	s3 =	ssub.s32 $0x0, s20;
	[sflag:s22] =	ssyncset.done $0x0  }
0xa0: {  	[sflag:s22] =	ssyncadd.s32 s3;
	_ =	sdelay $0x1  }
0xa1: {  	s23 =	simm.s32 $0x1B8B  }
0xa2: {  	_ =	swait.ge [sflag:s23], $0x1  }
0xa3: {  	[sflag:s23] =	ssyncset.done $0x0  }
0xa4: {  	s25 =	simm.s32 $0x1B8E;
	s24 =	sld [smem:$0x3FFE];
	[sflag:s23] =	ssyncadd.s32 $0xFFFFFFFF  }
0xa5: {  	s26 =	simm.s32 $execute0_lowered;
	[smem:$0x3FD2] =	sst s25  }
0xa6: {  	s4 =	sshll.u32 s26, $0x1;
	_ =	strace $0x8000004F;
	[dreg:$0x1] =	wrdreg $0xFFFFFFFF  }
0xa7: {  	s28 =	simm.s32 $_size_execute0_lowered;
	s2 =	sadd.s32 s2, s4;
	[dreg:$0x0] =	wrdreg $0x0  }
0xa8: {  	s4 =	sshll.u32 s28, $0x1;
	[dreg:$0x2] =	wrdreg s2  }
0xa9: {  	[dreg:$0x3] =	wrdreg s4  }
0xaa: {  	[dreg:$0x4] =	wrdreg $0xC0  }
0xab: {  	_ =	task [dreg:s6], $0x5FFFF  }
0xac: {  	[dreg:$0x1] =	wrdreg $0xFFFFFFFF  }
0xad: {  	[dreg:$0x0] =	wrdreg $0x60  }
0xae: {  	[dreg:$0x2] =	wrdreg s24  }
0xaf: {  	[dreg:$0x3] =	wrdreg $0x58200  }
0xb0: {  	[dreg:$0x4] =	wrdreg $0x9  }
0xb1: {  	_ =	task.clear_ibuf [dreg:s6], $0x5FFFF;
	_ =	strace $0x9000004F  }
0xb2: {  	s29 =	simm.s32 $0x9;
	_ =	strace $0x80000051  }
0xb3: {  	_ =	swait.ge [sflag:s29], $0x1  }
0xb4: {  	[sflag:s29] =	ssyncadd.s32 $0xFFFFFFFF  }
0xb5: {  	_ =	strace $0x90000051  }
0xb6: {  	_ =	sfence  }
0xb7: {  	s30 =	sld [smem:$0x0];
	_ =	sdelay $0x2  }
0xb8: {  	s31 =	sshll.u32 s1, $0xD;
	s1 =	sshrl.u32 s1, $0x2  }
0xb9: {  	s3 =	sand.u32 $0x4000, s31;
	s1 =	sadd.s32 s1, s30  }
0xba: {  	s0 =	sor.u32 s3, s0;
	s1 =	sshll.u32 s1, $0x11  }
0xbb: {  	s0 =	sor.u32 s1, s0  }
0xbc: {  	s0 =	sadd.s32 $0x8F2B, s0  }
0xbd: {  	[sflag:s0] =	ssyncadd.remote.s32 $0x1  }
0xbe: {  	_ =	sfence.sel $0xFFFF  }
0xbf: {  	[dreg:$0x0] =	wrdreg $0xFFFFFFFF;
	(pc) =	sbr.abs _section_cstart, $3  }
0xc0: {  	[dreg:$0x1] =	wrdreg $0xFFFFFFFF  }
0xc1: {  	_ =	task.clear_ibuf [dreg:s6], $0x2FFFF;
	_ =	strace $0x9FFFFFFF  }
0xc2: {  	(tm) =	ssettm $0x7FFFFFFF  }
0xc3: {  	_ =	shalt  }
tec
execute0_lowered:
.L_overlay_start_1:
0x0: {  	(tag) =	ssettag $0x1  }
0x1: {  	s0 =	srdreg.scid;
	s9 =	rddreg [dreg:$0x0]  }
0x2: {  	s2 =	rddreg [dreg:$0x1];
	s1 =	stileid.u32;
	s3 =	simm.s32 $0x0  }
0x3: {  	s13 =	simm.s32 $0xEC400;
	s14 =	simm.s32 $0x50;
	s15 =	simm.s32 $0x4E20  }
0x4: {  	s16 =	simm.s32 $0x1;
	s6 =	sand.u32 $0x1, s0;
	s0 =	rddreg [dreg:$0x2]  }
0x5: {  	s17 =	simm.s32 $0x0;
	[smem:$0x7FF] =	sst s3;
	s10 =	smul.u32 $0x18700, s1  }
0x6: {  	s31 =	sshll.u32 s1, $0x6;
	s4 =	sshll.u32 s6, $0x4;
	_ =	strace $0x80000050  }
0x7: {  	s7 =	ssub.s32 $0x2, s6;
	p0 =	seq.s32 s6, $0x1;
	s6 =	sor.u32 $0x1C02, s31  }
0x8: {  	s4 =	sor.u32 s1, s4;
	s11 =	sshrl.u32 s7, $0x1;
	s12 =	sadd.s32 s10, s2  }
0x9: {  	s13 =	simm.s32 @!p0 $0xBB600;
	s10 =	sshrl.u32 s10, $0x3;
	s5 =	smul.u32 $0x4E2, s4  }
0xa: {  	s4 =	sadd.s32 $0x8A800, s9;
	s11 =	ssub.s32 s7, s11;
	s13 =	sadd.s32 s13, s9  }
0xb: {  	s10 =	sadd.s32 s13, s10;
	s13 =	simm.s32 $0x2710;
	s8 =	sadd.s32 s5, s9  }
0xc: {  	s5 =	sadd.s32 $0x8A00, s9;
	s9 =	smax.u32 s11, $0x1;
	s11 =	sshrl.u32 s12, $0x3  }
0xd: {  	s12 =	simm.s32 $0x2;
	s7 =	sadd.s32 $0x4EE00, s8;
	s8 =	sadd.s32 $0x58C00, s8  }
.LBB2_1:
0xe: {  	[spmem:s11], [sflag:s6] =	dma.local [hbm:s5], $0x30E0  }
0xf: {  	_ =	swait.ge [sflag:s12], $0x30E0  }
0x10: {  	[sflag:s12] =	ssyncset.done $0x0  }
0x11: {  	[sflag:s12] =	ssyncadd.s32 $0xFFFFCF20  }
0x12: {  	[tilespmem:s3], [sflag:$0x2] =	stream.linear.gather [hbm4b:s7+s3], $0x2710, $0x38;
	[tilespmem:$0x1DF20] =	vst v63  }
0x13: {  	_ =	swait.ge [sflag:s12], $0x2710  }
0x14: {  	[sflag:s12] =	ssyncset.done $0x0  }
0x15: {  	[sflag:s12] =	ssyncadd.s32 $0xFFFFD8F0  }
0x16: {  	[tilespmem:s13], [sflag:$0x2] =	stream.linear.gather [hbm4b:s8+s3], $0x2710, $0x38;
	[tilespmem:$0x1DF20] =	vst v63  }
0x17: {  	_ =	swait.ge [sflag:s12], $0x2710  }
0x18: {  	[sflag:s12] =	ssyncset.done $0x0  }
0x19: {  	[sflag:s12] =	ssyncadd.s32 $0xFFFFD8F0  }
0x1a: {  	s18 =	simm.s32 $0x0;
	[bflag:$0x0] =	sbarrier.arrive $0xFFFF  }
0x1b: {  	[tilespmem:s15], [sflag:$0x1] =	stream.indirect.gather [hbm4b:s4+s14], $0x20, s18, s14, $0xb8;
	[tilespmem:$0x1DF20] =	vst v63  }
0x1c: {  	_ =	swait.ge [sflag:s16], $0xA00  }
0x1d: {  	[sflag:s16] =	ssyncset.done $0x0  }
0x1e: {  	s31 =	simm.s32 $0x2710;
	[sflag:s16] =	ssyncadd.s32 $0xFFFFF600  }
0x1f: {  	[spmem:s2] =	stream.indirect.scatter.add.f32 [tilespmem:s15], [sflag:$0x2], $0x20, s31, s14, $0xb8;
	[tilespmem:$0x1DF20] =	vst v63  }
0x20: {  	_ =	swait.ge [sflag:s12], $0xA00  }
0x21: {  	s19 =	simm.s32 $0x280;
	s18 =	simm.s32 $0x140;
	[sflag:s12] =	ssyncset.done $0x0  }
.LBB2_2:
0x22: {  	s20 =	sshra.s32 s18, $0x2  }
0x23: {  	[sflag:s12] =	ssyncadd.s32 $0xFFFFF600;
	s18 =	smov.u32 s19;
	s21 =	sadd.s32 $0x140, s19  }
0x24: {  	[tilespmem:s15], [sflag:$0x1] =	stream.indirect.gather [hbm4b:s4+s14], $0x20, s20, s14, $0xb8;
	[tilespmem:$0x1DF20] =	vst v63  }
0x25: {  	p0 =	sne.s32 s19, $0x9B00;
	_ =	swait.ge [sflag:s16], $0xA00  }
.Ltmp0:
0x26: {  	[sflag:s16] =	ssyncset.done $0x0;
	(pc) =	sbr.rel @p0 .LBB2_2-.Ltmp0, $4  }
0x27: {  	s19 =	sadd.s32 $0x2710, s20;
	[sflag:s16] =	ssyncadd.s32 $0xFFFFF600  }
0x28: {  	[spmem:s2] =	stream.indirect.scatter.add.f32 [tilespmem:s15], [sflag:$0x2], $0x20, s19, s14, $0xb8;
	[tilespmem:$0x1DF20] =	vst v63  }
0x29: {  	_ =	swait.ge [sflag:s12], $0xA00  }
0x2a: {  	s19 =	smov.u32 s21;
	[sflag:s12] =	ssyncset.done $0x0  }
0x2b: {  	s18 =	sshra.s32 s18, $0x2;
	[sflag:s12] =	ssyncadd.s32 $0xFFFFF600  }
0x2c: {  	[tilespmem:s15], [sflag:$0x1] =	stream.indirect.gather [hbm4b:s4+s14], $0x20, s18, s14, $0xb8;
	[tilespmem:$0x1DF20] =	vst v63  }
0x2d: {  	_ =	swait.ge [sflag:s16], $0xA00  }
0x2e: {  	[sflag:s16] =	ssyncset.done $0x0  }
0x2f: {  	s18 =	sadd.s32 $0x2710, s18;
	[sflag:s16] =	ssyncadd.s32 $0xFFFFF600  }
0x30: {  	[spmem:s2] =	stream.indirect.scatter.add.f32 [tilespmem:s15], [sflag:$0x2], $0x20, s18, s14, $0xb8;
	[tilespmem:$0x1DF20] =	vst v63  }
0x31: {  	_ =	swait.ge [sflag:s12], $0xA00  }
0x32: {  	s17 =	sadd.s32 $0x1, s17;
	[sflag:s12] =	ssyncset.done $0x0  }
0x33: {  	p0 =	sne.s32 s17, s9;
	[sflag:s12] =	ssyncadd.s32 $0xFFFFF600  }
.Ltmp1:
0x34: {  	[bflag:$0x0] =	sbarrier.arrive $0xFFFF;
	(pc) =	sbr.rel @p0 .LBB2_1-.Ltmp1, $4  }
0x35: {  	[hbm:s10], [sflag:s6] =	dma.local [spmem:s11], $0x30E0  }
0x36: {  	_ =	swait.ge [sflag:s12], $0x30E0  }
0x37: {  	[sflag:s12] =	ssyncset.done $0x0  }
0x38: {  	[sflag:s12] =	ssyncadd.s32 $0xFFFFCF20  }
0x39: {  	_ =	sfence.sel $0x180000  }
0x3a: {  	[bflag:$0x0] =	sbarrier.arrive $0xFFFF  }
0x3b: {  	p0 =	sne.s32 s1, $0x0;
	_ =	strace $0x90000050  }
0x3c: {  	s0 =	sadd.s32 @!p0 $0x100000, s0;
	[bflag:$0x2] =	sbarrier.arrive $0xFFFF  }
0x3d: {  	[sflag:s0] =	ssyncadd.tile.s32 @!p0 $0x1;
	_ =	shalt  }
.Lfunc_end2:
_tile_overlayer_lowered:
.L_overlay_start_2:
0x3e: {  	(tag) =	ssettag $0x2  }
0x3f: {  	s0 =	rddreg [dreg:$0x0];
	s2 =	stileid.u32  }
0x40: {  	s1 =	rddreg [dreg:$0x1];
	p0 =	sne.s32 s2, $0x0  }
0x41: {  	s3 =	rddreg [dreg:$0x2];
	[bflag:$0x3] =	sbarrier.arrive $0xFFFF;
	s2 =	simm.s32 @!p0 $0x1C02  }
0x42: {  	[timem:s3], [sflag:s2] =	dma.local @!p0 [hbm:s0], s1  }
0x43: {  	s0 =	simm.s32 @!p0 $0x2  }
0x44: {  	_ =	swait.ge @!p0 [sflag:s0], s1  }
0x45: {  	s1 =	ssub.s32 @!p0 $0x0, s1;
	[sflag:s0] =	ssyncset.done @!p0 $0x0  }
0x46: {  	[sflag:s0] =	ssyncadd.s32 @!p0 s1  }
0x47: {  	[bflag:$0x3] =	sbarrier.arrive $0xFFFF  }
0x48: {  	_ =	shalt  }

// kernel: kernel.27.cloned.1.call-start
scs
__scs_entry_jumppad:
0x0: {  	(pc) =	sbr.rel $0x88, $3  }
0x1: {  	(tag) =	ssettag $0x0;
	lr =	simm.s32 $0x1  }
0x2: {  	[smem:$0x3F8A] =	sst lr;
	_ =	strace $0xD0000000  }
0x3: {  	_ = 	snop  }
0x4: {  	_ = 	snop  }
0x5: {  	_ = 	snop  }
0x6: {  	_ = 	snop  }
0x7: {  	_ = 	snop  }
__scs_overlays_trampoline_lowered:
0x8: {  	[smem:$0x3F99] =	sst s0  }
0x9: {  	[smem:$0x3F9A] =	sst s1  }
0xa: {  	[smem:$0x3F9B] =	sst s2  }
0xb: {  	[smem:$0x3F9C] =	sst s3  }
0xc: {  	[smem:$0x3F9D] =	sst s4  }
0xd: {  	[smem:$0x3F9E] =	sst s5  }
0xe: {  	[smem:$0x3F9F] =	sst s6  }
0xf: {  	[smem:$0x3FA0] =	sst s7  }
0x10: {  	[smem:$0x3FA1] =	sst s8  }
0x11: {  	[smem:$0x3FA2] =	sst s9;
	s0 =	simm.s32 @!p0 $0x0  }
0x12: {  	s1 =	sld [smem:$0x3F88];
	s0 =	simm.s32 @p0 $0x1  }
0x13: {  	[smem:$0x3FA3] =	sst s0;
	s0 =	simm.s32 @!p1 $0x0  }
0x14: {  	s2 =	sld [smem:$0x3F87];
	s0 =	simm.s32 @p1 $0x1  }
0x15: {  	[smem:$0x3FA4] =	sst s0;
	s0 =	simm.s32 @!p2 $0x0  }
0x16: {  	s3 =	sld [smem:$0x3FDB];
	s0 =	simm.s32 @p2 $0x1  }
0x17: {  	s4 =	simm.s32 $0x1BF5;
	[smem:$0x3FA6] =	sst s0  }
0x18: {  	s0 =	sld [smem:$0x3F89];
	_ =	swait.ge [sflag:s4], $0x0  }
0x19: {  	s7 =	sld [smem:$0x3F8A]  }
0x1a: {  	s8 =	sadd.s32 $0xFFFFE003, lr  }
0x1b: {  	s9 =	sadd.s32 $0xFFFFFEF7, lr;
	s5 =	simm.s32 $0xFFFFFFFF;
	p2 =	slt.u32 s8, $0xFFFFF086  }
0x1c: {  	p1 =	slt.u32 s9, $0xF7A;
	s5 =	simm.s32 @!p2 $0x0  }
0x1d: {  	s5 =	simm.s32 @p1 $0x1;
	p0 =	seq.s32 s7, s2  }
0x1e: {  	s7 =	smul.u32 @!p0 $0xF7A, s2;
	p2 =	seq.s32 @!p0 s5, $0x0  }
0x1f: {  	s9 =	smul.u32 $0xF7A, s1;
	s8 =	simm.s32 @!p0 $0x1BF5;
	p2 =	por !p2, p0  }
0x20: {  	[sflag:s8] =	ssyncset.s32 @!p0 $0xFFFFF086;
	s6 =	sadd.s32 @!p0 s3, s7;
	s7 =	simm.s32 @!p0 $0x108  }
0x21: {  	s3 =	sadd.s32 s3, s9;
	s6 =	sadd.s32 @!p0 $0x88, s6;
	s7 =	simm.s32 @p2 $0x1082  }
0x22: {  	[simem:s7], [sflag:s8] =	dma.local @!p0 [hbm:s6], $0xF7A  }
0x23: {  	s9 =	sor.u32 $0xD0000000, s2;
	s6 =	simm.s32 $0x108;
	_ =	swait.ge @!p0 [sflag:s8], $0x0  }
0x24: {  	s3 =	sadd.s32 $0x88, s3;
	s6 =	simm.s32 @!p1 $0x1082;
	[sflag:s4] =	ssyncset.s32 $0xFFFFF086  }
0x25: {  	[simem:s6], [sflag:s4] =	dma.local [hbm:s3], $0xF7A  }
0x26: {  	[smem:$0x3F8A] =	sst s1;
	(tag) =	ssettag s2;
	_ =	strace s9  }
0x27: {  	s1 =	sld [smem:$0x3F9A]  }
0x28: {  	s2 =	sld [smem:$0x3F9B]  }
0x29: {  	s4 =	sld [smem:$0x3F9D]  }
0x2a: {  	p0 =	seq.s32 s5, $0x0;
	s5 =	sld [smem:$0x3F9E]  }
0x2b: {  	s6 =	sld [smem:$0x3F9F]  }
0x2c: {  	s7 =	sld [smem:$0x3FA0]  }
0x2d: {  	s3 =	simm.s32 $0x108;
	s8 =	sld [smem:$0x3FA1]  }
0x2e: {  	s3 =	simm.s32 @!p0 $0x1082;
	s9 =	sld [smem:$0x3FA2]  }
0x2f: {  	lr =	sadd.s32 s0, s3;
	s0 =	sld [smem:$0x3F99]  }
0x30: {  	s3 =	sld [smem:$0x3F9C]  }
0x31: {  	[smem:$0x3FA5] =	sst s10  }
0x32: {  	s10 =	sld [smem:$0x3FA3];
	_ =	sdelay $0x3  }
0x33: {  	p0 =	seq.s32 s10, $0x1;
	s10 =	sld [smem:$0x3FA5];
	_ =	sdelay $0x3  }
0x34: {  	[smem:$0x3FA5] =	sst s10  }
0x35: {  	s10 =	sld [smem:$0x3FA4];
	_ =	sdelay $0x3  }
0x36: {  	p1 =	seq.s32 s10, $0x1;
	s10 =	sld [smem:$0x3FA5];
	_ =	sdelay $0x3  }
0x37: {  	[smem:$0x3FA5] =	sst s10  }
0x38: {  	s10 =	sld [smem:$0x3FA6]  }
0x39: {  	_ = 	snop;
	(pc) =	sbr.ind lr, $3  }
0x3a: {  	_ = 	snop  }
0x3b: {  	_ = 	snop  }
0x3c: {  	p2 =	seq.s32 s10, $0x1;
	s10 =	sld [smem:$0x3FA5]  }
0x3d: {  	_ =	shalt  }
0x3e: {  	_ =	shalt  }
0x3f: {  	_ =	shalt  }
0x40: {  	_ =	shalt  }
0x41: {  	_ =	shalt  }
0x42: {  	_ =	shalt  }
0x43: {  	_ =	shalt  }
0x44: {  	_ =	shalt  }
0x45: {  	_ =	shalt  }
0x46: {  	_ =	shalt  }
0x47: {  	_ =	shalt  }
0x48: {  	_ =	shalt  }
0x49: {  	_ =	shalt  }
0x4a: {  	_ =	shalt  }
0x4b: {  	_ =	shalt  }
0x4c: {  	_ =	shalt  }
0x4d: {  	_ =	shalt  }
0x4e: {  	_ =	shalt  }
0x4f: {  	_ =	shalt  }
0x50: {  	_ =	shalt  }
0x51: {  	_ =	shalt  }
0x52: {  	_ =	shalt  }
0x53: {  	_ =	shalt  }
0x54: {  	_ =	shalt  }
0x55: {  	_ =	shalt  }
0x56: {  	_ =	shalt  }
0x57: {  	_ =	shalt  }
0x58: {  	_ =	shalt  }
0x59: {  	_ =	shalt  }
0x5a: {  	_ =	shalt  }
0x5b: {  	_ =	shalt  }
0x5c: {  	_ =	shalt  }
0x5d: {  	_ =	shalt  }
0x5e: {  	_ =	shalt  }
0x5f: {  	_ =	shalt  }
0x60: {  	_ =	shalt  }
0x61: {  	_ =	shalt  }
0x62: {  	_ =	shalt  }
0x63: {  	_ =	shalt  }
0x64: {  	_ =	shalt  }
0x65: {  	_ =	shalt  }
0x66: {  	_ =	shalt  }
0x67: {  	_ =	shalt  }
0x68: {  	_ =	shalt  }
0x69: {  	_ =	shalt  }
0x6a: {  	_ =	shalt  }
0x6b: {  	_ =	shalt  }
0x6c: {  	_ =	shalt  }
0x6d: {  	_ =	shalt  }
0x6e: {  	_ =	shalt  }
0x6f: {  	_ =	shalt  }
0x70: {  	_ =	shalt  }
0x71: {  	_ =	shalt  }
0x72: {  	_ =	shalt  }
0x73: {  	_ =	shalt  }
0x74: {  	_ =	shalt  }
0x75: {  	_ =	shalt  }
0x76: {  	_ =	shalt  }
0x77: {  	_ =	shalt  }
0x78: {  	_ =	shalt  }
0x79: {  	_ =	shalt  }
0x7a: {  	_ =	shalt  }
0x7b: {  	_ =	shalt  }
0x7c: {  	_ =	shalt  }
0x7d: {  	_ =	shalt  }
0x7e: {  	_ =	shalt  }
0x7f: {  	_ =	shalt  }
0x80: {  	_ =	shalt  }
0x81: {  	_ =	shalt  }
0x82: {  	_ =	shalt  }
0x83: {  	_ =	shalt  }
0x84: {  	_ =	shalt  }
0x85: {  	_ =	shalt  }
0x86: {  	_ =	shalt  }
0x87: {  	_ =	shalt  }
.Lfunc_end0:
.L_simem_size_0:
called_computation.4_lowered:
.L_overlay_start_0:
0x88: {  	s2 =	sld [smem:$0x3FD9]  }
0x89: {  	s3 =	sld [smem:$0x3FFE];
	_ =	sdelay $0x1  }
0x8a: {  	s1 =	srdreg.scid  }
0x8b: {  	s0 =	sand.u32 $0x1, s1  }
0x8c: {  	s16 =	sshll.u32 s0, $0xA;
	s2 =	sadd.s32 s3, s2  }
0x8d: {  	s2 =	sadd.s32 s2, s16  }
0x8e: {  	[smem:$0x3FB1] =	sst s2  }
0x8f: {  	_ = 	snop  }
0x90: {  	(tm) =	ssettm $0x1  }
0x91: {  	s17 =	sld [smem:$0x3FFB];
	_ =	sdelay $0x3  }
0x92: {  	_ =	strace s17  }
0x93: {  	s2 =	sld [smem:$0x3FFC];
	_ =	sdelay $0x3  }
0x94: {  	_ =	strace s2  }
0x95: {  	s2 =	sld [smem:$0x3FFD];
	_ =	sdelay $0x3  }
0x96: {  	_ =	strace s2  }
0x97: {  	_ =	strace $0x8FFFFFFF  }
0x98: {  	s18 =	sld [smem:$0x3FDB];
	_ =	sdelay $0x1  }
0x99: {  	s19 =	simm.s32 $_scs_section_size  }
0x9a: {  	s4 =	simm.s32 $_size__tile_overlayer_lowered;
	s5 =	simm.s32 $_tile_overlayer_lowered  }
0x9b: {  	s22 =	simm.s32 $0x1BFF;
	s21 =	sshll.u32 s5, $0x1;
	s2 =	sadd.s32 s19, s18  }
0x9c: {  	s6 =	simm.s32 $0x0;
	s20 =	sshll.u32 s4, $0x1;
	s4 =	sadd.s32 s21, s2  }
0x9d: {  	[timem:s6], [sflag:s22] =	dma.local [hbm:s4], s20  }
0x9e: {  	_ =	swait.ge [sflag:s22], s20  }
0x9f: {  	s3 =	ssub.s32 $0x0, s20;
	[sflag:s22] =	ssyncset.done $0x0  }
0xa0: {  	[sflag:s22] =	ssyncadd.s32 s3;
	_ =	sdelay $0x1  }
0xa1: {  	s23 =	simm.s32 $0x1B8B  }
0xa2: {  	_ =	swait.ge [sflag:s23], $0x1  }
0xa3: {  	[sflag:s23] =	ssyncset.done $0x0  }
0xa4: {  	s25 =	simm.s32 $0x1B8E;
	s24 =	sld [smem:$0x3FFE];
	[sflag:s23] =	ssyncadd.s32 $0xFFFFFFFF  }
0xa5: {  	s26 =	simm.s32 $execute0_lowered;
	[smem:$0x3FD2] =	sst s25  }
0xa6: {  	s4 =	sshll.u32 s26, $0x1;
	_ =	strace $0x80000052;
	[dreg:$0x1] =	wrdreg $0xFFFFFFFF  }
0xa7: {  	s28 =	simm.s32 $_size_execute0_lowered;
	s2 =	sadd.s32 s2, s4;
	[dreg:$0x0] =	wrdreg $0x0  }
0xa8: {  	s4 =	sshll.u32 s28, $0x1;
	[dreg:$0x2] =	wrdreg s2  }
0xa9: {  	[dreg:$0x3] =	wrdreg s4  }
0xaa: {  	[dreg:$0x4] =	wrdreg $0xC0  }
0xab: {  	_ =	task [dreg:s6], $0x5FFFF  }
0xac: {  	[dreg:$0x1] =	wrdreg $0xFFFFFFFF  }
0xad: {  	[dreg:$0x0] =	wrdreg $0x60  }
0xae: {  	[dreg:$0x2] =	wrdreg s24  }
0xaf: {  	[dreg:$0x3] =	wrdreg $0x58200  }
0xb0: {  	[dreg:$0x4] =	wrdreg $0x9  }
0xb1: {  	_ =	task.clear_ibuf [dreg:s6], $0x5FFFF;
	_ =	strace $0x90000052  }
0xb2: {  	s29 =	simm.s32 $0x9;
	_ =	strace $0x80000054  }
0xb3: {  	_ =	swait.ge [sflag:s29], $0x1  }
0xb4: {  	[sflag:s29] =	ssyncadd.s32 $0xFFFFFFFF  }
0xb5: {  	_ =	strace $0x90000054  }
0xb6: {  	_ =	sfence  }
0xb7: {  	s30 =	sld [smem:$0x0];
	_ =	sdelay $0x2  }
0xb8: {  	s31 =	sshll.u32 s1, $0xD;
	s1 =	sshrl.u32 s1, $0x2  }
0xb9: {  	s3 =	sand.u32 $0x4000, s31;
	s1 =	sadd.s32 s1, s30  }
0xba: {  	s0 =	sor.u32 s3, s0;
	s1 =	sshll.u32 s1, $0x11  }
0xbb: {  	s0 =	sor.u32 s1, s0  }
0xbc: {  	s0 =	sadd.s32 $0x8F2B, s0  }
0xbd: {  	[sflag:s0] =	ssyncadd.remote.s32 $0x1  }
0xbe: {  	_ =	sfence.sel $0xFFFF  }
0xbf: {  	[dreg:$0x0] =	wrdreg $0xFFFFFFFF;
	(pc) =	sbr.abs _section_cstart, $3  }
0xc0: {  	[dreg:$0x1] =	wrdreg $0xFFFFFFFF  }
0xc1: {  	_ =	task.clear_ibuf [dreg:s6], $0x2FFFF;
	_ =	strace $0x9FFFFFFF  }
0xc2: {  	(tm) =	ssettm $0x7FFFFFFF  }
0xc3: {  	_ =	shalt  }
tec
execute0_lowered:
.L_overlay_start_1:
0x0: {  	(tag) =	ssettag $0x1  }
0x1: {  	s0 =	srdreg.scid;
	s9 =	rddreg [dreg:$0x0]  }
0x2: {  	s2 =	rddreg [dreg:$0x1];
	s1 =	stileid.u32;
	s3 =	simm.s32 $0x0  }
0x3: {  	s13 =	simm.s32 $0xEC400;
	s14 =	simm.s32 $0x50;
	s15 =	simm.s32 $0x4E20  }
0x4: {  	s16 =	simm.s32 $0x1;
	s6 =	sand.u32 $0x1, s0;
	s0 =	rddreg [dreg:$0x2]  }
0x5: {  	s17 =	simm.s32 $0x0;
	[smem:$0x7FF] =	sst s3;
	s10 =	smul.u32 $0x18700, s1  }
0x6: {  	s31 =	sshll.u32 s1, $0x6;
	s4 =	sshll.u32 s6, $0x4;
	_ =	strace $0x80000053  }
0x7: {  	s7 =	ssub.s32 $0x2, s6;
	p0 =	seq.s32 s6, $0x1;
	s6 =	sor.u32 $0x1C02, s31  }
0x8: {  	s4 =	sor.u32 s1, s4;
	s11 =	sshrl.u32 s7, $0x1;
	s12 =	sadd.s32 s10, s2  }
0x9: {  	s13 =	simm.s32 @!p0 $0xBB600;
	s10 =	sshrl.u32 s10, $0x3;
	s5 =	smul.u32 $0x4E2, s4  }
0xa: {  	s4 =	sadd.s32 $0x8A800, s9;
	s11 =	ssub.s32 s7, s11;
	s13 =	sadd.s32 s13, s9  }
0xb: {  	s10 =	sadd.s32 s13, s10;
	s13 =	simm.s32 $0x2710;
	s8 =	sadd.s32 s5, s9  }
0xc: {  	s5 =	sadd.s32 $0x8A00, s9;
	s9 =	smax.u32 s11, $0x1;
	s11 =	sshrl.u32 s12, $0x3  }
0xd: {  	s12 =	simm.s32 $0x2;
	s7 =	sadd.s32 $0x4EE00, s8;
	s8 =	sadd.s32 $0x58C00, s8  }
.LBB2_1:
0xe: {  	[spmem:s11], [sflag:s6] =	dma.local [hbm:s5], $0x30E0  }
0xf: {  	_ =	swait.ge [sflag:s12], $0x30E0  }
0x10: {  	[sflag:s12] =	ssyncset.done $0x0  }
0x11: {  	[sflag:s12] =	ssyncadd.s32 $0xFFFFCF20  }
0x12: {  	[tilespmem:s3], [sflag:$0x2] =	stream.linear.gather [hbm4b:s7+s3], $0x2710, $0x38;
	[tilespmem:$0x1DF20] =	vst v63  }
0x13: {  	_ =	swait.ge [sflag:s12], $0x2710  }
0x14: {  	[sflag:s12] =	ssyncset.done $0x0  }
0x15: {  	[sflag:s12] =	ssyncadd.s32 $0xFFFFD8F0  }
0x16: {  	[tilespmem:s13], [sflag:$0x2] =	stream.linear.gather [hbm4b:s8+s3], $0x2710, $0x38;
	[tilespmem:$0x1DF20] =	vst v63  }
0x17: {  	_ =	swait.ge [sflag:s12], $0x2710  }
0x18: {  	[sflag:s12] =	ssyncset.done $0x0  }
0x19: {  	[sflag:s12] =	ssyncadd.s32 $0xFFFFD8F0  }
0x1a: {  	s18 =	simm.s32 $0x0;
	[bflag:$0x0] =	sbarrier.arrive $0xFFFF  }
0x1b: {  	[tilespmem:s15], [sflag:$0x1] =	stream.indirect.gather [hbm4b:s4+s14], $0x20, s18, s14, $0xb8;
	[tilespmem:$0x1DF20] =	vst v63  }
0x1c: {  	_ =	swait.ge [sflag:s16], $0xA00  }
0x1d: {  	[sflag:s16] =	ssyncset.done $0x0  }
0x1e: {  	s31 =	simm.s32 $0x2710;
	[sflag:s16] =	ssyncadd.s32 $0xFFFFF600  }
0x1f: {  	[spmem:s2] =	stream.indirect.scatter.add.f32 [tilespmem:s15], [sflag:$0x2], $0x20, s31, s14, $0xb8;
	[tilespmem:$0x1DF20] =	vst v63  }
0x20: {  	_ =	swait.ge [sflag:s12], $0xA00  }
0x21: {  	s19 =	simm.s32 $0x280;
	s18 =	simm.s32 $0x140;
	[sflag:s12] =	ssyncset.done $0x0  }
.LBB2_2:
0x22: {  	s20 =	sshra.s32 s18, $0x2  }
0x23: {  	[sflag:s12] =	ssyncadd.s32 $0xFFFFF600;
	s18 =	smov.u32 s19;
	s21 =	sadd.s32 $0x140, s19  }
0x24: {  	[tilespmem:s15], [sflag:$0x1] =	stream.indirect.gather [hbm4b:s4+s14], $0x20, s20, s14, $0xb8;
	[tilespmem:$0x1DF20] =	vst v63  }
0x25: {  	p0 =	sne.s32 s19, $0x9B00;
	_ =	swait.ge [sflag:s16], $0xA00  }
.Ltmp0:
0x26: {  	[sflag:s16] =	ssyncset.done $0x0;
	(pc) =	sbr.rel @p0 .LBB2_2-.Ltmp0, $4  }
0x27: {  	s19 =	sadd.s32 $0x2710, s20;
	[sflag:s16] =	ssyncadd.s32 $0xFFFFF600  }
0x28: {  	[spmem:s2] =	stream.indirect.scatter.add.f32 [tilespmem:s15], [sflag:$0x2], $0x20, s19, s14, $0xb8;
	[tilespmem:$0x1DF20] =	vst v63  }
0x29: {  	_ =	swait.ge [sflag:s12], $0xA00  }
0x2a: {  	s19 =	smov.u32 s21;
	[sflag:s12] =	ssyncset.done $0x0  }
0x2b: {  	s18 =	sshra.s32 s18, $0x2;
	[sflag:s12] =	ssyncadd.s32 $0xFFFFF600  }
0x2c: {  	[tilespmem:s15], [sflag:$0x1] =	stream.indirect.gather [hbm4b:s4+s14], $0x20, s18, s14, $0xb8;
	[tilespmem:$0x1DF20] =	vst v63  }
0x2d: {  	_ =	swait.ge [sflag:s16], $0xA00  }
0x2e: {  	[sflag:s16] =	ssyncset.done $0x0  }
0x2f: {  	s18 =	sadd.s32 $0x2710, s18;
	[sflag:s16] =	ssyncadd.s32 $0xFFFFF600  }
0x30: {  	[spmem:s2] =	stream.indirect.scatter.add.f32 [tilespmem:s15], [sflag:$0x2], $0x20, s18, s14, $0xb8;
	[tilespmem:$0x1DF20] =	vst v63  }
0x31: {  	_ =	swait.ge [sflag:s12], $0xA00  }
0x32: {  	s17 =	sadd.s32 $0x1, s17;
	[sflag:s12] =	ssyncset.done $0x0  }
0x33: {  	p0 =	sne.s32 s17, s9;
	[sflag:s12] =	ssyncadd.s32 $0xFFFFF600  }
.Ltmp1:
0x34: {  	[bflag:$0x0] =	sbarrier.arrive $0xFFFF;
	(pc) =	sbr.rel @p0 .LBB2_1-.Ltmp1, $4  }
0x35: {  	[hbm:s10], [sflag:s6] =	dma.local [spmem:s11], $0x30E0  }
0x36: {  	_ =	swait.ge [sflag:s12], $0x30E0  }
0x37: {  	[sflag:s12] =	ssyncset.done $0x0  }
0x38: {  	[sflag:s12] =	ssyncadd.s32 $0xFFFFCF20  }
0x39: {  	_ =	sfence.sel $0x180000  }
0x3a: {  	[bflag:$0x0] =	sbarrier.arrive $0xFFFF  }
0x3b: {  	p0 =	sne.s32 s1, $0x0;
	_ =	strace $0x90000053  }
0x3c: {  	s0 =	sadd.s32 @!p0 $0x100000, s0;
	[bflag:$0x2] =	sbarrier.arrive $0xFFFF  }
0x3d: {  	[sflag:s0] =	ssyncadd.tile.s32 @!p0 $0x1;
	_ =	shalt  }
.Lfunc_end2:
_tile_overlayer_lowered:
.L_overlay_start_2:
0x3e: {  	(tag) =	ssettag $0x2  }
0x3f: {  	s0 =	rddreg [dreg:$0x0];
	s2 =	stileid.u32  }
0x40: {  	s1 =	rddreg [dreg:$0x1];
	p0 =	sne.s32 s2, $0x0  }
0x41: {  	s3 =	rddreg [dreg:$0x2];
	[bflag:$0x3] =	sbarrier.arrive $0xFFFF;
	s2 =	simm.s32 @!p0 $0x1C02  }
0x42: {  	[timem:s3], [sflag:s2] =	dma.local @!p0 [hbm:s0], s1  }
0x43: {  	s0 =	simm.s32 @!p0 $0x2  }
0x44: {  	_ =	swait.ge @!p0 [sflag:s0], s1  }
0x45: {  	s1 =	ssub.s32 @!p0 $0x0, s1;
	[sflag:s0] =	ssyncset.done @!p0 $0x0  }
0x46: {  	[sflag:s0] =	ssyncadd.s32 @!p0 s1  }
0x47: {  	[bflag:$0x3] =	sbarrier.arrive $0xFFFF  }
0x48: {  	_ =	shalt  }

</sc_bundles>
